<compile_context>
chip_gen: v7x
topology: tpu7x:2x2x1
jax: 0.10.2.dev20260603
libtpu: 0.0.44.dev20260713+nightly
codegen_flags: <defaults>
</compile_context>

<pallas_src>
import jax
import jax.numpy as jnp
from jax import lax
from jax.experimental import pallas as pl
from jax.experimental.pallas import tpu as pltpu
from jax.experimental.pallas import tpu_sc as plsc

_F32 = jnp.float32
_HW = 4096


def _router_body(tok_ref, w1_ref, b1_ref, w2_ref, b2_ref, out_ref):
    x = tok_ref[...]
    h = jnp.dot(x, w1_ref[...], preferred_element_type=_F32) + b1_ref[...]
    h = jnp.maximum(h, 0.0)
    logits = jnp.dot(h, w2_ref[...], preferred_element_type=_F32) + b2_ref[...]
    m = jnp.max(logits, axis=-1, keepdims=True)
    e = jnp.exp(logits - m)
    p = e / jnp.sum(e, axis=-1, keepdims=True)
    out_ref[...] = jnp.concatenate(
        [p, jnp.full((8, 8), -1.0, _F32)], axis=1)


def _run_router(tok2, g1wt, g1b, g2wt, g2b):
    return pl.pallas_call(
        _router_body,
        out_shape=jax.ShapeDtypeStruct((8, 16), _F32),
    )(tok2, g1wt, g1b, g2wt, g2b)


def _sc_shuffle(r, perm):
    dnums = lax.GatherDimensionNumbers(
        offset_dims=(), collapsed_slice_dims=(0,), start_index_map=(0,))
    return lax.gather(r, perm[:, None], dnums, (1,),
                      mode=lax.GatherScatterMode.PROMISE_IN_BOUNDS)


def _sc_maxtree(r, lanes):
    for s in (1, 2, 4, 8):
        r = jnp.maximum(r, _sc_shuffle(r, lanes ^ s))
    return r


def _sc_mintree(r, lanes):
    for s in (1, 2, 4, 8):
        r = jnp.minimum(r, _sc_shuffle(r, lanes ^ s))
    return r


def _topk_sc_body(probs_hbm, idx_hbm, val_hbm, load_hbm, pv, idxv, valv, loadv):
    cid = lax.axis_index("c")
    sid = lax.axis_index("s")

    @pl.when(jnp.logical_and(cid == 0, sid == 0))
    def _():
        pltpu.sync_copy(probs_hbm, pv)
        lanes = lax.iota(jnp.int32, 16)
        idxa = jnp.zeros((16,), jnp.int32)
        vala = jnp.zeros((16,), _F32)
        loada = jnp.zeros((16,), _F32)
        for b in range(8):
            row = pv[b]
            v1 = _sc_maxtree(row, lanes)
            i1 = _sc_mintree(jnp.where(row == v1, lanes, 16), lanes)
            row2 = jnp.where(lanes == i1, -2.0, row)
            v2 = _sc_maxtree(row2, lanes)
            i2 = _sc_mintree(jnp.where(row2 == v2, lanes, 16), lanes)
            idxa = jnp.where(lanes == 2 * b, i1, idxa)
            idxa = jnp.where(lanes == 2 * b + 1, i2, idxa)
            vala = jnp.where(lanes == 2 * b, v1, vala)
            vala = jnp.where(lanes == 2 * b + 1, v2, vala)
            loada = loada + jnp.where(lanes == i1, v1, 0.0)
            loada = loada + jnp.where(lanes == i2, v2, 0.0)
        idxv[...] = idxa
        valv[...] = vala
        loadv[...] = loada
        pltpu.sync_copy(idxv, idx_hbm)
        pltpu.sync_copy(valv, val_hbm)
        pltpu.sync_copy(loadv, load_hbm)


def _run_topk(probs_pad):
    mesh = plsc.VectorSubcoreMesh(core_axis_name="c", subcore_axis_name="s")
    fn = pl.kernel(
        _topk_sc_body,
        out_type=[
            jax.ShapeDtypeStruct((16,), jnp.int32),
            jax.ShapeDtypeStruct((16,), _F32),
            jax.ShapeDtypeStruct((16,), _F32),
        ],
        mesh=mesh,
        scratch_types=[
            pltpu.VMEM((8, 16), _F32),
            pltpu.VMEM((16,), jnp.int32),
            pltpu.VMEM((16,), _F32),
            pltpu.VMEM((16,), _F32),
        ],
    )
    return fn(probs_pad)


def _mk_xr(x, cin):
    x = x.astype(jnp.bfloat16)
    z64 = jnp.zeros((cin, 64), jnp.bfloat16)
    return jnp.concatenate([
        jnp.concatenate([z64, x[:, : _HW - 64]], axis=1),
        x,
        jnp.concatenate([x[:, 64:], z64], axis=1),
    ], axis=0)


def _conv3x3(xr, wref, b, act):
    zall = jnp.dot(wref, xr, preferred_element_type=_F32)
    cout = zall.shape[0] // 3
    z0 = zall[:cout]
    z1 = zall[cout:2 * cout]
    z2 = zall[2 * cout:]
    zc = jnp.zeros((cout, 1), _F32)
    wpos = lax.broadcasted_iota(jnp.int32, (1, _HW), 1) % 64
    y = z1 + b
    y = y + jnp.where(wpos != 0,
                      jnp.concatenate([zc, z0[:, : _HW - 1]], axis=1), 0.0)
    y = y + jnp.where(wpos != 63,
                      jnp.concatenate([z2[:, 1:], zc], axis=1), 0.0)
    return jnp.maximum(y, 0.0) if act else y


def _lnorm(x, g, b):
    m = jnp.mean(x, axis=-1, keepdims=True)
    v = jnp.mean((x - m) * (x - m), axis=-1, keepdims=True)
    return (x - m) / jnp.sqrt(v + 1e-5) * g + b


def _moe_body(e_sref, v_sref,
              feat_ref, w1, b1, w2, b2, w3, b3, w4, b4,
              ttw, ttb, vw, vb, ow, ob, f1w, f1b, f2w, f2b,
              l1g, l1b, l2g, l2b, ftw, ftb, pm, m64, vals3,
              out_ref, ent_ref, acc_ref):
    i = pl.program_id(0)
    x = feat_ref[0]
    xr1 = _mk_xr(x, 96)

    def _one_expert(e, wgt):
        te = e // 2
        h0 = _conv3x3(xr1, w1[e], b1[e], True)
        h1 = _conv3x3(_mk_xr(h0, 48), w2[e], b2[e], True)
        h2 = _conv3x3(_mk_xr(h1, 48), w3[e], b3[e], False)
        h3 = jnp.maximum(h2 + h0, 0.0)
        out = _conv3x3(_mk_xr(h3, 48), w4[e], b4[e], False)
        acc_ref[...] = out

        @pl.when(e % 2 == 0)
        def _token_branch():
            pooled = jnp.dot(out.astype(jnp.bfloat16), pm[...],
                             preferred_element_type=_F32)
            tb = lax.dot_general(pooled.astype(jnp.bfloat16), ttw[te],
                                 (((1,), (1,)), ((0,), (0,))),
                                 preferred_element_type=_F32)
            t = jnp.sum(tb, axis=0, keepdims=True) + ttb[te]
            v = jnp.dot(t, vw[te], preferred_element_type=_F32) + vb[te]
            ao = jnp.dot(v, ow[te], preferred_element_type=_F32) + ob[te]
            x1 = _lnorm(t + ao, l1g[te], l1b[te])
            ffh = jnp.maximum(
                jnp.dot(x1, f1w[te], preferred_element_type=_F32) + f1b[te],
                0.0)
            ff = jnp.dot(ffh, f2w[te], preferred_element_type=_F32) + f2b[te]
            x2 = _lnorm(x1 + ff, l2g[te], l2b[te])
            x2b = jnp.broadcast_to(x2.astype(jnp.bfloat16), (96, 128))
            tt3 = lax.dot_general(x2b, ftw[te], (((1,), (2,)), ((0,), (0,))),
                                  preferred_element_type=_F32) + ftb[te]
            up = jnp.dot(tt3.astype(jnp.bfloat16), m64[...],
                         preferred_element_type=_F32)
            acc_ref[...] = out + up

        return acc_ref[...] * wgt

    c0 = _one_expert(e_sref[2 * i], v_sref[2 * i])
    c1 = _one_expert(e_sref[2 * i + 1], v_sref[2 * i + 1])
    out_ref[0] = x + c0 + c1

    @pl.when(i == 0)
    def _entropy():
        vv = vals3[0]
        ent_ref[...] = -jnp.sum(vv * jnp.log(vv + 1e-9), axis=1,
                                keepdims=True) / 8.0


def _run_experts(e16, v16, featf, conv_args, tok_args, pm, m64, vals3):
    def _feat_map(i, eref, vref):
        return (i, 0, 0)

    def _const2(i, eref, vref):
        return (0, 0)

    def _const3(i, eref, vref):
        return (0, 0, 0)

    def _const4(i, eref, vref):
        return (0, 0, 0, 0)

    def _full(a):
        imap = {2: _const2, 3: _const3, 4: _const4}[a.ndim]
        return pl.BlockSpec(a.shape, imap)

    in_specs = [pl.BlockSpec((1, 96, _HW), _feat_map)]
    in_specs += [_full(a) for a in conv_args]
    in_specs += [_full(a) for a in tok_args]
    in_specs += [_full(pm), _full(m64), _full(vals3)]

    grid_spec = pltpu.PrefetchScalarGridSpec(
        num_scalar_prefetch=2,
        grid=(8,),
        in_specs=in_specs,
        out_specs=[
            pl.BlockSpec((1, 96, _HW), _feat_map),
            pl.BlockSpec((1, 1), _const2),
        ],
        scratch_shapes=[pltpu.VMEM((96, _HW), _F32)],
    )
    return pl.pallas_call(
        _moe_body,
        grid_spec=grid_spec,
        out_shape=[
            jax.ShapeDtypeStruct((8, 96, _HW), _F32),
            jax.ShapeDtypeStruct((1, 1), _F32),
        ],
        compiler_params=pltpu.CompilerParams(
            dimension_semantics=("arbitrary",)),
    )(e16, v16, featf, *conv_args, *tok_args, pm, m64, vals3)


def _stack_conv(plist, name):
    w = jnp.stack([p[name + "W"] for p in plist])
    g = jnp.stack([p[name + "g"] for p in plist])
    bb = jnp.stack([p[name + "b"] for p in plist])
    be = jnp.stack([p[name + "be"] for p in plist])
    inv = 1.0 / jnp.sqrt(jnp.float32(1.0 + 1e-5))
    s = g * inv
    w = (w * s[:, :, None, None, None]).astype(jnp.bfloat16)
    bias = s * bb + be
    cout, cin = w.shape[1], w.shape[2]
    w = w.transpose(0, 4, 1, 3, 2).reshape(8, 3 * cout, 3 * cin)
    return w, bias.reshape(8, cout, 1)


def _pool_resize_mats():
    p1 = (jnp.arange(64)[:, None] // 8 == jnp.arange(8)[None, :])
    p1 = p1.astype(_F32) / 8.0
    pm = jnp.einsum("ha,wb->hwab", p1, p1).reshape(_HW, 64)
    a64 = jax.image.resize(jnp.eye(8, dtype=_F32), (8, 64), method="bilinear")
    m64 = jnp.einsum("yi,xj->yxij", a64, a64).reshape(64, _HW)
    return pm, m64


def kernel(feat, tokens, params):
    bsz = feat.shape[0]
    ex = params["experts"]
    even = [ex[e] for e in range(0, 8, 2)]

    tok2 = tokens.reshape(bsz, -1)
    probs_pad = _run_router(
        tok2,
        params["g1W"].T,
        params["g1b"].reshape(1, -1),
        params["g2W"].T,
        params["g2b"].reshape(1, -1),
    )

    idx16, val16, load16 = _run_topk(probs_pad)

    conv_args = []
    for name in ("c1", "r1", "r2", "c3"):
        w, b = _stack_conv(ex, name)
        conv_args += [w, b]

    ttw = jnp.stack([p["ttW"].astype(jnp.bfloat16).reshape(128, 96, 64)
                     .transpose(1, 2, 0) for p in even])
    ftw = jnp.stack([p["ftW"].astype(jnp.bfloat16).reshape(96, 64, 128)
                     for p in even])
    tok_args = [
        ttw,
        jnp.stack([p["ttb"] for p in even]).reshape(4, 1, 128),
        jnp.stack([p["inW"][256:384].T for p in even]),
        jnp.stack([p["inb"][256:384] for p in even]).reshape(4, 1, 128),
        jnp.stack([p["outW"].T for p in even]),
        jnp.stack([p["outb"] for p in even]).reshape(4, 1, 128),
        jnp.stack([p["ff1W"].T for p in even]),
        jnp.stack([p["ff1b"] for p in even]).reshape(4, 1, 256),
        jnp.stack([p["ff2W"].T for p in even]),
        jnp.stack([p["ff2b"] for p in even]).reshape(4, 1, 128),
        jnp.stack([p["ln1g"] for p in even]).reshape(4, 1, 128),
        jnp.stack([p["ln1b"] for p in even]).reshape(4, 1, 128),
        jnp.stack([p["ln2g"] for p in even]).reshape(4, 1, 128),
        jnp.stack([p["ln2b"] for p in even]).reshape(4, 1, 128),
        ftw,
        jnp.stack([p["ftb"] for p in even]).reshape(4, 96, 64),
    ]

    pm, m64 = _pool_resize_mats()
    pm = pm.astype(jnp.bfloat16)
    m64 = m64.astype(jnp.bfloat16)
    featf = feat.reshape(bsz, 96, _HW)
    vals3 = val16.reshape(1, 1, 16)

    outf, ent = _run_experts(idx16, val16, featf, conv_args, tok_args,
                             pm, m64, vals3)

    outputs = outf.reshape(bsz, 96, 64, 64)
    load = load16[:8]
    return outputs, load, ent.reshape(()), idx16.reshape(8, 2)

# --- scband reference (transcript-rebuilt; emitter-appended) ---
"""Pipeline reference for scband-mo-eroute-block-25872882991979 (READ-ONLY COPY).

The authoritative reference and input builder live on the scoring server;
editing this copy changes nothing except your own understanding.
"""

import jax, jax.numpy as jnp
import numpy as np
from jax import lax

IN_CH = 96
MID = 48
E = 8
K = 2
TOK_D = 128
N_TOK = 4
TEMP = 1.0
B = 8
H = 64
W = 64


def _n(k, s):
    return jax.random.normal(k, s, dtype=jnp.float32) * 0.02


def _expert_params(key, use_t):
    ks = jax.random.split(key, 16)
    p = {
        'c1W': _n(ks[0], (MID, IN_CH, 3, 3)), 'c1b': jnp.zeros((MID,)), 'c1g': jnp.ones((MID,)), 'c1be': jnp.zeros((MID,)),
        'r1W': _n(ks[1], (MID, MID, 3, 3)), 'r1b': jnp.zeros((MID,)), 'r1g': jnp.ones((MID,)), 'r1be': jnp.zeros((MID,)),
        'r2W': _n(ks[2], (MID, MID, 3, 3)), 'r2b': jnp.zeros((MID,)), 'r2g': jnp.ones((MID,)), 'r2be': jnp.zeros((MID,)),
        'c3W': _n(ks[3], (IN_CH, MID, 3, 3)), 'c3b': jnp.zeros((IN_CH,)), 'c3g': jnp.ones((IN_CH,)), 'c3be': jnp.zeros((IN_CH,)),
    }
    if use_t:
        D = IN_CH * 64
        p.update({
            'ttW': _n(ks[4], (TOK_D, D)), 'ttb': jnp.zeros((TOK_D,)),
            'inW': _n(ks[5], (3 * TOK_D, TOK_D)), 'inb': jnp.zeros((3 * TOK_D,)),
            'outW': _n(ks[6], (TOK_D, TOK_D)), 'outb': jnp.zeros((TOK_D,)),
            'ff1W': _n(ks[7], (2 * TOK_D, TOK_D)), 'ff1b': jnp.zeros((2 * TOK_D,)),
            'ff2W': _n(ks[8], (TOK_D, 2 * TOK_D)), 'ff2b': jnp.zeros((TOK_D,)),
            'ln1g': jnp.ones((TOK_D,)), 'ln1b': jnp.zeros((TOK_D,)),
            'ln2g': jnp.ones((TOK_D,)), 'ln2b': jnp.zeros((TOK_D,)),
            'ftW': _n(ks[9], (D, TOK_D)), 'ftb': jnp.zeros((D,)),
        })
    return p


def setup_inputs(seed=0):
    key = jax.random.key(seed)
    kf, kt, kp = jax.random.split(key, 3)
    feat = jax.random.normal(kf, (B, IN_CH, H, W), dtype=jnp.float32)
    tokens = jax.random.normal(kt, (B, N_TOK, TOK_D), dtype=jnp.float32)
    pk = jax.random.split(kp, E + 2)
    params = {
        'experts': [_expert_params(pk[e], e % 2 == 0) for e in range(E)],
        'g1W': _n(pk[E], (TOK_D, TOK_D * N_TOK)), 'g1b': jnp.zeros((TOK_D,)),
        'g2W': _n(pk[E + 1], (E, TOK_D)), 'g2b': jnp.zeros((E,)),
    }
    return {'feat': feat, 'tokens': tokens, 'params': params}


def _conv_bn(x, Wt, b, g, be, act):
    y = lax.conv_general_dilated(x, Wt, (1, 1), ((1, 1), (1, 1)),
                                 dimension_numbers=('NCHW', 'OIHW', 'NCHW'))
    y = y + b[None, :, None, None]
    # BatchNorm in inference mode with running_mean=0, running_var=1
    y = g[None, :, None, None] * (y / jnp.sqrt(1.0 + 1e-5)) + be[None, :, None, None]
    return jax.nn.relu(y) if act else y


def _ln(x, g, b):
    m = x.mean(-1, keepdims=True)
    v = x.var(-1, keepdims=True)
    return (x - m) / jnp.sqrt(v + 1e-5) * g + b


def _expert(feat, p, use_t):
    out = _conv_bn(feat, p['c1W'], p['c1b'], p['c1g'], p['c1be'], True)
    r = _conv_bn(out, p['r1W'], p['r1b'], p['r1g'], p['r1be'], True)
    r = _conv_bn(r, p['r2W'], p['r2b'], p['r2g'], p['r2be'], False)
    out = jax.nn.relu(r + out)
    out = _conv_bn(out, p['c3W'], p['c3b'], p['c3g'], p['c3be'], False)
    if use_t:
        Bb, C, Hh, Ww = out.shape
        pooled = out.reshape(Bb, C, 8, Hh // 8, 8, Ww // 8).mean(axis=(3, 5)).reshape(Bb, -1)
        t = pooled @ p['ttW'].T + p['ttb']
        t = t[:, None, :]
        qkv = t @ p['inW'].T + p['inb']
        q, k, v = jnp.split(qkv, 3, axis=-1)
        nh = 4
        dh = TOK_D // nh
        def sh(a):
            return a.reshape(Bb, 1, nh, dh).transpose(0, 2, 1, 3)
        qh, kh, vh = sh(q), sh(k), sh(v)
        sc = jnp.einsum('bhqd,bhkd->bhqk', qh, kh) / jnp.sqrt(float(dh))
        at = jax.nn.softmax(sc, axis=-1)
        ao = jnp.einsum('bhqk,bhkd->bhqd', at, vh).transpose(0, 2, 1, 3).reshape(Bb, 1, TOK_D)
        ao = ao @ p['outW'].T + p['outb']
        x = _ln(t + ao, p['ln1g'], p['ln1b'])
        ff = jax.nn.relu(x @ p['ff1W'].T + p['ff1b']) @ p['ff2W'].T + p['ff2b']
        x = _ln(x + ff, p['ln2g'], p['ln2b'])
        tt = x[:, 0, :] @ p['ftW'].T + p['ftb']
        tt = tt.reshape(Bb, C, 8, 8)
        tt = jax.image.resize(tt, (Bb, C, Hh, Ww), method='bilinear')
        out = out + tt
    return out


def _forward(feat, tokens, params):
    Bb = feat.shape[0]
    x = tokens.reshape(Bb, -1)
    h = jax.nn.relu(x @ params['g1W'].T + params['g1b'])
    logits = h @ params['g2W'].T + params['g2b']
    probs = jax.nn.softmax(logits / TEMP, axis=-1)
    vals, idx = lax.top_k(probs, K)
    R = jnp.zeros_like(probs).at[jnp.arange(Bb)[:, None], idx].set(vals)
    outputs = jnp.zeros_like(feat)
    for e in range(E):
        out_e = _expert(feat, params['experts'][e], e % 2 == 0)
        outputs = outputs + out_e * R[:, e][:, None, None, None]
    outputs = outputs + feat
    load = R.sum(axis=0)
    ent = -(R * jnp.log(R + 1e-9)).sum(axis=-1).mean()
    return outputs, load, ent, idx


def reference(feat, tokens, params):
    return _forward(feat, tokens, params)

if __name__ == "__main__":
    import jax
    _d = setup_inputs()
    print(jax.jit(kernel)(*tuple(_d.values())))

</pallas_src>

<mosaic_0001>
#map = affine_map<(d0, d1) -> (0, 0)>
#map1 = affine_map<(d0, d1) -> (0)>
module attributes {stable_mosaic.version = 14 : i64} {
  func.func @_topk_sc_body(%arg0: i32, %arg1: i32, %arg2: memref<8x16xf32, #tpu.memory_space<hbm>>, %arg3: memref<16xi32, #tpu.memory_space<hbm>>, %arg4: memref<16xf32, #tpu.memory_space<hbm>>, %arg5: memref<16xf32, #tpu.memory_space<hbm>>, %arg6: memref<8x16xf32, #tpu.memory_space<vmem>>, %arg7: memref<16xi32, #tpu.memory_space<vmem>>, %arg8: memref<16xf32, #tpu.memory_space<vmem>>, %arg9: memref<16xf32, #tpu.memory_space<vmem>>) attributes {dimension_semantics = [#tpu.dimension_semantics<core_parallel>, #tpu.dimension_semantics<subcore_parallel>], iteration_bounds = array<i64: 2, 16>, scalar_prefetch = 0 : i64, scratch_operands = 4 : i64, tpu.core_type = #tpu.core_type<sc_vector_subcore>, window_params = [{transform_indices = #map}, {transform_indices = #map1}, {transform_indices = #map1}, {transform_indices = #map1}]} {
    %eq3A = arith.constant 0 : i32
    %eq3A_0 = arith.cmpi eq, %arg0, %eq3A : i32
    %eq3A_1 = arith.constant 0 : i32
    %eq3A_2 = arith.cmpi eq, %arg1, %eq3A_1 : i32
    %and3A = arith.andi %eq3A_0, %eq3A_2 : i1
    %convert_element_type3A = arith.extui %and3A : i1 to i32
    %cond3A = arith.constant 0 : i32
    %cond3A_3 = arith.cmpi ne, %convert_element_type3A, %cond3A : i32
    scf.if %cond3A_3 {
      "tpu.region"() ({
        %run_scoped3A = tpu.sem_alloc : memref<!tpu.dma_semaphore, #tpu.memory_space<semaphore_mem>>
        tpu.enqueue_dma source(%arg2 : memref<8x16xf32, #tpu.memory_space<hbm>>) target(%arg6 : memref<8x16xf32, #tpu.memory_space<vmem>>) target_semaphore(%run_scoped3A : memref<!tpu.dma_semaphore, #tpu.memory_space<semaphore_mem>>)
        tpu.wait_dma2 semaphore(%run_scoped3A : memref<!tpu.dma_semaphore, #tpu.memory_space<semaphore_mem>>) src(%arg2 : memref<8x16xf32, #tpu.memory_space<hbm>>) dst(%arg6 : memref<8x16xf32, #tpu.memory_space<vmem>>)
        tpu.yield
      }) : () -> ()
      %iota3A = tpu.iota {dimensions = array<i32: 0>} : vector<16xi32>
      %broadcast_in_dim3A = arith.constant 0 : i32
      %broadcast_in_dim3A_4 = vector.broadcast %broadcast_in_dim3A : i32 to vector<16xi32>
      %broadcast_in_dim3A_5 = arith.constant 0.000000e+00 : f32
      %broadcast_in_dim3A_6 = vector.broadcast %broadcast_in_dim3A_5 : f32 to vector<16xf32>
      %broadcast_in_dim3A_7 = arith.constant 0.000000e+00 : f32
      %broadcast_in_dim3A_8 = vector.broadcast %broadcast_in_dim3A_7 : f32 to vector<16xf32>
      %get3A = arith.constant 0 : i32
      %get3A_9 = arith.index_cast %get3A : i32 to index
      %get3A_10 = arith.constant 0 : index
      %get3A_11 = tpu.vector_load %arg6[%get3A_9, %get3A_10] {strides = array<i32>} : memref<8x16xf32, #tpu.memory_space<vmem>>, vector<1x16xf32>,
      %get3A_12 = vector.shape_cast %get3A_11 : vector<1x16xf32> to vector<16xf32>
      %xor3A = arith.constant 1 : i32
      %xor3A_13 = vector.broadcast %xor3A : i32 to vector<16xi32>
      %xor3A_14 = arith.xori %iota3A, %xor3A_13 : vector<16xi32>
      %broadcast_in_dim3A_15 = vector.shape_cast %xor3A_14 : vector<16xi32> to vector<16x1xi32>
      %gather3A = vector.shape_cast %broadcast_in_dim3A_15 : vector<16x1xi32> to vector<16xi32>
      %gather3A_16 = tpu.dynamic_gather %get3A_12[%gather3A] in [0] : vector<16xf32>, vector<16xi32> -> vector<16xf32>
      %max3A = arith.maximumf %get3A_12, %gather3A_16 : vector<16xf32>
      %xor3A_17 = arith.constant 2 : i32
      %xor3A_18 = vector.broadcast %xor3A_17 : i32 to vector<16xi32>
      %xor3A_19 = arith.xori %iota3A, %xor3A_18 : vector<16xi32>
      %broadcast_in_dim3A_20 = vector.shape_cast %xor3A_19 : vector<16xi32> to vector<16x1xi32>
      %gather3A_21 = vector.shape_cast %broadcast_in_dim3A_20 : vector<16x1xi32> to vector<16xi32>
      %gather3A_22 = tpu.dynamic_gather %max3A[%gather3A_21] in [0] : vector<16xf32>, vector<16xi32> -> vector<16xf32>
      %max3A_23 = arith.maximumf %max3A, %gather3A_22 : vector<16xf32>
      %xor3A_24 = arith.constant 4 : i32
      %xor3A_25 = vector.broadcast %xor3A_24 : i32 to vector<16xi32>
      %xor3A_26 = arith.xori %iota3A, %xor3A_25 : vector<16xi32>
      %broadcast_in_dim3A_27 = vector.shape_cast %xor3A_26 : vector<16xi32> to vector<16x1xi32>
      %gather3A_28 = vector.shape_cast %broadcast_in_dim3A_27 : vector<16x1xi32> to vector<16xi32>
      %gather3A_29 = tpu.dynamic_gather %max3A_23[%gather3A_28] in [0] : vector<16xf32>, vector<16xi32> -> vector<16xf32>
      %max3A_30 = arith.maximumf %max3A_23, %gather3A_29 : vector<16xf32>
      %xor3A_31 = arith.constant 8 : i32
      %xor3A_32 = vector.broadcast %xor3A_31 : i32 to vector<16xi32>
      %xor3A_33 = arith.xori %iota3A, %xor3A_32 : vector<16xi32>
      %broadcast_in_dim3A_34 = vector.shape_cast %xor3A_33 : vector<16xi32> to vector<16x1xi32>
      %gather3A_35 = vector.shape_cast %broadcast_in_dim3A_34 : vector<16x1xi32> to vector<16xi32>
      %gather3A_36 = tpu.dynamic_gather %max3A_30[%gather3A_35] in [0] : vector<16xf32>, vector<16xi32> -> vector<16xf32>
      %max3A_37 = arith.maximumf %max3A_30, %gather3A_36 : vector<16xf32>
      %eq3A_38 = arith.cmpf oeq, %get3A_12, %max3A_37 : vector<16xf32>
      %jit3A = arith.constant 16 : i32
      %broadcast_in_dim3A_39 = vector.broadcast %jit3A : i32 to vector<16xi32>
      %select_n3A = arith.select %eq3A_38, %iota3A, %broadcast_in_dim3A_39 : vector<16xi1>, vector<16xi32>
      %xor3A_40 = arith.constant 1 : i32
      %xor3A_41 = vector.broadcast %xor3A_40 : i32 to vector<16xi32>
      %xor3A_42 = arith.xori %iota3A, %xor3A_41 : vector<16xi32>
      %broadcast_in_dim3A_43 = vector.shape_cast %xor3A_42 : vector<16xi32> to vector<16x1xi32>
      %gather3A_44 = vector.shape_cast %broadcast_in_dim3A_43 : vector<16x1xi32> to vector<16xi32>
      %gather3A_45 = tpu.dynamic_gather %select_n3A[%gather3A_44] in [0] : vector<16xi32>, vector<16xi32> -> vector<16xi32>
      %min3A = arith.minsi %select_n3A, %gather3A_45 : vector<16xi32>
      %xor3A_46 = arith.constant 2 : i32
      %xor3A_47 = vector.broadcast %xor3A_46 : i32 to vector<16xi32>
      %xor3A_48 = arith.xori %iota3A, %xor3A_47 : vector<16xi32>
      %broadcast_in_dim3A_49 = vector.shape_cast %xor3A_48 : vector<16xi32> to vector<16x1xi32>
      %gather3A_50 = vector.shape_cast %broadcast_in_dim3A_49 : vector<16x1xi32> to vector<16xi32>
      %gather3A_51 = tpu.dynamic_gather %min3A[%gather3A_50] in [0] : vector<16xi32>, vector<16xi32> -> vector<16xi32>
      %min3A_52 = arith.minsi %min3A, %gather3A_51 : vector<16xi32>
      %xor3A_53 = arith.constant 4 : i32
      %xor3A_54 = vector.broadcast %xor3A_53 : i32 to vector<16xi32>
      %xor3A_55 = arith.xori %iota3A, %xor3A_54 : vector<16xi32>
      %broadcast_in_dim3A_56 = vector.shape_cast %xor3A_55 : vector<16xi32> to vector<16x1xi32>
      %gather3A_57 = vector.shape_cast %broadcast_in_dim3A_56 : vector<16x1xi32> to vector<16xi32>
      %gather3A_58 = tpu.dynamic_gather %min3A_52[%gather3A_57] in [0] : vector<16xi32>, vector<16xi32> -> vector<16xi32>
      %min3A_59 = arith.minsi %min3A_52, %gather3A_58 : vector<16xi32>
      %xor3A_60 = arith.constant 8 : i32
      %xor3A_61 = vector.broadcast %xor3A_60 : i32 to vector<16xi32>
      %xor3A_62 = arith.xori %iota3A, %xor3A_61 : vector<16xi32>
      %broadcast_in_dim3A_63 = vector.shape_cast %xor3A_62 : vector<16xi32> to vector<16x1xi32>
      %gather3A_64 = vector.shape_cast %broadcast_in_dim3A_63 : vector<16x1xi32> to vector<16xi32>
      %gather3A_65 = tpu.dynamic_gather %min3A_59[%gather3A_64] in [0] : vector<16xi32>, vector<16xi32> -> vector<16xi32>
      %min3A_66 = arith.minsi %min3A_59, %gather3A_65 : vector<16xi32>
      %eq3A_67 = arith.cmpi eq, %iota3A, %min3A_66 : vector<16xi32>
      %jit3A_68 = arith.constant -2.000000e+00 : f32
      %broadcast_in_dim3A_69 = vector.broadcast %jit3A_68 : f32 to vector<16xf32>
      %select_n3A_70 = arith.select %eq3A_67, %broadcast_in_dim3A_69, %get3A_12 : vector<16xi1>, vector<16xf32>
      %xor3A_71 = arith.constant 1 : i32
      %xor3A_72 = vector.broadcast %xor3A_71 : i32 to vector<16xi32>
      %xor3A_73 = arith.xori %iota3A, %xor3A_72 : vector<16xi32>
      %broadcast_in_dim3A_74 = vector.shape_cast %xor3A_73 : vector<16xi32> to vector<16x1xi32>
      %gather3A_75 = vector.shape_cast %broadcast_in_dim3A_74 : vector<16x1xi32> to vector<16xi32>
      %gather3A_76 = tpu.dynamic_gather %select_n3A_70[%gather3A_75] in [0] : vector<16xf32>, vector<16xi32> -> vector<16xf32>
      %max3A_77 = arith.maximumf %select_n3A_70, %gather3A_76 : vector<16xf32>
      %xor3A_78 = arith.constant 2 : i32
      %xor3A_79 = vector.broadcast %xor3A_78 : i32 to vector<16xi32>
      %xor3A_80 = arith.xori %iota3A, %xor3A_79 : vector<16xi32>
      %broadcast_in_dim3A_81 = vector.shape_cast %xor3A_80 : vector<16xi32> to vector<16x1xi32>
      %gather3A_82 = vector.shape_cast %broadcast_in_dim3A_81 : vector<16x1xi32> to vector<16xi32>
      %gather3A_83 = tpu.dynamic_gather %max3A_77[%gather3A_82] in [0] : vector<16xf32>, vector<16xi32> -> vector<16xf32>
      %max3A_84 = arith.maximumf %max3A_77, %gather3A_83 : vector<16xf32>
      %xor3A_85 = arith.constant 4 : i32
      %xor3A_86 = vector.broadcast %xor3A_85 : i32 to vector<16xi32>
      %xor3A_87 = arith.xori %iota3A, %xor3A_86 : vector<16xi32>
      %broadcast_in_dim3A_88 = vector.shape_cast %xor3A_87 : vector<16xi32> to vector<16x1xi32>
      %gather3A_89 = vector.shape_cast %broadcast_in_dim3A_88 : vector<16x1xi32> to vector<16xi32>
      %gather3A_90 = tpu.dynamic_gather %max3A_84[%gather3A_89] in [0] : vector<16xf32>, vector<16xi32> -> vector<16xf32>
      %max3A_91 = arith.maximumf %max3A_84, %gather3A_90 : vector<16xf32>
      %xor3A_92 = arith.constant 8 : i32
      %xor3A_93 = vector.broadcast %xor3A_92 : i32 to vector<16xi32>
      %xor3A_94 = arith.xori %iota3A, %xor3A_93 : vector<16xi32>
      %broadcast_in_dim3A_95 = vector.shape_cast %xor3A_94 : vector<16xi32> to vector<16x1xi32>
      %gather3A_96 = vector.shape_cast %broadcast_in_dim3A_95 : vector<16x1xi32> to vector<16xi32>
      %gather3A_97 = tpu.dynamic_gather %max3A_91[%gather3A_96] in [0] : vector<16xf32>, vector<16xi32> -> vector<16xf32>
      %max3A_98 = arith.maximumf %max3A_91, %gather3A_97 : vector<16xf32>
      %eq3A_99 = arith.cmpf oeq, %select_n3A_70, %max3A_98 : vector<16xf32>
      %jit3A_100 = arith.constant 16 : i32
      %broadcast_in_dim3A_101 = vector.broadcast %jit3A_100 : i32 to vector<16xi32>
      %select_n3A_102 = arith.select %eq3A_99, %iota3A, %broadcast_in_dim3A_101 : vector<16xi1>, vector<16xi32>
      %xor3A_103 = arith.constant 1 : i32
      %xor3A_104 = vector.broadcast %xor3A_103 : i32 to vector<16xi32>
      %xor3A_105 = arith.xori %iota3A, %xor3A_104 : vector<16xi32>
      %broadcast_in_dim3A_106 = vector.shape_cast %xor3A_105 : vector<16xi32> to vector<16x1xi32>
      %gather3A_107 = vector.shape_cast %broadcast_in_dim3A_106 : vector<16x1xi32> to vector<16xi32>
      %gather3A_108 = tpu.dynamic_gather %select_n3A_102[%gather3A_107] in [0] : vector<16xi32>, vector<16xi32> -> vector<16xi32>
      %min3A_109 = arith.minsi %select_n3A_102, %gather3A_108 : vector<16xi32>
      %xor3A_110 = arith.constant 2 : i32
      %xor3A_111 = vector.broadcast %xor3A_110 : i32 to vector<16xi32>
      %xor3A_112 = arith.xori %iota3A, %xor3A_111 : vector<16xi32>
      %broadcast_in_dim3A_113 = vector.shape_cast %xor3A_112 : vector<16xi32> to vector<16x1xi32>
      %gather3A_114 = vector.shape_cast %broadcast_in_dim3A_113 : vector<16x1xi32> to vector<16xi32>
      %gather3A_115 = tpu.dynamic_gather %min3A_109[%gather3A_114] in [0] : vector<16xi32>, vector<16xi32> -> vector<16xi32>
      %min3A_116 = arith.minsi %min3A_109, %gather3A_115 : vector<16xi32>
      %xor3A_117 = arith.constant 4 : i32
      %xor3A_118 = vector.broadcast %xor3A_117 : i32 to vector<16xi32>
      %xor3A_119 = arith.xori %iota3A, %xor3A_118 : vector<16xi32>
      %broadcast_in_dim3A_120 = vector.shape_cast %xor3A_119 : vector<16xi32> to vector<16x1xi32>
      %gather3A_121 = vector.shape_cast %broadcast_in_dim3A_120 : vector<16x1xi32> to vector<16xi32>
      %gather3A_122 = tpu.dynamic_gather %min3A_116[%gather3A_121] in [0] : vector<16xi32>, vector<16xi32> -> vector<16xi32>
      %min3A_123 = arith.minsi %min3A_116, %gather3A_122 : vector<16xi32>
      %xor3A_124 = arith.constant 8 : i32
      %xor3A_125 = vector.broadcast %xor3A_124 : i32 to vector<16xi32>
      %xor3A_126 = arith.xori %iota3A, %xor3A_125 : vector<16xi32>
      %broadcast_in_dim3A_127 = vector.shape_cast %xor3A_126 : vector<16xi32> to vector<16x1xi32>
      %gather3A_128 = vector.shape_cast %broadcast_in_dim3A_127 : vector<16x1xi32> to vector<16xi32>
      %gather3A_129 = tpu.dynamic_gather %min3A_123[%gather3A_128] in [0] : vector<16xi32>, vector<16xi32> -> vector<16xi32>
      %min3A_130 = arith.minsi %min3A_123, %gather3A_129 : vector<16xi32>
      %eq3A_131 = arith.constant 0 : i32
      %eq3A_132 = vector.broadcast %eq3A_131 : i32 to vector<16xi32>
      %eq3A_133 = arith.cmpi eq, %iota3A, %eq3A_132 : vector<16xi32>
      %select_n3A_134 = arith.select %eq3A_133, %min3A_66, %broadcast_in_dim3A_4 : vector<16xi1>, vector<16xi32>
      %eq3A_135 = arith.constant 1 : i32
      %eq3A_136 = vector.broadcast %eq3A_135 : i32 to vector<16xi32>
      %eq3A_137 = arith.cmpi eq, %iota3A, %eq3A_136 : vector<16xi32>
      %select_n3A_138 = arith.select %eq3A_137, %min3A_130, %select_n3A_134 : vector<16xi1>, vector<16xi32>
      %eq3A_139 = arith.constant 0 : i32
      %eq3A_140 = vector.broadcast %eq3A_139 : i32 to vector<16xi32>
      %eq3A_141 = arith.cmpi eq, %iota3A, %eq3A_140 : vector<16xi32>
      %select_n3A_142 = arith.select %eq3A_141, %max3A_37, %broadcast_in_dim3A_6 : vector<16xi1>, vector<16xf32>
      %eq3A_143 = arith.constant 1 : i32
      %eq3A_144 = vector.broadcast %eq3A_143 : i32 to vector<16xi32>
      %eq3A_145 = arith.cmpi eq, %iota3A, %eq3A_144 : vector<16xi32>
      %select_n3A_146 = arith.select %eq3A_145, %max3A_98, %select_n3A_142 : vector<16xi1>, vector<16xf32>
      %eq3A_147 = arith.cmpi eq, %iota3A, %min3A_66 : vector<16xi32>
      %jit3A_148 = arith.constant 0.000000e+00 : f32
      %broadcast_in_dim3A_149 = vector.broadcast %jit3A_148 : f32 to vector<16xf32>
      %select_n3A_150 = arith.select %eq3A_147, %max3A_37, %broadcast_in_dim3A_149 : vector<16xi1>, vector<16xf32>
      %add3A = arith.addf %broadcast_in_dim3A_8, %select_n3A_150 : vector<16xf32>
      %eq3A_151 = arith.cmpi eq, %iota3A, %min3A_130 : vector<16xi32>
      %jit3A_152 = arith.constant 0.000000e+00 : f32
      %broadcast_in_dim3A_153 = vector.broadcast %jit3A_152 : f32 to vector<16xf32>
      %select_n3A_154 = arith.select %eq3A_151, %max3A_98, %broadcast_in_dim3A_153 : vector<16xi1>, vector<16xf32>
      %add3A_155 = arith.addf %add3A, %select_n3A_154 : vector<16xf32>
      %get3A_156 = arith.constant 1 : i32
      %get3A_157 = arith.index_cast %get3A_156 : i32 to index
      %get3A_158 = arith.constant 0 : index
      %get3A_159 = tpu.vector_load %arg6[%get3A_157, %get3A_158] {strides = array<i32>} : memref<8x16xf32, #tpu.memory_space<vmem>>, vector<1x16xf32>,
      %get3A_160 = vector.shape_cast %get3A_159 : vector<1x16xf32> to vector<16xf32>
      %xor3A_161 = arith.constant 1 : i32
      %xor3A_162 = vector.broadcast %xor3A_161 : i32 to vector<16xi32>
      %xor3A_163 = arith.xori %iota3A, %xor3A_162 : vector<16xi32>
      %broadcast_in_dim3A_164 = vector.shape_cast %xor3A_163 : vector<16xi32> to vector<16x1xi32>
      %gather3A_165 = vector.shape_cast %broadcast_in_dim3A_164 : vector<16x1xi32> to vector<16xi32>
      %gather3A_166 = tpu.dynamic_gather %get3A_160[%gather3A_165] in [0] : vector<16xf32>, vector<16xi32> -> vector<16xf32>
      %max3A_167 = arith.maximumf %get3A_160, %gather3A_166 : vector<16xf32>
      %xor3A_168 = arith.constant 2 : i32
      %xor3A_169 = vector.broadcast %xor3A_168 : i32 to vector<16xi32>
      %xor3A_170 = arith.xori %iota3A, %xor3A_169 : vector<16xi32>
      %broadcast_in_dim3A_171 = vector.shape_cast %xor3A_170 : vector<16xi32> to vector<16x1xi32>
      %gather3A_172 = vector.shape_cast %broadcast_in_dim3A_171 : vector<16x1xi32> to vector<16xi32>
      %gather3A_173 = tpu.dynamic_gather %max3A_167[%gather3A_172] in [0] : vector<16xf32>, vector<16xi32> -> vector<16xf32>
      %max3A_174 = arith.maximumf %max3A_167, %gather3A_173 : vector<16xf32>
      %xor3A_175 = arith.constant 4 : i32
      %xor3A_176 = vector.broadcast %xor3A_175 : i32 to vector<16xi32>
      %xor3A_177 = arith.xori %iota3A, %xor3A_176 : vector<16xi32>
      %broadcast_in_dim3A_178 = vector.shape_cast %xor3A_177 : vector<16xi32> to vector<16x1xi32>
      %gather3A_179 = vector.shape_cast %broadcast_in_dim3A_178 : vector<16x1xi32> to vector<16xi32>
      %gather3A_180 = tpu.dynamic_gather %max3A_174[%gather3A_179] in [0] : vector<16xf32>, vector<16xi32> -> vector<16xf32>
      %max3A_181 = arith.maximumf %max3A_174, %gather3A_180 : vector<16xf32>
      %xor3A_182 = arith.constant 8 : i32
      %xor3A_183 = vector.broadcast %xor3A_182 : i32 to vector<16xi32>
      %xor3A_184 = arith.xori %iota3A, %xor3A_183 : vector<16xi32>
      %broadcast_in_dim3A_185 = vector.shape_cast %xor3A_184 : vector<16xi32> to vector<16x1xi32>
      %gather3A_186 = vector.shape_cast %broadcast_in_dim3A_185 : vector<16x1xi32> to vector<16xi32>
      %gather3A_187 = tpu.dynamic_gather %max3A_181[%gather3A_186] in [0] : vector<16xf32>, vector<16xi32> -> vector<16xf32>
      %max3A_188 = arith.maximumf %max3A_181, %gather3A_187 : vector<16xf32>
      %eq3A_189 = arith.cmpf oeq, %get3A_160, %max3A_188 : vector<16xf32>
      %jit3A_190 = arith.constant 16 : i32
      %broadcast_in_dim3A_191 = vector.broadcast %jit3A_190 : i32 to vector<16xi32>
      %select_n3A_192 = arith.select %eq3A_189, %iota3A, %broadcast_in_dim3A_191 : vector<16xi1>, vector<16xi32>
      %xor3A_193 = arith.constant 1 : i32
      %xor3A_194 = vector.broadcast %xor3A_193 : i32 to vector<16xi32>
      %xor3A_195 = arith.xori %iota3A, %xor3A_194 : vector<16xi32>
      %broadcast_in_dim3A_196 = vector.shape_cast %xor3A_195 : vector<16xi32> to vector<16x1xi32>
      %gather3A_197 = vector.shape_cast %broadcast_in_dim3A_196 : vector<16x1xi32> to vector<16xi32>
      %gather3A_198 = tpu.dynamic_gather %select_n3A_192[%gather3A_197] in [0] : vector<16xi32>, vector<16xi32> -> vector<16xi32>
      %min3A_199 = arith.minsi %select_n3A_192, %gather3A_198 : vector<16xi32>
      %xor3A_200 = arith.constant 2 : i32
      %xor3A_201 = vector.broadcast %xor3A_200 : i32 to vector<16xi32>
      %xor3A_202 = arith.xori %iota3A, %xor3A_201 : vector<16xi32>
      %broadcast_in_dim3A_203 = vector.shape_cast %xor3A_202 : vector<16xi32> to vector<16x1xi32>
      %gather3A_204 = vector.shape_cast %broadcast_in_dim3A_203 : vector<16x1xi32> to vector<16xi32>
      %gather3A_205 = tpu.dynamic_gather %min3A_199[%gather3A_204] in [0] : vector<16xi32>, vector<16xi32> -> vector<16xi32>
      %min3A_206 = arith.minsi %min3A_199, %gather3A_205 : vector<16xi32>
      %xor3A_207 = arith.constant 4 : i32
      %xor3A_208 = vector.broadcast %xor3A_207 : i32 to vector<16xi32>
      %xor3A_209 = arith.xori %iota3A, %xor3A_208 : vector<16xi32>
      %broadcast_in_dim3A_210 = vector.shape_cast %xor3A_209 : vector<16xi32> to vector<16x1xi32>
      %gather3A_211 = vector.shape_cast %broadcast_in_dim3A_210 : vector<16x1xi32> to vector<16xi32>
      %gather3A_212 = tpu.dynamic_gather %min3A_206[%gather3A_211] in [0] : vector<16xi32>, vector<16xi32> -> vector<16xi32>
      %min3A_213 = arith.minsi %min3A_206, %gather3A_212 : vector<16xi32>
      %xor3A_214 = arith.constant 8 : i32
      %xor3A_215 = vector.broadcast %xor3A_214 : i32 to vector<16xi32>
      %xor3A_216 = arith.xori %iota3A, %xor3A_215 : vector<16xi32>
      %broadcast_in_dim3A_217 = vector.shape_cast %xor3A_216 : vector<16xi32> to vector<16x1xi32>
      %gather3A_218 = vector.shape_cast %broadcast_in_dim3A_217 : vector<16x1xi32> to vector<16xi32>
      %gather3A_219 = tpu.dynamic_gather %min3A_213[%gather3A_218] in [0] : vector<16xi32>, vector<16xi32> -> vector<16xi32>
      %min3A_220 = arith.minsi %min3A_213, %gather3A_219 : vector<16xi32>
      %eq3A_221 = arith.cmpi eq, %iota3A, %min3A_220 : vector<16xi32>
      %jit3A_222 = arith.constant -2.000000e+00 : f32
      %broadcast_in_dim3A_223 = vector.broadcast %jit3A_222 : f32 to vector<16xf32>
      %select_n3A_224 = arith.select %eq3A_221, %broadcast_in_dim3A_223, %get3A_160 : vector<16xi1>, vector<16xf32>
      %xor3A_225 = arith.constant 1 : i32
      %xor3A_226 = vector.broadcast %xor3A_225 : i32 to vector<16xi32>
      %xor3A_227 = arith.xori %iota3A, %xor3A_226 : vector<16xi32>
      %broadcast_in_dim3A_228 = vector.shape_cast %xor3A_227 : vector<16xi32> to vector<16x1xi32>
      %gather3A_229 = vector.shape_cast %broadcast_in_dim3A_228 : vector<16x1xi32> to vector<16xi32>
      %gather3A_230 = tpu.dynamic_gather %select_n3A_224[%gather3A_229] in [0] : vector<16xf32>, vector<16xi32> -> vector<16xf32>
      %max3A_231 = arith.maximumf %select_n3A_224, %gather3A_230 : vector<16xf32>
      %xor3A_232 = arith.constant 2 : i32
      %xor3A_233 = vector.broadcast %xor3A_232 : i32 to vector<16xi32>
      %xor3A_234 = arith.xori %iota3A, %xor3A_233 : vector<16xi32>
      %broadcast_in_dim3A_235 = vector.shape_cast %xor3A_234 : vector<16xi32> to vector<16x1xi32>
      %gather3A_236 = vector.shape_cast %broadcast_in_dim3A_235 : vector<16x1xi32> to vector<16xi32>
      %gather3A_237 = tpu.dynamic_gather %max3A_231[%gather3A_236] in [0] : vector<16xf32>, vector<16xi32> -> vector<16xf32>
      %max3A_238 = arith.maximumf %max3A_231, %gather3A_237 : vector<16xf32>
      %xor3A_239 = arith.constant 4 : i32
      %xor3A_240 = vector.broadcast %xor3A_239 : i32 to vector<16xi32>
      %xor3A_241 = arith.xori %iota3A, %xor3A_240 : vector<16xi32>
      %broadcast_in_dim3A_242 = vector.shape_cast %xor3A_241 : vector<16xi32> to vector<16x1xi32>
      %gather3A_243 = vector.shape_cast %broadcast_in_dim3A_242 : vector<16x1xi32> to vector<16xi32>
      %gather3A_244 = tpu.dynamic_gather %max3A_238[%gather3A_243] in [0] : vector<16xf32>, vector<16xi32> -> vector<16xf32>
      %max3A_245 = arith.maximumf %max3A_238, %gather3A_244 : vector<16xf32>
      %xor3A_246 = arith.constant 8 : i32
      %xor3A_247 = vector.broadcast %xor3A_246 : i32 to vector<16xi32>
      %xor3A_248 = arith.xori %iota3A, %xor3A_247 : vector<16xi32>
      %broadcast_in_dim3A_249 = vector.shape_cast %xor3A_248 : vector<16xi32> to vector<16x1xi32>
      %gather3A_250 = vector.shape_cast %broadcast_in_dim3A_249 : vector<16x1xi32> to vector<16xi32>
      %gather3A_251 = tpu.dynamic_gather %max3A_245[%gather3A_250] in [0] : vector<16xf32>, vector<16xi32> -> vector<16xf32>
      %max3A_252 = arith.maximumf %max3A_245, %gather3A_251 : vector<16xf32>
      %eq3A_253 = arith.cmpf oeq, %select_n3A_224, %max3A_252 : vector<16xf32>
      %jit3A_254 = arith.constant 16 : i32
      %broadcast_in_dim3A_255 = vector.broadcast %jit3A_254 : i32 to vector<16xi32>
      %select_n3A_256 = arith.select %eq3A_253, %iota3A, %broadcast_in_dim3A_255 : vector<16xi1>, vector<16xi32>
      %xor3A_257 = arith.constant 1 : i32
      %xor3A_258 = vector.broadcast %xor3A_257 : i32 to vector<16xi32>
      %xor3A_259 = arith.xori %iota3A, %xor3A_258 : vector<16xi32>
      %broadcast_in_dim3A_260 = vector.shape_cast %xor3A_259 : vector<16xi32> to vector<16x1xi32>
      %gather3A_261 = vector.shape_cast %broadcast_in_dim3A_260 : vector<16x1xi32> to vector<16xi32>
      %gather3A_262 = tpu.dynamic_gather %select_n3A_256[%gather3A_261] in [0] : vector<16xi32>, vector<16xi32> -> vector<16xi32>
      %min3A_263 = arith.minsi %select_n3A_256, %gather3A_262 : vector<16xi32>
      %xor3A_264 = arith.constant 2 : i32
      %xor3A_265 = vector.broadcast %xor3A_264 : i32 to vector<16xi32>
      %xor3A_266 = arith.xori %iota3A, %xor3A_265 : vector<16xi32>
      %broadcast_in_dim3A_267 = vector.shape_cast %xor3A_266 : vector<16xi32> to vector<16x1xi32>
      %gather3A_268 = vector.shape_cast %broadcast_in_dim3A_267 : vector<16x1xi32> to vector<16xi32>
      %gather3A_269 = tpu.dynamic_gather %min3A_263[%gather3A_268] in [0] : vector<16xi32>, vector<16xi32> -> vector<16xi32>
      %min3A_270 = arith.minsi %min3A_263, %gather3A_269 : vector<16xi32>
      %xor3A_271 = arith.constant 4 : i32
      %xor3A_272 = vector.broadcast %xor3A_271 : i32 to vector<16xi32>
      %xor3A_273 = arith.xori %iota3A, %xor3A_272 : vector<16xi32>
      %broadcast_in_dim3A_274 = vector.shape_cast %xor3A_273 : vector<16xi32> to vector<16x1xi32>
      %gather3A_275 = vector.shape_cast %broadcast_in_dim3A_274 : vector<16x1xi32> to vector<16xi32>
      %gather3A_276 = tpu.dynamic_gather %min3A_270[%gather3A_275] in [0] : vector<16xi32>, vector<16xi32> -> vector<16xi32>
      %min3A_277 = arith.minsi %min3A_270, %gather3A_276 : vector<16xi32>
      %xor3A_278 = arith.constant 8 : i32
      %xor3A_279 = vector.broadcast %xor3A_278 : i32 to vector<16xi32>
      %xor3A_280 = arith.xori %iota3A, %xor3A_279 : vector<16xi32>
      %broadcast_in_dim3A_281 = vector.shape_cast %xor3A_280 : vector<16xi32> to vector<16x1xi32>
      %gather3A_282 = vector.shape_cast %broadcast_in_dim3A_281 : vector<16x1xi32> to vector<16xi32>
      %gather3A_283 = tpu.dynamic_gather %min3A_277[%gather3A_282] in [0] : vector<16xi32>, vector<16xi32> -> vector<16xi32>
      %min3A_284 = arith.minsi %min3A_277, %gather3A_283 : vector<16xi32>
      %eq3A_285 = arith.constant 2 : i32
      %eq3A_286 = vector.broadcast %eq3A_285 : i32 to vector<16xi32>
      %eq3A_287 = arith.cmpi eq, %iota3A, %eq3A_286 : vector<16xi32>
      %select_n3A_288 = arith.select %eq3A_287, %min3A_220, %select_n3A_138 : vector<16xi1>, vector<16xi32>
      %eq3A_289 = arith.constant 3 : i32
      %eq3A_290 = vector.broadcast %eq3A_289 : i32 to vector<16xi32>
      %eq3A_291 = arith.cmpi eq, %iota3A, %eq3A_290 : vector<16xi32>
      %select_n3A_292 = arith.select %eq3A_291, %min3A_284, %select_n3A_288 : vector<16xi1>, vector<16xi32>
      %eq3A_293 = arith.constant 2 : i32
      %eq3A_294 = vector.broadcast %eq3A_293 : i32 to vector<16xi32>
      %eq3A_295 = arith.cmpi eq, %iota3A, %eq3A_294 : vector<16xi32>
      %select_n3A_296 = arith.select %eq3A_295, %max3A_188, %select_n3A_146 : vector<16xi1>, vector<16xf32>
      %eq3A_297 = arith.constant 3 : i32
      %eq3A_298 = vector.broadcast %eq3A_297 : i32 to vector<16xi32>
      %eq3A_299 = arith.cmpi eq, %iota3A, %eq3A_298 : vector<16xi32>
      %select_n3A_300 = arith.select %eq3A_299, %max3A_252, %select_n3A_296 : vector<16xi1>, vector<16xf32>
      %eq3A_301 = arith.cmpi eq, %iota3A, %min3A_220 : vector<16xi32>
      %jit3A_302 = arith.constant 0.000000e+00 : f32
      %broadcast_in_dim3A_303 = vector.broadcast %jit3A_302 : f32 to vector<16xf32>
      %select_n3A_304 = arith.select %eq3A_301, %max3A_188, %broadcast_in_dim3A_303 : vector<16xi1>, vector<16xf32>
      %add3A_305 = arith.addf %add3A_155, %select_n3A_304 : vector<16xf32>
      %eq3A_306 = arith.cmpi eq, %iota3A, %min3A_284 : vector<16xi32>
      %jit3A_307 = arith.constant 0.000000e+00 : f32
      %broadcast_in_dim3A_308 = vector.broadcast %jit3A_307 : f32 to vector<16xf32>
      %select_n3A_309 = arith.select %eq3A_306, %max3A_252, %broadcast_in_dim3A_308 : vector<16xi1>, vector<16xf32>
      %add3A_310 = arith.addf %add3A_305, %select_n3A_309 : vector<16xf32>
      %get3A_311 = arith.constant 2 : i32
      %get3A_312 = arith.index_cast %get3A_311 : i32 to index
      %get3A_313 = arith.constant 0 : index
      %get3A_314 = tpu.vector_load %arg6[%get3A_312, %get3A_313] {strides = array<i32>} : memref<8x16xf32, #tpu.memory_space<vmem>>, vector<1x16xf32>,
      %get3A_315 = vector.shape_cast %get3A_314 : vector<1x16xf32> to vector<16xf32>
      %xor3A_316 = arith.constant 1 : i32
      %xor3A_317 = vector.broadcast %xor3A_316 : i32 to vector<16xi32>
      %xor3A_318 = arith.xori %iota3A, %xor3A_317 : vector<16xi32>
      %broadcast_in_dim3A_319 = vector.shape_cast %xor3A_318 : vector<16xi32> to vector<16x1xi32>
      %gather3A_320 = vector.shape_cast %broadcast_in_dim3A_319 : vector<16x1xi32> to vector<16xi32>
      %gather3A_321 = tpu.dynamic_gather %get3A_315[%gather3A_320] in [0] : vector<16xf32>, vector<16xi32> -> vector<16xf32>
      %max3A_322 = arith.maximumf %get3A_315, %gather3A_321 : vector<16xf32>
      %xor3A_323 = arith.constant 2 : i32
      %xor3A_324 = vector.broadcast %xor3A_323 : i32 to vector<16xi32>
      %xor3A_325 = arith.xori %iota3A, %xor3A_324 : vector<16xi32>
      %broadcast_in_dim3A_326 = vector.shape_cast %xor3A_325 : vector<16xi32> to vector<16x1xi32>
      %gather3A_327 = vector.shape_cast %broadcast_in_dim3A_326 : vector<16x1xi32> to vector<16xi32>
      %gather3A_328 = tpu.dynamic_gather %max3A_322[%gather3A_327] in [0] : vector<16xf32>, vector<16xi32> -> vector<16xf32>
      %max3A_329 = arith.maximumf %max3A_322, %gather3A_328 : vector<16xf32>
      %xor3A_330 = arith.constant 4 : i32
      %xor3A_331 = vector.broadcast %xor3A_330 : i32 to vector<16xi32>
      %xor3A_332 = arith.xori %iota3A, %xor3A_331 : vector<16xi32>
      %broadcast_in_dim3A_333 = vector.shape_cast %xor3A_332 : vector<16xi32> to vector<16x1xi32>
      %gather3A_334 = vector.shape_cast %broadcast_in_dim3A_333 : vector<16x1xi32> to vector<16xi32>
      %gather3A_335 = tpu.dynamic_gather %max3A_329[%gather3A_334] in [0] : vector<16xf32>, vector<16xi32> -> vector<16xf32>
      %max3A_336 = arith.maximumf %max3A_329, %gather3A_335 : vector<16xf32>
      %xor3A_337 = arith.constant 8 : i32
      %xor3A_338 = vector.broadcast %xor3A_337 : i32 to vector<16xi32>
      %xor3A_339 = arith.xori %iota3A, %xor3A_338 : vector<16xi32>
      %broadcast_in_dim3A_340 = vector.shape_cast %xor3A_339 : vector<16xi32> to vector<16x1xi32>
      %gather3A_341 = vector.shape_cast %broadcast_in_dim3A_340 : vector<16x1xi32> to vector<16xi32>
      %gather3A_342 = tpu.dynamic_gather %max3A_336[%gather3A_341] in [0] : vector<16xf32>, vector<16xi32> -> vector<16xf32>
      %max3A_343 = arith.maximumf %max3A_336, %gather3A_342 : vector<16xf32>
      %eq3A_344 = arith.cmpf oeq, %get3A_315, %max3A_343 : vector<16xf32>
      %jit3A_345 = arith.constant 16 : i32
      %broadcast_in_dim3A_346 = vector.broadcast %jit3A_345 : i32 to vector<16xi32>
      %select_n3A_347 = arith.select %eq3A_344, %iota3A, %broadcast_in_dim3A_346 : vector<16xi1>, vector<16xi32>
      %xor3A_348 = arith.constant 1 : i32
      %xor3A_349 = vector.broadcast %xor3A_348 : i32 to vector<16xi32>
      %xor3A_350 = arith.xori %iota3A, %xor3A_349 : vector<16xi32>
      %broadcast_in_dim3A_351 = vector.shape_cast %xor3A_350 : vector<16xi32> to vector<16x1xi32>
      %gather3A_352 = vector.shape_cast %broadcast_in_dim3A_351 : vector<16x1xi32> to vector<16xi32>
      %gather3A_353 = tpu.dynamic_gather %select_n3A_347[%gather3A_352] in [0] : vector<16xi32>, vector<16xi32> -> vector<16xi32>
      %min3A_354 = arith.minsi %select_n3A_347, %gather3A_353 : vector<16xi32>
      %xor3A_355 = arith.constant 2 : i32
      %xor3A_356 = vector.broadcast %xor3A_355 : i32 to vector<16xi32>
      %xor3A_357 = arith.xori %iota3A, %xor3A_356 : vector<16xi32>
      %broadcast_in_dim3A_358 = vector.shape_cast %xor3A_357 : vector<16xi32> to vector<16x1xi32>
      %gather3A_359 = vector.shape_cast %broadcast_in_dim3A_358 : vector<16x1xi32> to vector<16xi32>
      %gather3A_360 = tpu.dynamic_gather %min3A_354[%gather3A_359] in [0] : vector<16xi32>, vector<16xi32> -> vector<16xi32>
      %min3A_361 = arith.minsi %min3A_354, %gather3A_360 : vector<16xi32>
      %xor3A_362 = arith.constant 4 : i32
      %xor3A_363 = vector.broadcast %xor3A_362 : i32 to vector<16xi32>
      %xor3A_364 = arith.xori %iota3A, %xor3A_363 : vector<16xi32>
      %broadcast_in_dim3A_365 = vector.shape_cast %xor3A_364 : vector<16xi32> to vector<16x1xi32>
      %gather3A_366 = vector.shape_cast %broadcast_in_dim3A_365 : vector<16x1xi32> to vector<16xi32>
      %gather3A_367 = tpu.dynamic_gather %min3A_361[%gather3A_366] in [0] : vector<16xi32>, vector<16xi32> -> vector<16xi32>
      %min3A_368 = arith.minsi %min3A_361, %gather3A_367 : vector<16xi32>
      %xor3A_369 = arith.constant 8 : i32
      %xor3A_370 = vector.broadcast %xor3A_369 : i32 to vector<16xi32>
      %xor3A_371 = arith.xori %iota3A, %xor3A_370 : vector<16xi32>
      %broadcast_in_dim3A_372 = vector.shape_cast %xor3A_371 : vector<16xi32> to vector<16x1xi32>
      %gather3A_373 = vector.shape_cast %broadcast_in_dim3A_372 : vector<16x1xi32> to vector<16xi32>
      %gather3A_374 = tpu.dynamic_gather %min3A_368[%gather3A_373] in [0] : vector<16xi32>, vector<16xi32> -> vector<16xi32>
      %min3A_375 = arith.minsi %min3A_368, %gather3A_374 : vector<16xi32>
      %eq3A_376 = arith.cmpi eq, %iota3A, %min3A_375 : vector<16xi32>
      %jit3A_377 = arith.constant -2.000000e+00 : f32
      %broadcast_in_dim3A_378 = vector.broadcast %jit3A_377 : f32 to vector<16xf32>
      %select_n3A_379 = arith.select %eq3A_376, %broadcast_in_dim3A_378, %get3A_315 : vector<16xi1>, vector<16xf32>
      %xor3A_380 = arith.constant 1 : i32
      %xor3A_381 = vector.broadcast %xor3A_380 : i32 to vector<16xi32>
      %xor3A_382 = arith.xori %iota3A, %xor3A_381 : vector<16xi32>
      %broadcast_in_dim3A_383 = vector.shape_cast %xor3A_382 : vector<16xi32> to vector<16x1xi32>
      %gather3A_384 = vector.shape_cast %broadcast_in_dim3A_383 : vector<16x1xi32> to vector<16xi32>
      %gather3A_385 = tpu.dynamic_gather %select_n3A_379[%gather3A_384] in [0] : vector<16xf32>, vector<16xi32> -> vector<16xf32>
      %max3A_386 = arith.maximumf %select_n3A_379, %gather3A_385 : vector<16xf32>
      %xor3A_387 = arith.constant 2 : i32
      %xor3A_388 = vector.broadcast %xor3A_387 : i32 to vector<16xi32>
      %xor3A_389 = arith.xori %iota3A, %xor3A_388 : vector<16xi32>
      %broadcast_in_dim3A_390 = vector.shape_cast %xor3A_389 : vector<16xi32> to vector<16x1xi32>
      %gather3A_391 = vector.shape_cast %broadcast_in_dim3A_390 : vector<16x1xi32> to vector<16xi32>
      %gather3A_392 = tpu.dynamic_gather %max3A_386[%gather3A_391] in [0] : vector<16xf32>, vector<16xi32> -> vector<16xf32>
      %max3A_393 = arith.maximumf %max3A_386, %gather3A_392 : vector<16xf32>
      %xor3A_394 = arith.constant 4 : i32
      %xor3A_395 = vector.broadcast %xor3A_394 : i32 to vector<16xi32>
      %xor3A_396 = arith.xori %iota3A, %xor3A_395 : vector<16xi32>
      %broadcast_in_dim3A_397 = vector.shape_cast %xor3A_396 : vector<16xi32> to vector<16x1xi32>
      %gather3A_398 = vector.shape_cast %broadcast_in_dim3A_397 : vector<16x1xi32> to vector<16xi32>
      %gather3A_399 = tpu.dynamic_gather %max3A_393[%gather3A_398] in [0] : vector<16xf32>, vector<16xi32> -> vector<16xf32>
      %max3A_400 = arith.maximumf %max3A_393, %gather3A_399 : vector<16xf32>
      %xor3A_401 = arith.constant 8 : i32
      %xor3A_402 = vector.broadcast %xor3A_401 : i32 to vector<16xi32>
      %xor3A_403 = arith.xori %iota3A, %xor3A_402 : vector<16xi32>
      %broadcast_in_dim3A_404 = vector.shape_cast %xor3A_403 : vector<16xi32> to vector<16x1xi32>
      %gather3A_405 = vector.shape_cast %broadcast_in_dim3A_404 : vector<16x1xi32> to vector<16xi32>
      %gather3A_406 = tpu.dynamic_gather %max3A_400[%gather3A_405] in [0] : vector<16xf32>, vector<16xi32> -> vector<16xf32>
      %max3A_407 = arith.maximumf %max3A_400, %gather3A_406 : vector<16xf32>
      %eq3A_408 = arith.cmpf oeq, %select_n3A_379, %max3A_407 : vector<16xf32>
      %jit3A_409 = arith.constant 16 : i32
      %broadcast_in_dim3A_410 = vector.broadcast %jit3A_409 : i32 to vector<16xi32>
      %select_n3A_411 = arith.select %eq3A_408, %iota3A, %broadcast_in_dim3A_410 : vector<16xi1>, vector<16xi32>
      %xor3A_412 = arith.constant 1 : i32
      %xor3A_413 = vector.broadcast %xor3A_412 : i32 to vector<16xi32>
      %xor3A_414 = arith.xori %iota3A, %xor3A_413 : vector<16xi32>
      %broadcast_in_dim3A_415 = vector.shape_cast %xor3A_414 : vector<16xi32> to vector<16x1xi32>
      %gather3A_416 = vector.shape_cast %broadcast_in_dim3A_415 : vector<16x1xi32> to vector<16xi32>
      %gather3A_417 = tpu.dynamic_gather %select_n3A_411[%gather3A_416] in [0] : vector<16xi32>, vector<16xi32> -> vector<16xi32>
      %min3A_418 = arith.minsi %select_n3A_411, %gather3A_417 : vector<16xi32>
      %xor3A_419 = arith.constant 2 : i32
      %xor3A_420 = vector.broadcast %xor3A_419 : i32 to vector<16xi32>
      %xor3A_421 = arith.xori %iota3A, %xor3A_420 : vector<16xi32>
      %broadcast_in_dim3A_422 = vector.shape_cast %xor3A_421 : vector<16xi32> to vector<16x1xi32>
      %gather3A_423 = vector.shape_cast %broadcast_in_dim3A_422 : vector<16x1xi32> to vector<16xi32>
      %gather3A_424 = tpu.dynamic_gather %min3A_418[%gather3A_423] in [0] : vector<16xi32>, vector<16xi32> -> vector<16xi32>
      %min3A_425 = arith.minsi %min3A_418, %gather3A_424 : vector<16xi32>
      %xor3A_426 = arith.constant 4 : i32
      %xor3A_427 = vector.broadcast %xor3A_426 : i32 to vector<16xi32>
      %xor3A_428 = arith.xori %iota3A, %xor3A_427 : vector<16xi32>
      %broadcast_in_dim3A_429 = vector.shape_cast %xor3A_428 : vector<16xi32> to vector<16x1xi32>
      %gather3A_430 = vector.shape_cast %broadcast_in_dim3A_429 : vector<16x1xi32> to vector<16xi32>
      %gather3A_431 = tpu.dynamic_gather %min3A_425[%gather3A_430] in [0] : vector<16xi32>, vector<16xi32> -> vector<16xi32>
      %min3A_432 = arith.minsi %min3A_425, %gather3A_431 : vector<16xi32>
      %xor3A_433 = arith.constant 8 : i32
      %xor3A_434 = vector.broadcast %xor3A_433 : i32 to vector<16xi32>
      %xor3A_435 = arith.xori %iota3A, %xor3A_434 : vector<16xi32>
      %broadcast_in_dim3A_436 = vector.shape_cast %xor3A_435 : vector<16xi32> to vector<16x1xi32>
      %gather3A_437 = vector.shape_cast %broadcast_in_dim3A_436 : vector<16x1xi32> to vector<16xi32>
      %gather3A_438 = tpu.dynamic_gather %min3A_432[%gather3A_437] in [0] : vector<16xi32>, vector<16xi32> -> vector<16xi32>
      %min3A_439 = arith.minsi %min3A_432, %gather3A_438 : vector<16xi32>
      %eq3A_440 = arith.constant 4 : i32
      %eq3A_441 = vector.broadcast %eq3A_440 : i32 to vector<16xi32>
      %eq3A_442 = arith.cmpi eq, %iota3A, %eq3A_441 : vector<16xi32>
      %select_n3A_443 = arith.select %eq3A_442, %min3A_375, %select_n3A_292 : vector<16xi1>, vector<16xi32>
      %eq3A_444 = arith.constant 5 : i32
      %eq3A_445 = vector.broadcast %eq3A_444 : i32 to vector<16xi32>
      %eq3A_446 = arith.cmpi eq, %iota3A, %eq3A_445 : vector<16xi32>
      %select_n3A_447 = arith.select %eq3A_446, %min3A_439, %select_n3A_443 : vector<16xi1>, vector<16xi32>
      %eq3A_448 = arith.constant 4 : i32
      %eq3A_449 = vector.broadcast %eq3A_448 : i32 to vector<16xi32>
      %eq3A_450 = arith.cmpi eq, %iota3A, %eq3A_449 : vector<16xi32>
      %select_n3A_451 = arith.select %eq3A_450, %max3A_343, %select_n3A_300 : vector<16xi1>, vector<16xf32>
      %eq3A_452 = arith.constant 5 : i32
      %eq3A_453 = vector.broadcast %eq3A_452 : i32 to vector<16xi32>
      %eq3A_454 = arith.cmpi eq, %iota3A, %eq3A_453 : vector<16xi32>
      %select_n3A_455 = arith.select %eq3A_454, %max3A_407, %select_n3A_451 : vector<16xi1>, vector<16xf32>
      %eq3A_456 = arith.cmpi eq, %iota3A, %min3A_375 : vector<16xi32>
      %jit3A_457 = arith.constant 0.000000e+00 : f32
      %broadcast_in_dim3A_458 = vector.broadcast %jit3A_457 : f32 to vector<16xf32>
      %select_n3A_459 = arith.select %eq3A_456, %max3A_343, %broadcast_in_dim3A_458 : vector<16xi1>, vector<16xf32>
      %add3A_460 = arith.addf %add3A_310, %select_n3A_459 : vector<16xf32>
      %eq3A_461 = arith.cmpi eq, %iota3A, %min3A_439 : vector<16xi32>
      %jit3A_462 = arith.constant 0.000000e+00 : f32
      %broadcast_in_dim3A_463 = vector.broadcast %jit3A_462 : f32 to vector<16xf32>
      %select_n3A_464 = arith.select %eq3A_461, %max3A_407, %broadcast_in_dim3A_463 : vector<16xi1>, vector<16xf32>
      %add3A_465 = arith.addf %add3A_460, %select_n3A_464 : vector<16xf32>
      %get3A_466 = arith.constant 3 : i32
      %get3A_467 = arith.index_cast %get3A_466 : i32 to index
      %get3A_468 = arith.constant 0 : index
      %get3A_469 = tpu.vector_load %arg6[%get3A_467, %get3A_468] {strides = array<i32>} : memref<8x16xf32, #tpu.memory_space<vmem>>, vector<1x16xf32>,
      %get3A_470 = vector.shape_cast %get3A_469 : vector<1x16xf32> to vector<16xf32>
      %xor3A_471 = arith.constant 1 : i32
      %xor3A_472 = vector.broadcast %xor3A_471 : i32 to vector<16xi32>
      %xor3A_473 = arith.xori %iota3A, %xor3A_472 : vector<16xi32>
      %broadcast_in_dim3A_474 = vector.shape_cast %xor3A_473 : vector<16xi32> to vector<16x1xi32>
      %gather3A_475 = vector.shape_cast %broadcast_in_dim3A_474 : vector<16x1xi32> to vector<16xi32>
      %gather3A_476 = tpu.dynamic_gather %get3A_470[%gather3A_475] in [0] : vector<16xf32>, vector<16xi32> -> vector<16xf32>
      %max3A_477 = arith.maximumf %get3A_470, %gather3A_476 : vector<16xf32>
      %xor3A_478 = arith.constant 2 : i32
      %xor3A_479 = vector.broadcast %xor3A_478 : i32 to vector<16xi32>
      %xor3A_480 = arith.xori %iota3A, %xor3A_479 : vector<16xi32>
      %broadcast_in_dim3A_481 = vector.shape_cast %xor3A_480 : vector<16xi32> to vector<16x1xi32>
      %gather3A_482 = vector.shape_cast %broadcast_in_dim3A_481 : vector<16x1xi32> to vector<16xi32>
      %gather3A_483 = tpu.dynamic_gather %max3A_477[%gather3A_482] in [0] : vector<16xf32>, vector<16xi32> -> vector<16xf32>
      %max3A_484 = arith.maximumf %max3A_477, %gather3A_483 : vector<16xf32>
      %xor3A_485 = arith.constant 4 : i32
      %xor3A_486 = vector.broadcast %xor3A_485 : i32 to vector<16xi32>
      %xor3A_487 = arith.xori %iota3A, %xor3A_486 : vector<16xi32>
      %broadcast_in_dim3A_488 = vector.shape_cast %xor3A_487 : vector<16xi32> to vector<16x1xi32>
      %gather3A_489 = vector.shape_cast %broadcast_in_dim3A_488 : vector<16x1xi32> to vector<16xi32>
      %gather3A_490 = tpu.dynamic_gather %max3A_484[%gather3A_489] in [0] : vector<16xf32>, vector<16xi32> -> vector<16xf32>
      %max3A_491 = arith.maximumf %max3A_484, %gather3A_490 : vector<16xf32>
      %xor3A_492 = arith.constant 8 : i32
      %xor3A_493 = vector.broadcast %xor3A_492 : i32 to vector<16xi32>
      %xor3A_494 = arith.xori %iota3A, %xor3A_493 : vector<16xi32>
      %broadcast_in_dim3A_495 = vector.shape_cast %xor3A_494 : vector<16xi32> to vector<16x1xi32>
      %gather3A_496 = vector.shape_cast %broadcast_in_dim3A_495 : vector<16x1xi32> to vector<16xi32>
      %gather3A_497 = tpu.dynamic_gather %max3A_491[%gather3A_496] in [0] : vector<16xf32>, vector<16xi32> -> vector<16xf32>
      %max3A_498 = arith.maximumf %max3A_491, %gather3A_497 : vector<16xf32>
      %eq3A_499 = arith.cmpf oeq, %get3A_470, %max3A_498 : vector<16xf32>
      %jit3A_500 = arith.constant 16 : i32
      %broadcast_in_dim3A_501 = vector.broadcast %jit3A_500 : i32 to vector<16xi32>
      %select_n3A_502 = arith.select %eq3A_499, %iota3A, %broadcast_in_dim3A_501 : vector<16xi1>, vector<16xi32>
      %xor3A_503 = arith.constant 1 : i32
      %xor3A_504 = vector.broadcast %xor3A_503 : i32 to vector<16xi32>
      %xor3A_505 = arith.xori %iota3A, %xor3A_504 : vector<16xi32>
      %broadcast_in_dim3A_506 = vector.shape_cast %xor3A_505 : vector<16xi32> to vector<16x1xi32>
      %gather3A_507 = vector.shape_cast %broadcast_in_dim3A_506 : vector<16x1xi32> to vector<16xi32>
      %gather3A_508 = tpu.dynamic_gather %select_n3A_502[%gather3A_507] in [0] : vector<16xi32>, vector<16xi32> -> vector<16xi32>
      %min3A_509 = arith.minsi %select_n3A_502, %gather3A_508 : vector<16xi32>
      %xor3A_510 = arith.constant 2 : i32
      %xor3A_511 = vector.broadcast %xor3A_510 : i32 to vector<16xi32>
      %xor3A_512 = arith.xori %iota3A, %xor3A_511 : vector<16xi32>
      %broadcast_in_dim3A_513 = vector.shape_cast %xor3A_512 : vector<16xi32> to vector<16x1xi32>
      %gather3A_514 = vector.shape_cast %broadcast_in_dim3A_513 : vector<16x1xi32> to vector<16xi32>
      %gather3A_515 = tpu.dynamic_gather %min3A_509[%gather3A_514] in [0] : vector<16xi32>, vector<16xi32> -> vector<16xi32>
      %min3A_516 = arith.minsi %min3A_509, %gather3A_515 : vector<16xi32>
      %xor3A_517 = arith.constant 4 : i32
      %xor3A_518 = vector.broadcast %xor3A_517 : i32 to vector<16xi32>
      %xor3A_519 = arith.xori %iota3A, %xor3A_518 : vector<16xi32>
      %broadcast_in_dim3A_520 = vector.shape_cast %xor3A_519 : vector<16xi32> to vector<16x1xi32>
      %gather3A_521 = vector.shape_cast %broadcast_in_dim3A_520 : vector<16x1xi32> to vector<16xi32>
      %gather3A_522 = tpu.dynamic_gather %min3A_516[%gather3A_521] in [0] : vector<16xi32>, vector<16xi32> -> vector<16xi32>
      %min3A_523 = arith.minsi %min3A_516, %gather3A_522 : vector<16xi32>
      %xor3A_524 = arith.constant 8 : i32
      %xor3A_525 = vector.broadcast %xor3A_524 : i32 to vector<16xi32>
      %xor3A_526 = arith.xori %iota3A, %xor3A_525 : vector<16xi32>
      %broadcast_in_dim3A_527 = vector.shape_cast %xor3A_526 : vector<16xi32> to vector<16x1xi32>
      %gather3A_528 = vector.shape_cast %broadcast_in_dim3A_527 : vector<16x1xi32> to vector<16xi32>
      %gather3A_529 = tpu.dynamic_gather %min3A_523[%gather3A_528] in [0] : vector<16xi32>, vector<16xi32> -> vector<16xi32>
      %min3A_530 = arith.minsi %min3A_523, %gather3A_529 : vector<16xi32>
      %eq3A_531 = arith.cmpi eq, %iota3A, %min3A_530 : vector<16xi32>
      %jit3A_532 = arith.constant -2.000000e+00 : f32
      %broadcast_in_dim3A_533 = vector.broadcast %jit3A_532 : f32 to vector<16xf32>
      %select_n3A_534 = arith.select %eq3A_531, %broadcast_in_dim3A_533, %get3A_470 : vector<16xi1>, vector<16xf32>
      %xor3A_535 = arith.constant 1 : i32
      %xor3A_536 = vector.broadcast %xor3A_535 : i32 to vector<16xi32>
      %xor3A_537 = arith.xori %iota3A, %xor3A_536 : vector<16xi32>
      %broadcast_in_dim3A_538 = vector.shape_cast %xor3A_537 : vector<16xi32> to vector<16x1xi32>
      %gather3A_539 = vector.shape_cast %broadcast_in_dim3A_538 : vector<16x1xi32> to vector<16xi32>
      %gather3A_540 = tpu.dynamic_gather %select_n3A_534[%gather3A_539] in [0] : vector<16xf32>, vector<16xi32> -> vector<16xf32>
      %max3A_541 = arith.maximumf %select_n3A_534, %gather3A_540 : vector<16xf32>
      %xor3A_542 = arith.constant 2 : i32
      %xor3A_543 = vector.broadcast %xor3A_542 : i32 to vector<16xi32>
      %xor3A_544 = arith.xori %iota3A, %xor3A_543 : vector<16xi32>
      %broadcast_in_dim3A_545 = vector.shape_cast %xor3A_544 : vector<16xi32> to vector<16x1xi32>
      %gather3A_546 = vector.shape_cast %broadcast_in_dim3A_545 : vector<16x1xi32> to vector<16xi32>
      %gather3A_547 = tpu.dynamic_gather %max3A_541[%gather3A_546] in [0] : vector<16xf32>, vector<16xi32> -> vector<16xf32>
      %max3A_548 = arith.maximumf %max3A_541, %gather3A_547 : vector<16xf32>
      %xor3A_549 = arith.constant 4 : i32
      %xor3A_550 = vector.broadcast %xor3A_549 : i32 to vector<16xi32>
      %xor3A_551 = arith.xori %iota3A, %xor3A_550 : vector<16xi32>
      %broadcast_in_dim3A_552 = vector.shape_cast %xor3A_551 : vector<16xi32> to vector<16x1xi32>
      %gather3A_553 = vector.shape_cast %broadcast_in_dim3A_552 : vector<16x1xi32> to vector<16xi32>
      %gather3A_554 = tpu.dynamic_gather %max3A_548[%gather3A_553] in [0] : vector<16xf32>, vector<16xi32> -> vector<16xf32>
      %max3A_555 = arith.maximumf %max3A_548, %gather3A_554 : vector<16xf32>
      %xor3A_556 = arith.constant 8 : i32
      %xor3A_557 = vector.broadcast %xor3A_556 : i32 to vector<16xi32>
      %xor3A_558 = arith.xori %iota3A, %xor3A_557 : vector<16xi32>
      %broadcast_in_dim3A_559 = vector.shape_cast %xor3A_558 : vector<16xi32> to vector<16x1xi32>
      %gather3A_560 = vector.shape_cast %broadcast_in_dim3A_559 : vector<16x1xi32> to vector<16xi32>
      %gather3A_561 = tpu.dynamic_gather %max3A_555[%gather3A_560] in [0] : vector<16xf32>, vector<16xi32> -> vector<16xf32>
      %max3A_562 = arith.maximumf %max3A_555, %gather3A_561 : vector<16xf32>
      %eq3A_563 = arith.cmpf oeq, %select_n3A_534, %max3A_562 : vector<16xf32>
      %jit3A_564 = arith.constant 16 : i32
      %broadcast_in_dim3A_565 = vector.broadcast %jit3A_564 : i32 to vector<16xi32>
      %select_n3A_566 = arith.select %eq3A_563, %iota3A, %broadcast_in_dim3A_565 : vector<16xi1>, vector<16xi32>
      %xor3A_567 = arith.constant 1 : i32
      %xor3A_568 = vector.broadcast %xor3A_567 : i32 to vector<16xi32>
      %xor3A_569 = arith.xori %iota3A, %xor3A_568 : vector<16xi32>
      %broadcast_in_dim3A_570 = vector.shape_cast %xor3A_569 : vector<16xi32> to vector<16x1xi32>
      %gather3A_571 = vector.shape_cast %broadcast_in_dim3A_570 : vector<16x1xi32> to vector<16xi32>
      %gather3A_572 = tpu.dynamic_gather %select_n3A_566[%gather3A_571] in [0] : vector<16xi32>, vector<16xi32> -> vector<16xi32>
      %min3A_573 = arith.minsi %select_n3A_566, %gather3A_572 : vector<16xi32>
      %xor3A_574 = arith.constant 2 : i32
      %xor3A_575 = vector.broadcast %xor3A_574 : i32 to vector<16xi32>
      %xor3A_576 = arith.xori %iota3A, %xor3A_575 : vector<16xi32>
      %broadcast_in_dim3A_577 = vector.shape_cast %xor3A_576 : vector<16xi32> to vector<16x1xi32>
      %gather3A_578 = vector.shape_cast %broadcast_in_dim3A_577 : vector<16x1xi32> to vector<16xi32>
      %gather3A_579 = tpu.dynamic_gather %min3A_573[%gather3A_578] in [0] : vector<16xi32>, vector<16xi32> -> vector<16xi32>
      %min3A_580 = arith.minsi %min3A_573, %gather3A_579 : vector<16xi32>
      %xor3A_581 = arith.constant 4 : i32
      %xor3A_582 = vector.broadcast %xor3A_581 : i32 to vector<16xi32>
      %xor3A_583 = arith.xori %iota3A, %xor3A_582 : vector<16xi32>
      %broadcast_in_dim3A_584 = vector.shape_cast %xor3A_583 : vector<16xi32> to vector<16x1xi32>
      %gather3A_585 = vector.shape_cast %broadcast_in_dim3A_584 : vector<16x1xi32> to vector<16xi32>
      %gather3A_586 = tpu.dynamic_gather %min3A_580[%gather3A_585] in [0] : vector<16xi32>, vector<16xi32> -> vector<16xi32>
      %min3A_587 = arith.minsi %min3A_580, %gather3A_586 : vector<16xi32>
      %xor3A_588 = arith.constant 8 : i32
      %xor3A_589 = vector.broadcast %xor3A_588 : i32 to vector<16xi32>
      %xor3A_590 = arith.xori %iota3A, %xor3A_589 : vector<16xi32>
      %broadcast_in_dim3A_591 = vector.shape_cast %xor3A_590 : vector<16xi32> to vector<16x1xi32>
      %gather3A_592 = vector.shape_cast %broadcast_in_dim3A_591 : vector<16x1xi32> to vector<16xi32>
      %gather3A_593 = tpu.dynamic_gather %min3A_587[%gather3A_592] in [0] : vector<16xi32>, vector<16xi32> -> vector<16xi32>
      %min3A_594 = arith.minsi %min3A_587, %gather3A_593 : vector<16xi32>
      %eq3A_595 = arith.constant 6 : i32
      %eq3A_596 = vector.broadcast %eq3A_595 : i32 to vector<16xi32>
      %eq3A_597 = arith.cmpi eq, %iota3A, %eq3A_596 : vector<16xi32>
      %select_n3A_598 = arith.select %eq3A_597, %min3A_530, %select_n3A_447 : vector<16xi1>, vector<16xi32>
      %eq3A_599 = arith.constant 7 : i32
      %eq3A_600 = vector.broadcast %eq3A_599 : i32 to vector<16xi32>
      %eq3A_601 = arith.cmpi eq, %iota3A, %eq3A_600 : vector<16xi32>
      %select_n3A_602 = arith.select %eq3A_601, %min3A_594, %select_n3A_598 : vector<16xi1>, vector<16xi32>
      %eq3A_603 = arith.constant 6 : i32
      %eq3A_604 = vector.broadcast %eq3A_603 : i32 to vector<16xi32>
      %eq3A_605 = arith.cmpi eq, %iota3A, %eq3A_604 : vector<16xi32>
      %select_n3A_606 = arith.select %eq3A_605, %max3A_498, %select_n3A_455 : vector<16xi1>, vector<16xf32>
      %eq3A_607 = arith.constant 7 : i32
      %eq3A_608 = vector.broadcast %eq3A_607 : i32 to vector<16xi32>
      %eq3A_609 = arith.cmpi eq, %iota3A, %eq3A_608 : vector<16xi32>
      %select_n3A_610 = arith.select %eq3A_609, %max3A_562, %select_n3A_606 : vector<16xi1>, vector<16xf32>
      %eq3A_611 = arith.cmpi eq, %iota3A, %min3A_530 : vector<16xi32>
      %jit3A_612 = arith.constant 0.000000e+00 : f32
      %broadcast_in_dim3A_613 = vector.broadcast %jit3A_612 : f32 to vector<16xf32>
      %select_n3A_614 = arith.select %eq3A_611, %max3A_498, %broadcast_in_dim3A_613 : vector<16xi1>, vector<16xf32>
      %add3A_615 = arith.addf %add3A_465, %select_n3A_614 : vector<16xf32>
      %eq3A_616 = arith.cmpi eq, %iota3A, %min3A_594 : vector<16xi32>
      %jit3A_617 = arith.constant 0.000000e+00 : f32
      %broadcast_in_dim3A_618 = vector.broadcast %jit3A_617 : f32 to vector<16xf32>
      %select_n3A_619 = arith.select %eq3A_616, %max3A_562, %broadcast_in_dim3A_618 : vector<16xi1>, vector<16xf32>
      %add3A_620 = arith.addf %add3A_615, %select_n3A_619 : vector<16xf32>
      %get3A_621 = arith.constant 4 : i32
      %get3A_622 = arith.index_cast %get3A_621 : i32 to index
      %get3A_623 = arith.constant 0 : index
      %get3A_624 = tpu.vector_load %arg6[%get3A_622, %get3A_623] {strides = array<i32>} : memref<8x16xf32, #tpu.memory_space<vmem>>, vector<1x16xf32>,
      %get3A_625 = vector.shape_cast %get3A_624 : vector<1x16xf32> to vector<16xf32>
      %xor3A_626 = arith.constant 1 : i32
      %xor3A_627 = vector.broadcast %xor3A_626 : i32 to vector<16xi32>
      %xor3A_628 = arith.xori %iota3A, %xor3A_627 : vector<16xi32>
      %broadcast_in_dim3A_629 = vector.shape_cast %xor3A_628 : vector<16xi32> to vector<16x1xi32>
      %gather3A_630 = vector.shape_cast %broadcast_in_dim3A_629 : vector<16x1xi32> to vector<16xi32>
      %gather3A_631 = tpu.dynamic_gather %get3A_625[%gather3A_630] in [0] : vector<16xf32>, vector<16xi32> -> vector<16xf32>
      %max3A_632 = arith.maximumf %get3A_625, %gather3A_631 : vector<16xf32>
      %xor3A_633 = arith.constant 2 : i32
      %xor3A_634 = vector.broadcast %xor3A_633 : i32 to vector<16xi32>
      %xor3A_635 = arith.xori %iota3A, %xor3A_634 : vector<16xi32>
      %broadcast_in_dim3A_636 = vector.shape_cast %xor3A_635 : vector<16xi32> to vector<16x1xi32>
      %gather3A_637 = vector.shape_cast %broadcast_in_dim3A_636 : vector<16x1xi32> to vector<16xi32>
      %gather3A_638 = tpu.dynamic_gather %max3A_632[%gather3A_637] in [0] : vector<16xf32>, vector<16xi32> -> vector<16xf32>
      %max3A_639 = arith.maximumf %max3A_632, %gather3A_638 : vector<16xf32>
      %xor3A_640 = arith.constant 4 : i32
      %xor3A_641 = vector.broadcast %xor3A_640 : i32 to vector<16xi32>
      %xor3A_642 = arith.xori %iota3A, %xor3A_641 : vector<16xi32>
      %broadcast_in_dim3A_643 = vector.shape_cast %xor3A_642 : vector<16xi32> to vector<16x1xi32>
      %gather3A_644 = vector.shape_cast %broadcast_in_dim3A_643 : vector<16x1xi32> to vector<16xi32>
      %gather3A_645 = tpu.dynamic_gather %max3A_639[%gather3A_644] in [0] : vector<16xf32>, vector<16xi32> -> vector<16xf32>
      %max3A_646 = arith.maximumf %max3A_639, %gather3A_645 : vector<16xf32>
      %xor3A_647 = arith.constant 8 : i32
      %xor3A_648 = vector.broadcast %xor3A_647 : i32 to vector<16xi32>
      %xor3A_649 = arith.xori %iota3A, %xor3A_648 : vector<16xi32>
      %broadcast_in_dim3A_650 = vector.shape_cast %xor3A_649 : vector<16xi32> to vector<16x1xi32>
      %gather3A_651 = vector.shape_cast %broadcast_in_dim3A_650 : vector<16x1xi32> to vector<16xi32>
      %gather3A_652 = tpu.dynamic_gather %max3A_646[%gather3A_651] in [0] : vector<16xf32>, vector<16xi32> -> vector<16xf32>
      %max3A_653 = arith.maximumf %max3A_646, %gather3A_652 : vector<16xf32>
      %eq3A_654 = arith.cmpf oeq, %get3A_625, %max3A_653 : vector<16xf32>
      %jit3A_655 = arith.constant 16 : i32
      %broadcast_in_dim3A_656 = vector.broadcast %jit3A_655 : i32 to vector<16xi32>
      %select_n3A_657 = arith.select %eq3A_654, %iota3A, %broadcast_in_dim3A_656 : vector<16xi1>, vector<16xi32>
      %xor3A_658 = arith.constant 1 : i32
      %xor3A_659 = vector.broadcast %xor3A_658 : i32 to vector<16xi32>
      %xor3A_660 = arith.xori %iota3A, %xor3A_659 : vector<16xi32>
      %broadcast_in_dim3A_661 = vector.shape_cast %xor3A_660 : vector<16xi32> to vector<16x1xi32>
      %gather3A_662 = vector.shape_cast %broadcast_in_dim3A_661 : vector<16x1xi32> to vector<16xi32>
      %gather3A_663 = tpu.dynamic_gather %select_n3A_657[%gather3A_662] in [0] : vector<16xi32>, vector<16xi32> -> vector<16xi32>
      %min3A_664 = arith.minsi %select_n3A_657, %gather3A_663 : vector<16xi32>
      %xor3A_665 = arith.constant 2 : i32
      %xor3A_666 = vector.broadcast %xor3A_665 : i32 to vector<16xi32>
      %xor3A_667 = arith.xori %iota3A, %xor3A_666 : vector<16xi32>
      %broadcast_in_dim3A_668 = vector.shape_cast %xor3A_667 : vector<16xi32> to vector<16x1xi32>
      %gather3A_669 = vector.shape_cast %broadcast_in_dim3A_668 : vector<16x1xi32> to vector<16xi32>
      %gather3A_670 = tpu.dynamic_gather %min3A_664[%gather3A_669] in [0] : vector<16xi32>, vector<16xi32> -> vector<16xi32>
      %min3A_671 = arith.minsi %min3A_664, %gather3A_670 : vector<16xi32>
      %xor3A_672 = arith.constant 4 : i32
      %xor3A_673 = vector.broadcast %xor3A_672 : i32 to vector<16xi32>
      %xor3A_674 = arith.xori %iota3A, %xor3A_673 : vector<16xi32>
      %broadcast_in_dim3A_675 = vector.shape_cast %xor3A_674 : vector<16xi32> to vector<16x1xi32>
      %gather3A_676 = vector.shape_cast %broadcast_in_dim3A_675 : vector<16x1xi32> to vector<16xi32>
      %gather3A_677 = tpu.dynamic_gather %min3A_671[%gather3A_676] in [0] : vector<16xi32>, vector<16xi32> -> vector<16xi32>
      %min3A_678 = arith.minsi %min3A_671, %gather3A_677 : vector<16xi32>
      %xor3A_679 = arith.constant 8 : i32
      %xor3A_680 = vector.broadcast %xor3A_679 : i32 to vector<16xi32>
      %xor3A_681 = arith.xori %iota3A, %xor3A_680 : vector<16xi32>
      %broadcast_in_dim3A_682 = vector.shape_cast %xor3A_681 : vector<16xi32> to vector<16x1xi32>
      %gather3A_683 = vector.shape_cast %broadcast_in_dim3A_682 : vector<16x1xi32> to vector<16xi32>
      %gather3A_684 = tpu.dynamic_gather %min3A_678[%gather3A_683] in [0] : vector<16xi32>, vector<16xi32> -> vector<16xi32>
      %min3A_685 = arith.minsi %min3A_678, %gather3A_684 : vector<16xi32>
      %eq3A_686 = arith.cmpi eq, %iota3A, %min3A_685 : vector<16xi32>
      %jit3A_687 = arith.constant -2.000000e+00 : f32
      %broadcast_in_dim3A_688 = vector.broadcast %jit3A_687 : f32 to vector<16xf32>
      %select_n3A_689 = arith.select %eq3A_686, %broadcast_in_dim3A_688, %get3A_625 : vector<16xi1>, vector<16xf32>
      %xor3A_690 = arith.constant 1 : i32
      %xor3A_691 = vector.broadcast %xor3A_690 : i32 to vector<16xi32>
      %xor3A_692 = arith.xori %iota3A, %xor3A_691 : vector<16xi32>
      %broadcast_in_dim3A_693 = vector.shape_cast %xor3A_692 : vector<16xi32> to vector<16x1xi32>
      %gather3A_694 = vector.shape_cast %broadcast_in_dim3A_693 : vector<16x1xi32> to vector<16xi32>
      %gather3A_695 = tpu.dynamic_gather %select_n3A_689[%gather3A_694] in [0] : vector<16xf32>, vector<16xi32> -> vector<16xf32>
      %max3A_696 = arith.maximumf %select_n3A_689, %gather3A_695 : vector<16xf32>
      %xor3A_697 = arith.constant 2 : i32
      %xor3A_698 = vector.broadcast %xor3A_697 : i32 to vector<16xi32>
      %xor3A_699 = arith.xori %iota3A, %xor3A_698 : vector<16xi32>
      %broadcast_in_dim3A_700 = vector.shape_cast %xor3A_699 : vector<16xi32> to vector<16x1xi32>
      %gather3A_701 = vector.shape_cast %broadcast_in_dim3A_700 : vector<16x1xi32> to vector<16xi32>
      %gather3A_702 = tpu.dynamic_gather %max3A_696[%gather3A_701] in [0] : vector<16xf32>, vector<16xi32> -> vector<16xf32>
      %max3A_703 = arith.maximumf %max3A_696, %gather3A_702 : vector<16xf32>
      %xor3A_704 = arith.constant 4 : i32
      %xor3A_705 = vector.broadcast %xor3A_704 : i32 to vector<16xi32>
      %xor3A_706 = arith.xori %iota3A, %xor3A_705 : vector<16xi32>
      %broadcast_in_dim3A_707 = vector.shape_cast %xor3A_706 : vector<16xi32> to vector<16x1xi32>
      %gather3A_708 = vector.shape_cast %broadcast_in_dim3A_707 : vector<16x1xi32> to vector<16xi32>
      %gather3A_709 = tpu.dynamic_gather %max3A_703[%gather3A_708] in [0] : vector<16xf32>, vector<16xi32> -> vector<16xf32>
      %max3A_710 = arith.maximumf %max3A_703, %gather3A_709 : vector<16xf32>
      %xor3A_711 = arith.constant 8 : i32
      %xor3A_712 = vector.broadcast %xor3A_711 : i32 to vector<16xi32>
      %xor3A_713 = arith.xori %iota3A, %xor3A_712 : vector<16xi32>
      %broadcast_in_dim3A_714 = vector.shape_cast %xor3A_713 : vector<16xi32> to vector<16x1xi32>
      %gather3A_715 = vector.shape_cast %broadcast_in_dim3A_714 : vector<16x1xi32> to vector<16xi32>
      %gather3A_716 = tpu.dynamic_gather %max3A_710[%gather3A_715] in [0] : vector<16xf32>, vector<16xi32> -> vector<16xf32>
      %max3A_717 = arith.maximumf %max3A_710, %gather3A_716 : vector<16xf32>
      %eq3A_718 = arith.cmpf oeq, %select_n3A_689, %max3A_717 : vector<16xf32>
      %jit3A_719 = arith.constant 16 : i32
      %broadcast_in_dim3A_720 = vector.broadcast %jit3A_719 : i32 to vector<16xi32>
      %select_n3A_721 = arith.select %eq3A_718, %iota3A, %broadcast_in_dim3A_720 : vector<16xi1>, vector<16xi32>
      %xor3A_722 = arith.constant 1 : i32
      %xor3A_723 = vector.broadcast %xor3A_722 : i32 to vector<16xi32>
      %xor3A_724 = arith.xori %iota3A, %xor3A_723 : vector<16xi32>
      %broadcast_in_dim3A_725 = vector.shape_cast %xor3A_724 : vector<16xi32> to vector<16x1xi32>
      %gather3A_726 = vector.shape_cast %broadcast_in_dim3A_725 : vector<16x1xi32> to vector<16xi32>
      %gather3A_727 = tpu.dynamic_gather %select_n3A_721[%gather3A_726] in [0] : vector<16xi32>, vector<16xi32> -> vector<16xi32>
      %min3A_728 = arith.minsi %select_n3A_721, %gather3A_727 : vector<16xi32>
      %xor3A_729 = arith.constant 2 : i32
      %xor3A_730 = vector.broadcast %xor3A_729 : i32 to vector<16xi32>
      %xor3A_731 = arith.xori %iota3A, %xor3A_730 : vector<16xi32>
      %broadcast_in_dim3A_732 = vector.shape_cast %xor3A_731 : vector<16xi32> to vector<16x1xi32>
      %gather3A_733 = vector.shape_cast %broadcast_in_dim3A_732 : vector<16x1xi32> to vector<16xi32>
      %gather3A_734 = tpu.dynamic_gather %min3A_728[%gather3A_733] in [0] : vector<16xi32>, vector<16xi32> -> vector<16xi32>
      %min3A_735 = arith.minsi %min3A_728, %gather3A_734 : vector<16xi32>
      %xor3A_736 = arith.constant 4 : i32
      %xor3A_737 = vector.broadcast %xor3A_736 : i32 to vector<16xi32>
      %xor3A_738 = arith.xori %iota3A, %xor3A_737 : vector<16xi32>
      %broadcast_in_dim3A_739 = vector.shape_cast %xor3A_738 : vector<16xi32> to vector<16x1xi32>
      %gather3A_740 = vector.shape_cast %broadcast_in_dim3A_739 : vector<16x1xi32> to vector<16xi32>
      %gather3A_741 = tpu.dynamic_gather %min3A_735[%gather3A_740] in [0] : vector<16xi32>, vector<16xi32> -> vector<16xi32>
      %min3A_742 = arith.minsi %min3A_735, %gather3A_741 : vector<16xi32>
      %xor3A_743 = arith.constant 8 : i32
      %xor3A_744 = vector.broadcast %xor3A_743 : i32 to vector<16xi32>
      %xor3A_745 = arith.xori %iota3A, %xor3A_744 : vector<16xi32>
      %broadcast_in_dim3A_746 = vector.shape_cast %xor3A_745 : vector<16xi32> to vector<16x1xi32>
      %gather3A_747 = vector.shape_cast %broadcast_in_dim3A_746 : vector<16x1xi32> to vector<16xi32>
      %gather3A_748 = tpu.dynamic_gather %min3A_742[%gather3A_747] in [0] : vector<16xi32>, vector<16xi32> -> vector<16xi32>
      %min3A_749 = arith.minsi %min3A_742, %gather3A_748 : vector<16xi32>
      %eq3A_750 = arith.constant 8 : i32
      %eq3A_751 = vector.broadcast %eq3A_750 : i32 to vector<16xi32>
      %eq3A_752 = arith.cmpi eq, %iota3A, %eq3A_751 : vector<16xi32>
      %select_n3A_753 = arith.select %eq3A_752, %min3A_685, %select_n3A_602 : vector<16xi1>, vector<16xi32>
      %eq3A_754 = arith.constant 9 : i32
      %eq3A_755 = vector.broadcast %eq3A_754 : i32 to vector<16xi32>
      %eq3A_756 = arith.cmpi eq, %iota3A, %eq3A_755 : vector<16xi32>
      %select_n3A_757 = arith.select %eq3A_756, %min3A_749, %select_n3A_753 : vector<16xi1>, vector<16xi32>
      %eq3A_758 = arith.constant 8 : i32
      %eq3A_759 = vector.broadcast %eq3A_758 : i32 to vector<16xi32>
      %eq3A_760 = arith.cmpi eq, %iota3A, %eq3A_759 : vector<16xi32>
      %select_n3A_761 = arith.select %eq3A_760, %max3A_653, %select_n3A_610 : vector<16xi1>, vector<16xf32>
      %eq3A_762 = arith.constant 9 : i32
      %eq3A_763 = vector.broadcast %eq3A_762 : i32 to vector<16xi32>
      %eq3A_764 = arith.cmpi eq, %iota3A, %eq3A_763 : vector<16xi32>
      %select_n3A_765 = arith.select %eq3A_764, %max3A_717, %select_n3A_761 : vector<16xi1>, vector<16xf32>
      %eq3A_766 = arith.cmpi eq, %iota3A, %min3A_685 : vector<16xi32>
      %jit3A_767 = arith.constant 0.000000e+00 : f32
      %broadcast_in_dim3A_768 = vector.broadcast %jit3A_767 : f32 to vector<16xf32>
      %select_n3A_769 = arith.select %eq3A_766, %max3A_653, %broadcast_in_dim3A_768 : vector<16xi1>, vector<16xf32>
      %add3A_770 = arith.addf %add3A_620, %select_n3A_769 : vector<16xf32>
      %eq3A_771 = arith.cmpi eq, %iota3A, %min3A_749 : vector<16xi32>
      %jit3A_772 = arith.constant 0.000000e+00 : f32
      %broadcast_in_dim3A_773 = vector.broadcast %jit3A_772 : f32 to vector<16xf32>
      %select_n3A_774 = arith.select %eq3A_771, %max3A_717, %broadcast_in_dim3A_773 : vector<16xi1>, vector<16xf32>
      %add3A_775 = arith.addf %add3A_770, %select_n3A_774 : vector<16xf32>
      %get3A_776 = arith.constant 5 : i32
      %get3A_777 = arith.index_cast %get3A_776 : i32 to index
      %get3A_778 = arith.constant 0 : index
      %get3A_779 = tpu.vector_load %arg6[%get3A_777, %get3A_778] {strides = array<i32>} : memref<8x16xf32, #tpu.memory_space<vmem>>, vector<1x16xf32>,
      %get3A_780 = vector.shape_cast %get3A_779 : vector<1x16xf32> to vector<16xf32>
      %xor3A_781 = arith.constant 1 : i32
      %xor3A_782 = vector.broadcast %xor3A_781 : i32 to vector<16xi32>
      %xor3A_783 = arith.xori %iota3A, %xor3A_782 : vector<16xi32>
      %broadcast_in_dim3A_784 = vector.shape_cast %xor3A_783 : vector<16xi32> to vector<16x1xi32>
      %gather3A_785 = vector.shape_cast %broadcast_in_dim3A_784 : vector<16x1xi32> to vector<16xi32>
      %gather3A_786 = tpu.dynamic_gather %get3A_780[%gather3A_785] in [0] : vector<16xf32>, vector<16xi32> -> vector<16xf32>
      %max3A_787 = arith.maximumf %get3A_780, %gather3A_786 : vector<16xf32>
      %xor3A_788 = arith.constant 2 : i32
      %xor3A_789 = vector.broadcast %xor3A_788 : i32 to vector<16xi32>
      %xor3A_790 = arith.xori %iota3A, %xor3A_789 : vector<16xi32>
      %broadcast_in_dim3A_791 = vector.shape_cast %xor3A_790 : vector<16xi32> to vector<16x1xi32>
      %gather3A_792 = vector.shape_cast %broadcast_in_dim3A_791 : vector<16x1xi32> to vector<16xi32>
      %gather3A_793 = tpu.dynamic_gather %max3A_787[%gather3A_792] in [0] : vector<16xf32>, vector<16xi32> -> vector<16xf32>
      %max3A_794 = arith.maximumf %max3A_787, %gather3A_793 : vector<16xf32>
      %xor3A_795 = arith.constant 4 : i32
      %xor3A_796 = vector.broadcast %xor3A_795 : i32 to vector<16xi32>
      %xor3A_797 = arith.xori %iota3A, %xor3A_796 : vector<16xi32>
      %broadcast_in_dim3A_798 = vector.shape_cast %xor3A_797 : vector<16xi32> to vector<16x1xi32>
      %gather3A_799 = vector.shape_cast %broadcast_in_dim3A_798 : vector<16x1xi32> to vector<16xi32>
      %gather3A_800 = tpu.dynamic_gather %max3A_794[%gather3A_799] in [0] : vector<16xf32>, vector<16xi32> -> vector<16xf32>
      %max3A_801 = arith.maximumf %max3A_794, %gather3A_800 : vector<16xf32>
      %xor3A_802 = arith.constant 8 : i32
      %xor3A_803 = vector.broadcast %xor3A_802 : i32 to vector<16xi32>
      %xor3A_804 = arith.xori %iota3A, %xor3A_803 : vector<16xi32>
      %broadcast_in_dim3A_805 = vector.shape_cast %xor3A_804 : vector<16xi32> to vector<16x1xi32>
      %gather3A_806 = vector.shape_cast %broadcast_in_dim3A_805 : vector<16x1xi32> to vector<16xi32>
      %gather3A_807 = tpu.dynamic_gather %max3A_801[%gather3A_806] in [0] : vector<16xf32>, vector<16xi32> -> vector<16xf32>
      %max3A_808 = arith.maximumf %max3A_801, %gather3A_807 : vector<16xf32>
      %eq3A_809 = arith.cmpf oeq, %get3A_780, %max3A_808 : vector<16xf32>
      %jit3A_810 = arith.constant 16 : i32
      %broadcast_in_dim3A_811 = vector.broadcast %jit3A_810 : i32 to vector<16xi32>
      %select_n3A_812 = arith.select %eq3A_809, %iota3A, %broadcast_in_dim3A_811 : vector<16xi1>, vector<16xi32>
      %xor3A_813 = arith.constant 1 : i32
      %xor3A_814 = vector.broadcast %xor3A_813 : i32 to vector<16xi32>
      %xor3A_815 = arith.xori %iota3A, %xor3A_814 : vector<16xi32>
      %broadcast_in_dim3A_816 = vector.shape_cast %xor3A_815 : vector<16xi32> to vector<16x1xi32>
      %gather3A_817 = vector.shape_cast %broadcast_in_dim3A_816 : vector<16x1xi32> to vector<16xi32>
      %gather3A_818 = tpu.dynamic_gather %select_n3A_812[%gather3A_817] in [0] : vector<16xi32>, vector<16xi32> -> vector<16xi32>
      %min3A_819 = arith.minsi %select_n3A_812, %gather3A_818 : vector<16xi32>
      %xor3A_820 = arith.constant 2 : i32
      %xor3A_821 = vector.broadcast %xor3A_820 : i32 to vector<16xi32>
      %xor3A_822 = arith.xori %iota3A, %xor3A_821 : vector<16xi32>
      %broadcast_in_dim3A_823 = vector.shape_cast %xor3A_822 : vector<16xi32> to vector<16x1xi32>
      %gather3A_824 = vector.shape_cast %broadcast_in_dim3A_823 : vector<16x1xi32> to vector<16xi32>
      %gather3A_825 = tpu.dynamic_gather %min3A_819[%gather3A_824] in [0] : vector<16xi32>, vector<16xi32> -> vector<16xi32>
      %min3A_826 = arith.minsi %min3A_819, %gather3A_825 : vector<16xi32>
      %xor3A_827 = arith.constant 4 : i32
      %xor3A_828 = vector.broadcast %xor3A_827 : i32 to vector<16xi32>
      %xor3A_829 = arith.xori %iota3A, %xor3A_828 : vector<16xi32>
      %broadcast_in_dim3A_830 = vector.shape_cast %xor3A_829 : vector<16xi32> to vector<16x1xi32>
      %gather3A_831 = vector.shape_cast %broadcast_in_dim3A_830 : vector<16x1xi32> to vector<16xi32>
      %gather3A_832 = tpu.dynamic_gather %min3A_826[%gather3A_831] in [0] : vector<16xi32>, vector<16xi32> -> vector<16xi32>
      %min3A_833 = arith.minsi %min3A_826, %gather3A_832 : vector<16xi32>
      %xor3A_834 = arith.constant 8 : i32
      %xor3A_835 = vector.broadcast %xor3A_834 : i32 to vector<16xi32>
      %xor3A_836 = arith.xori %iota3A, %xor3A_835 : vector<16xi32>
      %broadcast_in_dim3A_837 = vector.shape_cast %xor3A_836 : vector<16xi32> to vector<16x1xi32>
      %gather3A_838 = vector.shape_cast %broadcast_in_dim3A_837 : vector<16x1xi32> to vector<16xi32>
      %gather3A_839 = tpu.dynamic_gather %min3A_833[%gather3A_838] in [0] : vector<16xi32>, vector<16xi32> -> vector<16xi32>
      %min3A_840 = arith.minsi %min3A_833, %gather3A_839 : vector<16xi32>
      %eq3A_841 = arith.cmpi eq, %iota3A, %min3A_840 : vector<16xi32>
      %jit3A_842 = arith.constant -2.000000e+00 : f32
      %broadcast_in_dim3A_843 = vector.broadcast %jit3A_842 : f32 to vector<16xf32>
      %select_n3A_844 = arith.select %eq3A_841, %broadcast_in_dim3A_843, %get3A_780 : vector<16xi1>, vector<16xf32>
      %xor3A_845 = arith.constant 1 : i32
      %xor3A_846 = vector.broadcast %xor3A_845 : i32 to vector<16xi32>
      %xor3A_847 = arith.xori %iota3A, %xor3A_846 : vector<16xi32>
      %broadcast_in_dim3A_848 = vector.shape_cast %xor3A_847 : vector<16xi32> to vector<16x1xi32>
      %gather3A_849 = vector.shape_cast %broadcast_in_dim3A_848 : vector<16x1xi32> to vector<16xi32>
      %gather3A_850 = tpu.dynamic_gather %select_n3A_844[%gather3A_849] in [0] : vector<16xf32>, vector<16xi32> -> vector<16xf32>
      %max3A_851 = arith.maximumf %select_n3A_844, %gather3A_850 : vector<16xf32>
      %xor3A_852 = arith.constant 2 : i32
      %xor3A_853 = vector.broadcast %xor3A_852 : i32 to vector<16xi32>
      %xor3A_854 = arith.xori %iota3A, %xor3A_853 : vector<16xi32>
      %broadcast_in_dim3A_855 = vector.shape_cast %xor3A_854 : vector<16xi32> to vector<16x1xi32>
      %gather3A_856 = vector.shape_cast %broadcast_in_dim3A_855 : vector<16x1xi32> to vector<16xi32>
      %gather3A_857 = tpu.dynamic_gather %max3A_851[%gather3A_856] in [0] : vector<16xf32>, vector<16xi32> -> vector<16xf32>
      %max3A_858 = arith.maximumf %max3A_851, %gather3A_857 : vector<16xf32>
      %xor3A_859 = arith.constant 4 : i32
      %xor3A_860 = vector.broadcast %xor3A_859 : i32 to vector<16xi32>
      %xor3A_861 = arith.xori %iota3A, %xor3A_860 : vector<16xi32>
      %broadcast_in_dim3A_862 = vector.shape_cast %xor3A_861 : vector<16xi32> to vector<16x1xi32>
      %gather3A_863 = vector.shape_cast %broadcast_in_dim3A_862 : vector<16x1xi32> to vector<16xi32>
      %gather3A_864 = tpu.dynamic_gather %max3A_858[%gather3A_863] in [0] : vector<16xf32>, vector<16xi32> -> vector<16xf32>
      %max3A_865 = arith.maximumf %max3A_858, %gather3A_864 : vector<16xf32>
      %xor3A_866 = arith.constant 8 : i32
      %xor3A_867 = vector.broadcast %xor3A_866 : i32 to vector<16xi32>
      %xor3A_868 = arith.xori %iota3A, %xor3A_867 : vector<16xi32>
      %broadcast_in_dim3A_869 = vector.shape_cast %xor3A_868 : vector<16xi32> to vector<16x1xi32>
      %gather3A_870 = vector.shape_cast %broadcast_in_dim3A_869 : vector<16x1xi32> to vector<16xi32>
      %gather3A_871 = tpu.dynamic_gather %max3A_865[%gather3A_870] in [0] : vector<16xf32>, vector<16xi32> -> vector<16xf32>
      %max3A_872 = arith.maximumf %max3A_865, %gather3A_871 : vector<16xf32>
      %eq3A_873 = arith.cmpf oeq, %select_n3A_844, %max3A_872 : vector<16xf32>
      %jit3A_874 = arith.constant 16 : i32
      %broadcast_in_dim3A_875 = vector.broadcast %jit3A_874 : i32 to vector<16xi32>
      %select_n3A_876 = arith.select %eq3A_873, %iota3A, %broadcast_in_dim3A_875 : vector<16xi1>, vector<16xi32>
      %xor3A_877 = arith.constant 1 : i32
      %xor3A_878 = vector.broadcast %xor3A_877 : i32 to vector<16xi32>
      %xor3A_879 = arith.xori %iota3A, %xor3A_878 : vector<16xi32>
      %broadcast_in_dim3A_880 = vector.shape_cast %xor3A_879 : vector<16xi32> to vector<16x1xi32>
      %gather3A_881 = vector.shape_cast %broadcast_in_dim3A_880 : vector<16x1xi32> to vector<16xi32>
      %gather3A_882 = tpu.dynamic_gather %select_n3A_876[%gather3A_881] in [0] : vector<16xi32>, vector<16xi32> -> vector<16xi32>
      %min3A_883 = arith.minsi %select_n3A_876, %gather3A_882 : vector<16xi32>
      %xor3A_884 = arith.constant 2 : i32
      %xor3A_885 = vector.broadcast %xor3A_884 : i32 to vector<16xi32>
      %xor3A_886 = arith.xori %iota3A, %xor3A_885 : vector<16xi32>
      %broadcast_in_dim3A_887 = vector.shape_cast %xor3A_886 : vector<16xi32> to vector<16x1xi32>
      %gather3A_888 = vector.shape_cast %broadcast_in_dim3A_887 : vector<16x1xi32> to vector<16xi32>
      %gather3A_889 = tpu.dynamic_gather %min3A_883[%gather3A_888] in [0] : vector<16xi32>, vector<16xi32> -> vector<16xi32>
      %min3A_890 = arith.minsi %min3A_883, %gather3A_889 : vector<16xi32>
      %xor3A_891 = arith.constant 4 : i32
      %xor3A_892 = vector.broadcast %xor3A_891 : i32 to vector<16xi32>
      %xor3A_893 = arith.xori %iota3A, %xor3A_892 : vector<16xi32>
      %broadcast_in_dim3A_894 = vector.shape_cast %xor3A_893 : vector<16xi32> to vector<16x1xi32>
      %gather3A_895 = vector.shape_cast %broadcast_in_dim3A_894 : vector<16x1xi32> to vector<16xi32>
      %gather3A_896 = tpu.dynamic_gather %min3A_890[%gather3A_895] in [0] : vector<16xi32>, vector<16xi32> -> vector<16xi32>
      %min3A_897 = arith.minsi %min3A_890, %gather3A_896 : vector<16xi32>
      %xor3A_898 = arith.constant 8 : i32
      %xor3A_899 = vector.broadcast %xor3A_898 : i32 to vector<16xi32>
      %xor3A_900 = arith.xori %iota3A, %xor3A_899 : vector<16xi32>
      %broadcast_in_dim3A_901 = vector.shape_cast %xor3A_900 : vector<16xi32> to vector<16x1xi32>
      %gather3A_902 = vector.shape_cast %broadcast_in_dim3A_901 : vector<16x1xi32> to vector<16xi32>
      %gather3A_903 = tpu.dynamic_gather %min3A_897[%gather3A_902] in [0] : vector<16xi32>, vector<16xi32> -> vector<16xi32>
      %min3A_904 = arith.minsi %min3A_897, %gather3A_903 : vector<16xi32>
      %eq3A_905 = arith.constant 10 : i32
      %eq3A_906 = vector.broadcast %eq3A_905 : i32 to vector<16xi32>
      %eq3A_907 = arith.cmpi eq, %iota3A, %eq3A_906 : vector<16xi32>
      %select_n3A_908 = arith.select %eq3A_907, %min3A_840, %select_n3A_757 : vector<16xi1>, vector<16xi32>
      %eq3A_909 = arith.constant 11 : i32
      %eq3A_910 = vector.broadcast %eq3A_909 : i32 to vector<16xi32>
      %eq3A_911 = arith.cmpi eq, %iota3A, %eq3A_910 : vector<16xi32>
      %select_n3A_912 = arith.select %eq3A_911, %min3A_904, %select_n3A_908 : vector<16xi1>, vector<16xi32>
      %eq3A_913 = arith.constant 10 : i32
      %eq3A_914 = vector.broadcast %eq3A_913 : i32 to vector<16xi32>
      %eq3A_915 = arith.cmpi eq, %iota3A, %eq3A_914 : vector<16xi32>
      %select_n3A_916 = arith.select %eq3A_915, %max3A_808, %select_n3A_765 : vector<16xi1>, vector<16xf32>
      %eq3A_917 = arith.constant 11 : i32
      %eq3A_918 = vector.broadcast %eq3A_917 : i32 to vector<16xi32>
      %eq3A_919 = arith.cmpi eq, %iota3A, %eq3A_918 : vector<16xi32>
      %select_n3A_920 = arith.select %eq3A_919, %max3A_872, %select_n3A_916 : vector<16xi1>, vector<16xf32>
      %eq3A_921 = arith.cmpi eq, %iota3A, %min3A_840 : vector<16xi32>
      %jit3A_922 = arith.constant 0.000000e+00 : f32
      %broadcast_in_dim3A_923 = vector.broadcast %jit3A_922 : f32 to vector<16xf32>
      %select_n3A_924 = arith.select %eq3A_921, %max3A_808, %broadcast_in_dim3A_923 : vector<16xi1>, vector<16xf32>
      %add3A_925 = arith.addf %add3A_775, %select_n3A_924 : vector<16xf32>
      %eq3A_926 = arith.cmpi eq, %iota3A, %min3A_904 : vector<16xi32>
      %jit3A_927 = arith.constant 0.000000e+00 : f32
      %broadcast_in_dim3A_928 = vector.broadcast %jit3A_927 : f32 to vector<16xf32>
      %select_n3A_929 = arith.select %eq3A_926, %max3A_872, %broadcast_in_dim3A_928 : vector<16xi1>, vector<16xf32>
      %add3A_930 = arith.addf %add3A_925, %select_n3A_929 : vector<16xf32>
      %get3A_931 = arith.constant 6 : i32
      %get3A_932 = arith.index_cast %get3A_931 : i32 to index
      %get3A_933 = arith.constant 0 : index
      %get3A_934 = tpu.vector_load %arg6[%get3A_932, %get3A_933] {strides = array<i32>} : memref<8x16xf32, #tpu.memory_space<vmem>>, vector<1x16xf32>,
      %get3A_935 = vector.shape_cast %get3A_934 : vector<1x16xf32> to vector<16xf32>
      %xor3A_936 = arith.constant 1 : i32
      %xor3A_937 = vector.broadcast %xor3A_936 : i32 to vector<16xi32>
      %xor3A_938 = arith.xori %iota3A, %xor3A_937 : vector<16xi32>
      %broadcast_in_dim3A_939 = vector.shape_cast %xor3A_938 : vector<16xi32> to vector<16x1xi32>
      %gather3A_940 = vector.shape_cast %broadcast_in_dim3A_939 : vector<16x1xi32> to vector<16xi32>
      %gather3A_941 = tpu.dynamic_gather %get3A_935[%gather3A_940] in [0] : vector<16xf32>, vector<16xi32> -> vector<16xf32>
      %max3A_942 = arith.maximumf %get3A_935, %gather3A_941 : vector<16xf32>
      %xor3A_943 = arith.constant 2 : i32
      %xor3A_944 = vector.broadcast %xor3A_943 : i32 to vector<16xi32>
      %xor3A_945 = arith.xori %iota3A, %xor3A_944 : vector<16xi32>
      %broadcast_in_dim3A_946 = vector.shape_cast %xor3A_945 : vector<16xi32> to vector<16x1xi32>
      %gather3A_947 = vector.shape_cast %broadcast_in_dim3A_946 : vector<16x1xi32> to vector<16xi32>
      %gather3A_948 = tpu.dynamic_gather %max3A_942[%gather3A_947] in [0] : vector<16xf32>, vector<16xi32> -> vector<16xf32>
      %max3A_949 = arith.maximumf %max3A_942, %gather3A_948 : vector<16xf32>
      %xor3A_950 = arith.constant 4 : i32
      %xor3A_951 = vector.broadcast %xor3A_950 : i32 to vector<16xi32>
      %xor3A_952 = arith.xori %iota3A, %xor3A_951 : vector<16xi32>
      %broadcast_in_dim3A_953 = vector.shape_cast %xor3A_952 : vector<16xi32> to vector<16x1xi32>
      %gather3A_954 = vector.shape_cast %broadcast_in_dim3A_953 : vector<16x1xi32> to vector<16xi32>
      %gather3A_955 = tpu.dynamic_gather %max3A_949[%gather3A_954] in [0] : vector<16xf32>, vector<16xi32> -> vector<16xf32>
      %max3A_956 = arith.maximumf %max3A_949, %gather3A_955 : vector<16xf32>
      %xor3A_957 = arith.constant 8 : i32
      %xor3A_958 = vector.broadcast %xor3A_957 : i32 to vector<16xi32>
      %xor3A_959 = arith.xori %iota3A, %xor3A_958 : vector<16xi32>
      %broadcast_in_dim3A_960 = vector.shape_cast %xor3A_959 : vector<16xi32> to vector<16x1xi32>
      %gather3A_961 = vector.shape_cast %broadcast_in_dim3A_960 : vector<16x1xi32> to vector<16xi32>
      %gather3A_962 = tpu.dynamic_gather %max3A_956[%gather3A_961] in [0] : vector<16xf32>, vector<16xi32> -> vector<16xf32>
      %max3A_963 = arith.maximumf %max3A_956, %gather3A_962 : vector<16xf32>
      %eq3A_964 = arith.cmpf oeq, %get3A_935, %max3A_963 : vector<16xf32>
      %jit3A_965 = arith.constant 16 : i32
      %broadcast_in_dim3A_966 = vector.broadcast %jit3A_965 : i32 to vector<16xi32>
      %select_n3A_967 = arith.select %eq3A_964, %iota3A, %broadcast_in_dim3A_966 : vector<16xi1>, vector<16xi32>
      %xor3A_968 = arith.constant 1 : i32
      %xor3A_969 = vector.broadcast %xor3A_968 : i32 to vector<16xi32>
      %xor3A_970 = arith.xori %iota3A, %xor3A_969 : vector<16xi32>
      %broadcast_in_dim3A_971 = vector.shape_cast %xor3A_970 : vector<16xi32> to vector<16x1xi32>
      %gather3A_972 = vector.shape_cast %broadcast_in_dim3A_971 : vector<16x1xi32> to vector<16xi32>
      %gather3A_973 = tpu.dynamic_gather %select_n3A_967[%gather3A_972] in [0] : vector<16xi32>, vector<16xi32> -> vector<16xi32>
      %min3A_974 = arith.minsi %select_n3A_967, %gather3A_973 : vector<16xi32>
      %xor3A_975 = arith.constant 2 : i32
      %xor3A_976 = vector.broadcast %xor3A_975 : i32 to vector<16xi32>
      %xor3A_977 = arith.xori %iota3A, %xor3A_976 : vector<16xi32>
      %broadcast_in_dim3A_978 = vector.shape_cast %xor3A_977 : vector<16xi32> to vector<16x1xi32>
      %gather3A_979 = vector.shape_cast %broadcast_in_dim3A_978 : vector<16x1xi32> to vector<16xi32>
      %gather3A_980 = tpu.dynamic_gather %min3A_974[%gather3A_979] in [0] : vector<16xi32>, vector<16xi32> -> vector<16xi32>
      %min3A_981 = arith.minsi %min3A_974, %gather3A_980 : vector<16xi32>
      %xor3A_982 = arith.constant 4 : i32
      %xor3A_983 = vector.broadcast %xor3A_982 : i32 to vector<16xi32>
      %xor3A_984 = arith.xori %iota3A, %xor3A_983 : vector<16xi32>
      %broadcast_in_dim3A_985 = vector.shape_cast %xor3A_984 : vector<16xi32> to vector<16x1xi32>
      %gather3A_986 = vector.shape_cast %broadcast_in_dim3A_985 : vector<16x1xi32> to vector<16xi32>
      %gather3A_987 = tpu.dynamic_gather %min3A_981[%gather3A_986] in [0] : vector<16xi32>, vector<16xi32> -> vector<16xi32>
      %min3A_988 = arith.minsi %min3A_981, %gather3A_987 : vector<16xi32>
      %xor3A_989 = arith.constant 8 : i32
      %xor3A_990 = vector.broadcast %xor3A_989 : i32 to vector<16xi32>
      %xor3A_991 = arith.xori %iota3A, %xor3A_990 : vector<16xi32>
      %broadcast_in_dim3A_992 = vector.shape_cast %xor3A_991 : vector<16xi32> to vector<16x1xi32>
      %gather3A_993 = vector.shape_cast %broadcast_in_dim3A_992 : vector<16x1xi32> to vector<16xi32>
      %gather3A_994 = tpu.dynamic_gather %min3A_988[%gather3A_993] in [0] : vector<16xi32>, vector<16xi32> -> vector<16xi32>
      %min3A_995 = arith.minsi %min3A_988, %gather3A_994 : vector<16xi32>
      %eq3A_996 = arith.cmpi eq, %iota3A, %min3A_995 : vector<16xi32>
      %jit3A_997 = arith.constant -2.000000e+00 : f32
      %broadcast_in_dim3A_998 = vector.broadcast %jit3A_997 : f32 to vector<16xf32>
      %select_n3A_999 = arith.select %eq3A_996, %broadcast_in_dim3A_998, %get3A_935 : vector<16xi1>, vector<16xf32>
      %xor3A_1000 = arith.constant 1 : i32
      %xor3A_1001 = vector.broadcast %xor3A_1000 : i32 to vector<16xi32>
      %xor3A_1002 = arith.xori %iota3A, %xor3A_1001 : vector<16xi32>
      %broadcast_in_dim3A_1003 = vector.shape_cast %xor3A_1002 : vector<16xi32> to vector<16x1xi32>
      %gather3A_1004 = vector.shape_cast %broadcast_in_dim3A_1003 : vector<16x1xi32> to vector<16xi32>
      %gather3A_1005 = tpu.dynamic_gather %select_n3A_999[%gather3A_1004] in [0] : vector<16xf32>, vector<16xi32> -> vector<16xf32>
      %max3A_1006 = arith.maximumf %select_n3A_999, %gather3A_1005 : vector<16xf32>
      %xor3A_1007 = arith.constant 2 : i32
      %xor3A_1008 = vector.broadcast %xor3A_1007 : i32 to vector<16xi32>
      %xor3A_1009 = arith.xori %iota3A, %xor3A_1008 : vector<16xi32>
      %broadcast_in_dim3A_1010 = vector.shape_cast %xor3A_1009 : vector<16xi32> to vector<16x1xi32>
      %gather3A_1011 = vector.shape_cast %broadcast_in_dim3A_1010 : vector<16x1xi32> to vector<16xi32>
      %gather3A_1012 = tpu.dynamic_gather %max3A_1006[%gather3A_1011] in [0] : vector<16xf32>, vector<16xi32> -> vector<16xf32>
      %max3A_1013 = arith.maximumf %max3A_1006, %gather3A_1012 : vector<16xf32>
      %xor3A_1014 = arith.constant 4 : i32
      %xor3A_1015 = vector.broadcast %xor3A_1014 : i32 to vector<16xi32>
      %xor3A_1016 = arith.xori %iota3A, %xor3A_1015 : vector<16xi32>
      %broadcast_in_dim3A_1017 = vector.shape_cast %xor3A_1016 : vector<16xi32> to vector<16x1xi32>
      %gather3A_1018 = vector.shape_cast %broadcast_in_dim3A_1017 : vector<16x1xi32> to vector<16xi32>
      %gather3A_1019 = tpu.dynamic_gather %max3A_1013[%gather3A_1018] in [0] : vector<16xf32>, vector<16xi32> -> vector<16xf32>
      %max3A_1020 = arith.maximumf %max3A_1013, %gather3A_1019 : vector<16xf32>
      %xor3A_1021 = arith.constant 8 : i32
      %xor3A_1022 = vector.broadcast %xor3A_1021 : i32 to vector<16xi32>
      %xor3A_1023 = arith.xori %iota3A, %xor3A_1022 : vector<16xi32>
      %broadcast_in_dim3A_1024 = vector.shape_cast %xor3A_1023 : vector<16xi32> to vector<16x1xi32>
      %gather3A_1025 = vector.shape_cast %broadcast_in_dim3A_1024 : vector<16x1xi32> to vector<16xi32>
      %gather3A_1026 = tpu.dynamic_gather %max3A_1020[%gather3A_1025] in [0] : vector<16xf32>, vector<16xi32> -> vector<16xf32>
      %max3A_1027 = arith.maximumf %max3A_1020, %gather3A_1026 : vector<16xf32>
      %eq3A_1028 = arith.cmpf oeq, %select_n3A_999, %max3A_1027 : vector<16xf32>
      %jit3A_1029 = arith.constant 16 : i32
      %broadcast_in_dim3A_1030 = vector.broadcast %jit3A_1029 : i32 to vector<16xi32>
      %select_n3A_1031 = arith.select %eq3A_1028, %iota3A, %broadcast_in_dim3A_1030 : vector<16xi1>, vector<16xi32>
      %xor3A_1032 = arith.constant 1 : i32
      %xor3A_1033 = vector.broadcast %xor3A_1032 : i32 to vector<16xi32>
      %xor3A_1034 = arith.xori %iota3A, %xor3A_1033 : vector<16xi32>
      %broadcast_in_dim3A_1035 = vector.shape_cast %xor3A_1034 : vector<16xi32> to vector<16x1xi32>
      %gather3A_1036 = vector.shape_cast %broadcast_in_dim3A_1035 : vector<16x1xi32> to vector<16xi32>
      %gather3A_1037 = tpu.dynamic_gather %select_n3A_1031[%gather3A_1036] in [0] : vector<16xi32>, vector<16xi32> -> vector<16xi32>
      %min3A_1038 = arith.minsi %select_n3A_1031, %gather3A_1037 : vector<16xi32>
      %xor3A_1039 = arith.constant 2 : i32
      %xor3A_1040 = vector.broadcast %xor3A_1039 : i32 to vector<16xi32>
      %xor3A_1041 = arith.xori %iota3A, %xor3A_1040 : vector<16xi32>
      %broadcast_in_dim3A_1042 = vector.shape_cast %xor3A_1041 : vector<16xi32> to vector<16x1xi32>
      %gather3A_1043 = vector.shape_cast %broadcast_in_dim3A_1042 : vector<16x1xi32> to vector<16xi32>
      %gather3A_1044 = tpu.dynamic_gather %min3A_1038[%gather3A_1043] in [0] : vector<16xi32>, vector<16xi32> -> vector<16xi32>
      %min3A_1045 = arith.minsi %min3A_1038, %gather3A_1044 : vector<16xi32>
      %xor3A_1046 = arith.constant 4 : i32
      %xor3A_1047 = vector.broadcast %xor3A_1046 : i32 to vector<16xi32>
      %xor3A_1048 = arith.xori %iota3A, %xor3A_1047 : vector<16xi32>
      %broadcast_in_dim3A_1049 = vector.shape_cast %xor3A_1048 : vector<16xi32> to vector<16x1xi32>
      %gather3A_1050 = vector.shape_cast %broadcast_in_dim3A_1049 : vector<16x1xi32> to vector<16xi32>
      %gather3A_1051 = tpu.dynamic_gather %min3A_1045[%gather3A_1050] in [0] : vector<16xi32>, vector<16xi32> -> vector<16xi32>
      %min3A_1052 = arith.minsi %min3A_1045, %gather3A_1051 : vector<16xi32>
      %xor3A_1053 = arith.constant 8 : i32
      %xor3A_1054 = vector.broadcast %xor3A_1053 : i32 to vector<16xi32>
      %xor3A_1055 = arith.xori %iota3A, %xor3A_1054 : vector<16xi32>
      %broadcast_in_dim3A_1056 = vector.shape_cast %xor3A_1055 : vector<16xi32> to vector<16x1xi32>
      %gather3A_1057 = vector.shape_cast %broadcast_in_dim3A_1056 : vector<16x1xi32> to vector<16xi32>
      %gather3A_1058 = tpu.dynamic_gather %min3A_1052[%gather3A_1057] in [0] : vector<16xi32>, vector<16xi32> -> vector<16xi32>
      %min3A_1059 = arith.minsi %min3A_1052, %gather3A_1058 : vector<16xi32>
      %eq3A_1060 = arith.constant 12 : i32
      %eq3A_1061 = vector.broadcast %eq3A_1060 : i32 to vector<16xi32>
      %eq3A_1062 = arith.cmpi eq, %iota3A, %eq3A_1061 : vector<16xi32>
      %select_n3A_1063 = arith.select %eq3A_1062, %min3A_995, %select_n3A_912 : vector<16xi1>, vector<16xi32>
      %eq3A_1064 = arith.constant 13 : i32
      %eq3A_1065 = vector.broadcast %eq3A_1064 : i32 to vector<16xi32>
      %eq3A_1066 = arith.cmpi eq, %iota3A, %eq3A_1065 : vector<16xi32>
      %select_n3A_1067 = arith.select %eq3A_1066, %min3A_1059, %select_n3A_1063 : vector<16xi1>, vector<16xi32>
      %eq3A_1068 = arith.constant 12 : i32
      %eq3A_1069 = vector.broadcast %eq3A_1068 : i32 to vector<16xi32>
      %eq3A_1070 = arith.cmpi eq, %iota3A, %eq3A_1069 : vector<16xi32>
      %select_n3A_1071 = arith.select %eq3A_1070, %max3A_963, %select_n3A_920 : vector<16xi1>, vector<16xf32>
      %eq3A_1072 = arith.constant 13 : i32
      %eq3A_1073 = vector.broadcast %eq3A_1072 : i32 to vector<16xi32>
      %eq3A_1074 = arith.cmpi eq, %iota3A, %eq3A_1073 : vector<16xi32>
      %select_n3A_1075 = arith.select %eq3A_1074, %max3A_1027, %select_n3A_1071 : vector<16xi1>, vector<16xf32>
      %eq3A_1076 = arith.cmpi eq, %iota3A, %min3A_995 : vector<16xi32>
      %jit3A_1077 = arith.constant 0.000000e+00 : f32
      %broadcast_in_dim3A_1078 = vector.broadcast %jit3A_1077 : f32 to vector<16xf32>
      %select_n3A_1079 = arith.select %eq3A_1076, %max3A_963, %broadcast_in_dim3A_1078 : vector<16xi1>, vector<16xf32>
      %add3A_1080 = arith.addf %add3A_930, %select_n3A_1079 : vector<16xf32>
      %eq3A_1081 = arith.cmpi eq, %iota3A, %min3A_1059 : vector<16xi32>
      %jit3A_1082 = arith.constant 0.000000e+00 : f32
      %broadcast_in_dim3A_1083 = vector.broadcast %jit3A_1082 : f32 to vector<16xf32>
      %select_n3A_1084 = arith.select %eq3A_1081, %max3A_1027, %broadcast_in_dim3A_1083 : vector<16xi1>, vector<16xf32>
      %add3A_1085 = arith.addf %add3A_1080, %select_n3A_1084 : vector<16xf32>
      %get3A_1086 = arith.constant 7 : i32
      %get3A_1087 = arith.index_cast %get3A_1086 : i32 to index
      %get3A_1088 = arith.constant 0 : index
      %get3A_1089 = tpu.vector_load %arg6[%get3A_1087, %get3A_1088] {strides = array<i32>} : memref<8x16xf32, #tpu.memory_space<vmem>>, vector<1x16xf32>,
      %get3A_1090 = vector.shape_cast %get3A_1089 : vector<1x16xf32> to vector<16xf32>
      %xor3A_1091 = arith.constant 1 : i32
      %xor3A_1092 = vector.broadcast %xor3A_1091 : i32 to vector<16xi32>
      %xor3A_1093 = arith.xori %iota3A, %xor3A_1092 : vector<16xi32>
      %broadcast_in_dim3A_1094 = vector.shape_cast %xor3A_1093 : vector<16xi32> to vector<16x1xi32>
      %gather3A_1095 = vector.shape_cast %broadcast_in_dim3A_1094 : vector<16x1xi32> to vector<16xi32>
      %gather3A_1096 = tpu.dynamic_gather %get3A_1090[%gather3A_1095] in [0] : vector<16xf32>, vector<16xi32> -> vector<16xf32>
      %max3A_1097 = arith.maximumf %get3A_1090, %gather3A_1096 : vector<16xf32>
      %xor3A_1098 = arith.constant 2 : i32
      %xor3A_1099 = vector.broadcast %xor3A_1098 : i32 to vector<16xi32>
      %xor3A_1100 = arith.xori %iota3A, %xor3A_1099 : vector<16xi32>
      %broadcast_in_dim3A_1101 = vector.shape_cast %xor3A_1100 : vector<16xi32> to vector<16x1xi32>
      %gather3A_1102 = vector.shape_cast %broadcast_in_dim3A_1101 : vector<16x1xi32> to vector<16xi32>
      %gather3A_1103 = tpu.dynamic_gather %max3A_1097[%gather3A_1102] in [0] : vector<16xf32>, vector<16xi32> -> vector<16xf32>
      %max3A_1104 = arith.maximumf %max3A_1097, %gather3A_1103 : vector<16xf32>
      %xor3A_1105 = arith.constant 4 : i32
      %xor3A_1106 = vector.broadcast %xor3A_1105 : i32 to vector<16xi32>
      %xor3A_1107 = arith.xori %iota3A, %xor3A_1106 : vector<16xi32>
      %broadcast_in_dim3A_1108 = vector.shape_cast %xor3A_1107 : vector<16xi32> to vector<16x1xi32>
      %gather3A_1109 = vector.shape_cast %broadcast_in_dim3A_1108 : vector<16x1xi32> to vector<16xi32>
      %gather3A_1110 = tpu.dynamic_gather %max3A_1104[%gather3A_1109] in [0] : vector<16xf32>, vector<16xi32> -> vector<16xf32>
      %max3A_1111 = arith.maximumf %max3A_1104, %gather3A_1110 : vector<16xf32>
      %xor3A_1112 = arith.constant 8 : i32
      %xor3A_1113 = vector.broadcast %xor3A_1112 : i32 to vector<16xi32>
      %xor3A_1114 = arith.xori %iota3A, %xor3A_1113 : vector<16xi32>
      %broadcast_in_dim3A_1115 = vector.shape_cast %xor3A_1114 : vector<16xi32> to vector<16x1xi32>
      %gather3A_1116 = vector.shape_cast %broadcast_in_dim3A_1115 : vector<16x1xi32> to vector<16xi32>
      %gather3A_1117 = tpu.dynamic_gather %max3A_1111[%gather3A_1116] in [0] : vector<16xf32>, vector<16xi32> -> vector<16xf32>
      %max3A_1118 = arith.maximumf %max3A_1111, %gather3A_1117 : vector<16xf32>
      %eq3A_1119 = arith.cmpf oeq, %get3A_1090, %max3A_1118 : vector<16xf32>
      %jit3A_1120 = arith.constant 16 : i32
      %broadcast_in_dim3A_1121 = vector.broadcast %jit3A_1120 : i32 to vector<16xi32>
      %select_n3A_1122 = arith.select %eq3A_1119, %iota3A, %broadcast_in_dim3A_1121 : vector<16xi1>, vector<16xi32>
      %xor3A_1123 = arith.constant 1 : i32
      %xor3A_1124 = vector.broadcast %xor3A_1123 : i32 to vector<16xi32>
      %xor3A_1125 = arith.xori %iota3A, %xor3A_1124 : vector<16xi32>
      %broadcast_in_dim3A_1126 = vector.shape_cast %xor3A_1125 : vector<16xi32> to vector<16x1xi32>
      %gather3A_1127 = vector.shape_cast %broadcast_in_dim3A_1126 : vector<16x1xi32> to vector<16xi32>
      %gather3A_1128 = tpu.dynamic_gather %select_n3A_1122[%gather3A_1127] in [0] : vector<16xi32>, vector<16xi32> -> vector<16xi32>
      %min3A_1129 = arith.minsi %select_n3A_1122, %gather3A_1128 : vector<16xi32>
      %xor3A_1130 = arith.constant 2 : i32
      %xor3A_1131 = vector.broadcast %xor3A_1130 : i32 to vector<16xi32>
      %xor3A_1132 = arith.xori %iota3A, %xor3A_1131 : vector<16xi32>
      %broadcast_in_dim3A_1133 = vector.shape_cast %xor3A_1132 : vector<16xi32> to vector<16x1xi32>
      %gather3A_1134 = vector.shape_cast %broadcast_in_dim3A_1133 : vector<16x1xi32> to vector<16xi32>
      %gather3A_1135 = tpu.dynamic_gather %min3A_1129[%gather3A_1134] in [0] : vector<16xi32>, vector<16xi32> -> vector<16xi32>
      %min3A_1136 = arith.minsi %min3A_1129, %gather3A_1135 : vector<16xi32>
      %xor3A_1137 = arith.constant 4 : i32
      %xor3A_1138 = vector.broadcast %xor3A_1137 : i32 to vector<16xi32>
      %xor3A_1139 = arith.xori %iota3A, %xor3A_1138 : vector<16xi32>
      %broadcast_in_dim3A_1140 = vector.shape_cast %xor3A_1139 : vector<16xi32> to vector<16x1xi32>
      %gather3A_1141 = vector.shape_cast %broadcast_in_dim3A_1140 : vector<16x1xi32> to vector<16xi32>
      %gather3A_1142 = tpu.dynamic_gather %min3A_1136[%gather3A_1141] in [0] : vector<16xi32>, vector<16xi32> -> vector<16xi32>
      %min3A_1143 = arith.minsi %min3A_1136, %gather3A_1142 : vector<16xi32>
      %xor3A_1144 = arith.constant 8 : i32
      %xor3A_1145 = vector.broadcast %xor3A_1144 : i32 to vector<16xi32>
      %xor3A_1146 = arith.xori %iota3A, %xor3A_1145 : vector<16xi32>
      %broadcast_in_dim3A_1147 = vector.shape_cast %xor3A_1146 : vector<16xi32> to vector<16x1xi32>
      %gather3A_1148 = vector.shape_cast %broadcast_in_dim3A_1147 : vector<16x1xi32> to vector<16xi32>
      %gather3A_1149 = tpu.dynamic_gather %min3A_1143[%gather3A_1148] in [0] : vector<16xi32>, vector<16xi32> -> vector<16xi32>
      %min3A_1150 = arith.minsi %min3A_1143, %gather3A_1149 : vector<16xi32>
      %eq3A_1151 = arith.cmpi eq, %iota3A, %min3A_1150 : vector<16xi32>
      %jit3A_1152 = arith.constant -2.000000e+00 : f32
      %broadcast_in_dim3A_1153 = vector.broadcast %jit3A_1152 : f32 to vector<16xf32>
      %select_n3A_1154 = arith.select %eq3A_1151, %broadcast_in_dim3A_1153, %get3A_1090 : vector<16xi1>, vector<16xf32>
      %xor3A_1155 = arith.constant 1 : i32
      %xor3A_1156 = vector.broadcast %xor3A_1155 : i32 to vector<16xi32>
      %xor3A_1157 = arith.xori %iota3A, %xor3A_1156 : vector<16xi32>
      %broadcast_in_dim3A_1158 = vector.shape_cast %xor3A_1157 : vector<16xi32> to vector<16x1xi32>
      %gather3A_1159 = vector.shape_cast %broadcast_in_dim3A_1158 : vector<16x1xi32> to vector<16xi32>
      %gather3A_1160 = tpu.dynamic_gather %select_n3A_1154[%gather3A_1159] in [0] : vector<16xf32>, vector<16xi32> -> vector<16xf32>
      %max3A_1161 = arith.maximumf %select_n3A_1154, %gather3A_1160 : vector<16xf32>
      %xor3A_1162 = arith.constant 2 : i32
      %xor3A_1163 = vector.broadcast %xor3A_1162 : i32 to vector<16xi32>
      %xor3A_1164 = arith.xori %iota3A, %xor3A_1163 : vector<16xi32>
      %broadcast_in_dim3A_1165 = vector.shape_cast %xor3A_1164 : vector<16xi32> to vector<16x1xi32>
      %gather3A_1166 = vector.shape_cast %broadcast_in_dim3A_1165 : vector<16x1xi32> to vector<16xi32>
      %gather3A_1167 = tpu.dynamic_gather %max3A_1161[%gather3A_1166] in [0] : vector<16xf32>, vector<16xi32> -> vector<16xf32>
      %max3A_1168 = arith.maximumf %max3A_1161, %gather3A_1167 : vector<16xf32>
      %xor3A_1169 = arith.constant 4 : i32
      %xor3A_1170 = vector.broadcast %xor3A_1169 : i32 to vector<16xi32>
      %xor3A_1171 = arith.xori %iota3A, %xor3A_1170 : vector<16xi32>
      %broadcast_in_dim3A_1172 = vector.shape_cast %xor3A_1171 : vector<16xi32> to vector<16x1xi32>
      %gather3A_1173 = vector.shape_cast %broadcast_in_dim3A_1172 : vector<16x1xi32> to vector<16xi32>
      %gather3A_1174 = tpu.dynamic_gather %max3A_1168[%gather3A_1173] in [0] : vector<16xf32>, vector<16xi32> -> vector<16xf32>
      %max3A_1175 = arith.maximumf %max3A_1168, %gather3A_1174 : vector<16xf32>
      %xor3A_1176 = arith.constant 8 : i32
      %xor3A_1177 = vector.broadcast %xor3A_1176 : i32 to vector<16xi32>
      %xor3A_1178 = arith.xori %iota3A, %xor3A_1177 : vector<16xi32>
      %broadcast_in_dim3A_1179 = vector.shape_cast %xor3A_1178 : vector<16xi32> to vector<16x1xi32>
      %gather3A_1180 = vector.shape_cast %broadcast_in_dim3A_1179 : vector<16x1xi32> to vector<16xi32>
      %gather3A_1181 = tpu.dynamic_gather %max3A_1175[%gather3A_1180] in [0] : vector<16xf32>, vector<16xi32> -> vector<16xf32>
      %max3A_1182 = arith.maximumf %max3A_1175, %gather3A_1181 : vector<16xf32>
      %eq3A_1183 = arith.cmpf oeq, %select_n3A_1154, %max3A_1182 : vector<16xf32>
      %jit3A_1184 = arith.constant 16 : i32
      %broadcast_in_dim3A_1185 = vector.broadcast %jit3A_1184 : i32 to vector<16xi32>
      %select_n3A_1186 = arith.select %eq3A_1183, %iota3A, %broadcast_in_dim3A_1185 : vector<16xi1>, vector<16xi32>
      %xor3A_1187 = arith.constant 1 : i32
      %xor3A_1188 = vector.broadcast %xor3A_1187 : i32 to vector<16xi32>
      %xor3A_1189 = arith.xori %iota3A, %xor3A_1188 : vector<16xi32>
      %broadcast_in_dim3A_1190 = vector.shape_cast %xor3A_1189 : vector<16xi32> to vector<16x1xi32>
      %gather3A_1191 = vector.shape_cast %broadcast_in_dim3A_1190 : vector<16x1xi32> to vector<16xi32>
      %gather3A_1192 = tpu.dynamic_gather %select_n3A_1186[%gather3A_1191] in [0] : vector<16xi32>, vector<16xi32> -> vector<16xi32>
      %min3A_1193 = arith.minsi %select_n3A_1186, %gather3A_1192 : vector<16xi32>
      %xor3A_1194 = arith.constant 2 : i32
      %xor3A_1195 = vector.broadcast %xor3A_1194 : i32 to vector<16xi32>
      %xor3A_1196 = arith.xori %iota3A, %xor3A_1195 : vector<16xi32>
      %broadcast_in_dim3A_1197 = vector.shape_cast %xor3A_1196 : vector<16xi32> to vector<16x1xi32>
      %gather3A_1198 = vector.shape_cast %broadcast_in_dim3A_1197 : vector<16x1xi32> to vector<16xi32>
      %gather3A_1199 = tpu.dynamic_gather %min3A_1193[%gather3A_1198] in [0] : vector<16xi32>, vector<16xi32> -> vector<16xi32>
      %min3A_1200 = arith.minsi %min3A_1193, %gather3A_1199 : vector<16xi32>
      %xor3A_1201 = arith.constant 4 : i32
      %xor3A_1202 = vector.broadcast %xor3A_1201 : i32 to vector<16xi32>
      %xor3A_1203 = arith.xori %iota3A, %xor3A_1202 : vector<16xi32>
      %broadcast_in_dim3A_1204 = vector.shape_cast %xor3A_1203 : vector<16xi32> to vector<16x1xi32>
      %gather3A_1205 = vector.shape_cast %broadcast_in_dim3A_1204 : vector<16x1xi32> to vector<16xi32>
      %gather3A_1206 = tpu.dynamic_gather %min3A_1200[%gather3A_1205] in [0] : vector<16xi32>, vector<16xi32> -> vector<16xi32>
      %min3A_1207 = arith.minsi %min3A_1200, %gather3A_1206 : vector<16xi32>
      %xor3A_1208 = arith.constant 8 : i32
      %xor3A_1209 = vector.broadcast %xor3A_1208 : i32 to vector<16xi32>
      %xor3A_1210 = arith.xori %iota3A, %xor3A_1209 : vector<16xi32>
      %broadcast_in_dim3A_1211 = vector.shape_cast %xor3A_1210 : vector<16xi32> to vector<16x1xi32>
      %gather3A_1212 = vector.shape_cast %broadcast_in_dim3A_1211 : vector<16x1xi32> to vector<16xi32>
      %gather3A_1213 = tpu.dynamic_gather %min3A_1207[%gather3A_1212] in [0] : vector<16xi32>, vector<16xi32> -> vector<16xi32>
      %min3A_1214 = arith.minsi %min3A_1207, %gather3A_1213 : vector<16xi32>
      %eq3A_1215 = arith.constant 14 : i32
      %eq3A_1216 = vector.broadcast %eq3A_1215 : i32 to vector<16xi32>
      %eq3A_1217 = arith.cmpi eq, %iota3A, %eq3A_1216 : vector<16xi32>
      %select_n3A_1218 = arith.select %eq3A_1217, %min3A_1150, %select_n3A_1067 : vector<16xi1>, vector<16xi32>
      %eq3A_1219 = arith.constant 15 : i32
      %eq3A_1220 = vector.broadcast %eq3A_1219 : i32 to vector<16xi32>
      %eq3A_1221 = arith.cmpi eq, %iota3A, %eq3A_1220 : vector<16xi32>
      %select_n3A_1222 = arith.select %eq3A_1221, %min3A_1214, %select_n3A_1218 : vector<16xi1>, vector<16xi32>
      %eq3A_1223 = arith.constant 14 : i32
      %eq3A_1224 = vector.broadcast %eq3A_1223 : i32 to vector<16xi32>
      %eq3A_1225 = arith.cmpi eq, %iota3A, %eq3A_1224 : vector<16xi32>
      %select_n3A_1226 = arith.select %eq3A_1225, %max3A_1118, %select_n3A_1075 : vector<16xi1>, vector<16xf32>
      %eq3A_1227 = arith.constant 15 : i32
      %eq3A_1228 = vector.broadcast %eq3A_1227 : i32 to vector<16xi32>
      %eq3A_1229 = arith.cmpi eq, %iota3A, %eq3A_1228 : vector<16xi32>
      %select_n3A_1230 = arith.select %eq3A_1229, %max3A_1182, %select_n3A_1226 : vector<16xi1>, vector<16xf32>
      %eq3A_1231 = arith.cmpi eq, %iota3A, %min3A_1150 : vector<16xi32>
      %jit3A_1232 = arith.constant 0.000000e+00 : f32
      %broadcast_in_dim3A_1233 = vector.broadcast %jit3A_1232 : f32 to vector<16xf32>
      %select_n3A_1234 = arith.select %eq3A_1231, %max3A_1118, %broadcast_in_dim3A_1233 : vector<16xi1>, vector<16xf32>
      %add3A_1235 = arith.addf %add3A_1085, %select_n3A_1234 : vector<16xf32>
      %eq3A_1236 = arith.cmpi eq, %iota3A, %min3A_1214 : vector<16xi32>
      %jit3A_1237 = arith.constant 0.000000e+00 : f32
      %broadcast_in_dim3A_1238 = vector.broadcast %jit3A_1237 : f32 to vector<16xf32>
      %select_n3A_1239 = arith.select %eq3A_1236, %max3A_1182, %broadcast_in_dim3A_1238 : vector<16xi1>, vector<16xf32>
      %add3A_1240 = arith.addf %add3A_1235, %select_n3A_1239 : vector<16xf32>
      %swap3A = arith.constant 0 : index
      %swap3A_1241 = tpu.vector_load %arg7[%swap3A] {strides = array<i32>} : memref<16xi32, #tpu.memory_space<vmem>>, vector<16xi32>,
      %swap3A_1242 = vector.shape_cast %swap3A_1241 : vector<16xi32> to vector<16xi32>
      %swap3A_1243 = vector.shape_cast %select_n3A_1222 : vector<16xi32> to vector<16xi32>
      tpu.vector_store %arg7[%swap3A], %swap3A_1243 {strides = array<i32>} : memref<16xi32, #tpu.memory_space<vmem>>, vector<16xi32>,
      %swap3A_1244 = arith.constant 0 : index
      %swap3A_1245 = tpu.vector_load %arg8[%swap3A_1244] {strides = array<i32>} : memref<16xf32, #tpu.memory_space<vmem>>, vector<16xf32>,
      %swap3A_1246 = vector.shape_cast %swap3A_1245 : vector<16xf32> to vector<16xf32>
      %swap3A_1247 = vector.shape_cast %select_n3A_1230 : vector<16xf32> to vector<16xf32>
      tpu.vector_store %arg8[%swap3A_1244], %swap3A_1247 {strides = array<i32>} : memref<16xf32, #tpu.memory_space<vmem>>, vector<16xf32>,
      %swap3A_1248 = arith.constant 0 : index
      %swap3A_1249 = tpu.vector_load %arg9[%swap3A_1248] {strides = array<i32>} : memref<16xf32, #tpu.memory_space<vmem>>, vector<16xf32>,
      %swap3A_1250 = vector.shape_cast %swap3A_1249 : vector<16xf32> to vector<16xf32>
      %swap3A_1251 = vector.shape_cast %add3A_1240 : vector<16xf32> to vector<16xf32>
      tpu.vector_store %arg9[%swap3A_1248], %swap3A_1251 {strides = array<i32>} : memref<16xf32, #tpu.memory_space<vmem>>, vector<16xf32>,
      "tpu.region"() ({
        %run_scoped3A = tpu.sem_alloc : memref<!tpu.dma_semaphore, #tpu.memory_space<semaphore_mem>>
        tpu.enqueue_dma source(%arg7 : memref<16xi32, #tpu.memory_space<vmem>>) target(%arg3 : memref<16xi32, #tpu.memory_space<hbm>>) target_semaphore(%run_scoped3A : memref<!tpu.dma_semaphore, #tpu.memory_space<semaphore_mem>>)
        tpu.wait_dma2 semaphore(%run_scoped3A : memref<!tpu.dma_semaphore, #tpu.memory_space<semaphore_mem>>) src(%arg7 : memref<16xi32, #tpu.memory_space<vmem>>) dst(%arg3 : memref<16xi32, #tpu.memory_space<hbm>>)
        tpu.yield
      }) : () -> ()
      "tpu.region"() ({
        %run_scoped3A = tpu.sem_alloc : memref<!tpu.dma_semaphore, #tpu.memory_space<semaphore_mem>>
        tpu.enqueue_dma source(%arg8 : memref<16xf32, #tpu.memory_space<vmem>>) target(%arg4 : memref<16xf32, #tpu.memory_space<hbm>>) target_semaphore(%run_scoped3A : memref<!tpu.dma_semaphore, #tpu.memory_space<semaphore_mem>>)
        tpu.wait_dma2 semaphore(%run_scoped3A : memref<!tpu.dma_semaphore, #tpu.memory_space<semaphore_mem>>) src(%arg8 : memref<16xf32, #tpu.memory_space<vmem>>) dst(%arg4 : memref<16xf32, #tpu.memory_space<hbm>>)
        tpu.yield
      }) : () -> ()
      "tpu.region"() ({
        %run_scoped3A = tpu.sem_alloc : memref<!tpu.dma_semaphore, #tpu.memory_space<semaphore_mem>>
        tpu.enqueue_dma source(%arg9 : memref<16xf32, #tpu.memory_space<vmem>>) target(%arg5 : memref<16xf32, #tpu.memory_space<hbm>>) target_semaphore(%run_scoped3A : memref<!tpu.dma_semaphore, #tpu.memory_space<semaphore_mem>>)
        tpu.wait_dma2 semaphore(%run_scoped3A : memref<!tpu.dma_semaphore, #tpu.memory_space<semaphore_mem>>) src(%arg9 : memref<16xf32, #tpu.memory_space<vmem>>) dst(%arg5 : memref<16xf32, #tpu.memory_space<hbm>>)
        tpu.yield
      }) : () -> ()
    } else {
    }
    return
  }
}

module attributes {stable_mosaic.version = 14 : i64} {
  func.func @_router_body(%arg0: memref<8x512xf32, #tpu.memory_space<vmem>>, %arg1: memref<512x128xf32, #tpu.memory_space<vmem>>, %arg2: memref<1x128xf32, #tpu.memory_space<vmem>>, %arg3: memref<128x8xf32, #tpu.memory_space<vmem>>, %arg4: memref<1x8xf32, #tpu.memory_space<vmem>>, %arg5: memref<8x16xf32, #tpu.memory_space<vmem>>) attributes {dimension_semantics = [], scalar_prefetch = 0 : i64, scratch_operands = 0 : i64, tpu.core_type = #tpu.core_type<tc>} {
    %get3A = arith.constant 0 : index
    %get3A_0 = arith.constant 0 : index
    %get3A_1 = vector.load %arg0[%get3A, %get3A_0] : memref<8x512xf32, #tpu.memory_space<vmem>>, vector<8x512xf32>
    %get3A_2 = arith.constant 0 : index
    %get3A_3 = arith.constant 0 : index
    %get3A_4 = vector.load %arg1[%get3A_2, %get3A_3] : memref<512x128xf32, #tpu.memory_space<vmem>>, vector<512x128xf32>
    %dot_general3A = arith.constant dense<0.000000e+00> : vector<8x128xf32>
    %dot_general3A_5 = tpu.matmul %get3A_1, %get3A_4, %dot_general3A {dimension_numbers = #tpu.dot_dimension_numbers<[1], [0], [0], [1], [0, 0, 1, 1], [], []>, transpose_lhs_hint = false} : vector<8x512xf32>, vector<512x128xf32>, vector<8x128xf32> -> vector<8x128xf32>
    %get3A_6 = arith.constant 0 : index
    %get3A_7 = arith.constant 0 : index
    %get3A_8 = vector.load %arg2[%get3A_6, %get3A_7] : memref<1x128xf32, #tpu.memory_space<vmem>>, vector<1x128xf32>
    %add3A = vector.broadcast %get3A_8 : vector<1x128xf32> to vector<8x128xf32>
    %add3A_9 = arith.addf %dot_general3A_5, %add3A : vector<8x128xf32>
    %max3A = arith.constant 0.000000e+00 : f32
    %max3A_10 = vector.broadcast %max3A : f32 to vector<8x128xf32>
    %max3A_11 = arith.maximumf %add3A_9, %max3A_10 : vector<8x128xf32>
    %get3A_12 = arith.constant 0 : index
    %get3A_13 = arith.constant 0 : index
    %get3A_14 = vector.load %arg3[%get3A_12, %get3A_13] : memref<128x8xf32, #tpu.memory_space<vmem>>, vector<128x8xf32>
    %dot_general3A_15 = arith.constant dense<0.000000e+00> : vector<8x8xf32>
    %dot_general3A_16 = tpu.matmul %max3A_11, %get3A_14, %dot_general3A_15 {dimension_numbers = #tpu.dot_dimension_numbers<[1], [0], [0], [1], [0, 0, 1, 1], [], []>, transpose_lhs_hint = false} : vector<8x128xf32>, vector<128x8xf32>, vector<8x8xf32> -> vector<8x8xf32>
    %get3A_17 = arith.constant 0 : index
    %get3A_18 = arith.constant 0 : index
    %get3A_19 = vector.load %arg4[%get3A_17, %get3A_18] : memref<1x8xf32, #tpu.memory_space<vmem>>, vector<1x8xf32>
    %add3A_20 = vector.broadcast %get3A_19 : vector<1x8xf32> to vector<8x8xf32>
    %add3A_21 = arith.addf %dot_general3A_16, %add3A_20 : vector<8x8xf32>
    %reduce_max3A = arith.constant dense<0xFF800000> : vector<8xf32>
    %reduce_max3A_22 = vector.multi_reduction <maximumf>, %add3A_21, %reduce_max3A [1] : vector<8x8xf32> to vector<8xf32>
    %broadcast_in_dim3A = vector.shape_cast %reduce_max3A_22 : vector<8xf32> to vector<8x1xf32>
    %sub3A = vector.broadcast %broadcast_in_dim3A : vector<8x1xf32> to vector<8x8xf32>
    %sub3A_23 = arith.subf %add3A_21, %sub3A : vector<8x8xf32>
    %exp3A = math.exp %sub3A_23 : vector<8x8xf32>
    %reduce_sum3A = arith.constant dense<0.000000e+00> : vector<8xf32>
    %reduce_sum3A_24 = vector.multi_reduction <add>, %exp3A, %reduce_sum3A [1] : vector<8x8xf32> to vector<8xf32>
    %broadcast_in_dim3A_25 = vector.shape_cast %reduce_sum3A_24 : vector<8xf32> to vector<8x1xf32>
    %div3A = vector.broadcast %broadcast_in_dim3A_25 : vector<8x1xf32> to vector<8x8xf32>
    %div3A_26 = arith.divf %exp3A, %div3A : vector<8x8xf32>
    %broadcast_in_dim3A_27 = arith.constant -1.000000e+00 : f32
    %broadcast_in_dim3A_28 = vector.broadcast %broadcast_in_dim3A_27 : f32 to vector<8x8xf32>
    %concatenate3A = tpu.concatenate %div3A_26, %broadcast_in_dim3A_28 in 1 : vector<8x8xf32>, vector<8x8xf32> -> vector<8x16xf32>
    %swap3A = arith.constant 0 : index
    %swap3A_29 = arith.constant 0 : index
    %swap3A_30 = vector.load %arg5[%swap3A, %swap3A_29] : memref<8x16xf32, #tpu.memory_space<vmem>>, vector<8x16xf32>
    tpu.vector_store %arg5[%swap3A, %swap3A_29], %concatenate3A {strides = array<i32>} : memref<8x16xf32, #tpu.memory_space<vmem>>, vector<8x16xf32>,
    return
  }
}

module attributes {stable_mosaic.version = 14 : i64} {
  func.func @_moe_body(%arg0: i32, %arg1: memref<16xi32, #tpu.memory_space<smem>>, %arg2: memref<16xf32, #tpu.memory_space<smem>>, %arg3: memref<1x96x4096xf32, #tpu.memory_space<vmem>>, %arg4: memref<8x144x288xbf16, #tpu.memory_space<vmem>>, %arg5: memref<8x48x1xf32, #tpu.memory_space<vmem>>, %arg6: memref<8x144x144xbf16, #tpu.memory_space<vmem>>, %arg7: memref<8x48x1xf32, #tpu.memory_space<vmem>>, %arg8: memref<8x144x144xbf16, #tpu.memory_space<vmem>>, %arg9: memref<8x48x1xf32, #tpu.memory_space<vmem>>, %arg10: memref<8x288x144xbf16, #tpu.memory_space<vmem>>, %arg11: memref<8x96x1xf32, #tpu.memory_space<vmem>>, %arg12: memref<4x96x64x128xbf16, #tpu.memory_space<vmem>>, %arg13: memref<4x1x128xf32, #tpu.memory_space<vmem>>, %arg14: memref<4x128x128xf32, #tpu.memory_space<vmem>>, %arg15: memref<4x1x128xf32, #tpu.memory_space<vmem>>, %arg16: memref<4x128x128xf32, #tpu.memory_space<vmem>>, %arg17: memref<4x1x128xf32, #tpu.memory_space<vmem>>, %arg18: memref<4x128x256xf32, #tpu.memory_space<vmem>>, %arg19: memref<4x1x256xf32, #tpu.memory_space<vmem>>, %arg20: memref<4x256x128xf32, #tpu.memory_space<vmem>>, %arg21: memref<4x1x128xf32, #tpu.memory_space<vmem>>, %arg22: memref<4x1x128xf32, #tpu.memory_space<vmem>>, %arg23: memref<4x1x128xf32, #tpu.memory_space<vmem>>, %arg24: memref<4x1x128xf32, #tpu.memory_space<vmem>>, %arg25: memref<4x1x128xf32, #tpu.memory_space<vmem>>, %arg26: memref<4x96x64x128xbf16, #tpu.memory_space<vmem>>, %arg27: memref<4x96x64xf32, #tpu.memory_space<vmem>>, %arg28: memref<4096x64xbf16, #tpu.memory_space<vmem>>, %arg29: memref<64x4096xbf16, #tpu.memory_space<vmem>>, %arg30: memref<1x1x16xf32, #tpu.memory_space<vmem>>, %arg31: memref<1x96x4096xf32, #tpu.memory_space<vmem>>, %arg32: memref<1x1xf32, #tpu.memory_space<vmem>>, %arg33: memref<96x4096xf32, #tpu.memory_space<vmem>>) attributes {dimension_semantics = [#tpu.dimension_semantics<arbitrary>], iteration_bounds = array<i64: 8>, scalar_prefetch = 2 : i64, scratch_operands = 1 : i64, tpu.core_type = #tpu.core_type<tc>, window_params = [{transform_indices = @transform_0, window_bounds = array<i64: 1, 96, 4096>}, {pipeline_mode = #tpu.pipeline_mode<synchronous>, transform_indices = @transform_1, window_bounds = array<i64: 8, 144, 288>}, {pipeline_mode = #tpu.pipeline_mode<synchronous>, transform_indices = @transform_2, window_bounds = array<i64: 8, 48, 1>}, {pipeline_mode = #tpu.pipeline_mode<synchronous>, transform_indices = @transform_3, window_bounds = array<i64: 8, 144, 144>}, {pipeline_mode = #tpu.pipeline_mode<synchronous>, transform_indices = @transform_4, window_bounds = array<i64: 8, 48, 1>}, {pipeline_mode = #tpu.pipeline_mode<synchronous>, transform_indices = @transform_5, window_bounds = array<i64: 8, 144, 144>}, {pipeline_mode = #tpu.pipeline_mode<synchronous>, transform_indices = @transform_6, window_bounds = array<i64: 8, 48, 1>}, {pipeline_mode = #tpu.pipeline_mode<synchronous>, transform_indices = @transform_7, window_bounds = array<i64: 8, 288, 144>}, {pipeline_mode = #tpu.pipeline_mode<synchronous>, transform_indices = @transform_8, window_bounds = array<i64: 8, 96, 1>}, {pipeline_mode = #tpu.pipeline_mode<synchronous>, transform_indices = @transform_9, window_bounds = array<i64: 4, 96, 64, 128>}, {pipeline_mode = #tpu.pipeline_mode<synchronous>, transform_indices = @transform_10, window_bounds = array<i64: 4, 1, 128>}, {pipeline_mode = #tpu.pipeline_mode<synchronous>, transform_indices = @transform_11, window_bounds = array<i64: 4, 128, 128>}, {pipeline_mode = #tpu.pipeline_mode<synchronous>, transform_indices = @transform_12, window_bounds = array<i64: 4, 1, 128>}, {pipeline_mode = #tpu.pipeline_mode<synchronous>, transform_indices = @transform_13, window_bounds = array<i64: 4, 128, 128>}, {pipeline_mode = #tpu.pipeline_mode<synchronous>, transform_indices = @transform_14, window_bounds = array<i64: 4, 1, 128>}, {pipeline_mode = #tpu.pipeline_mode<synchronous>, transform_indices = @transform_15, window_bounds = array<i64: 4, 128, 256>}, {pipeline_mode = #tpu.pipeline_mode<synchronous>, transform_indices = @transform_16, window_bounds = array<i64: 4, 1, 256>}, {pipeline_mode = #tpu.pipeline_mode<synchronous>, transform_indices = @transform_17, window_bounds = array<i64: 4, 256, 128>}, {pipeline_mode = #tpu.pipeline_mode<synchronous>, transform_indices = @transform_18, window_bounds = array<i64: 4, 1, 128>}, {pipeline_mode = #tpu.pipeline_mode<synchronous>, transform_indices = @transform_19, window_bounds = array<i64: 4, 1, 128>}, {pipeline_mode = #tpu.pipeline_mode<synchronous>, transform_indices = @transform_20, window_bounds = array<i64: 4, 1, 128>}, {pipeline_mode = #tpu.pipeline_mode<synchronous>, transform_indices = @transform_21, window_bounds = array<i64: 4, 1, 128>}, {pipeline_mode = #tpu.pipeline_mode<synchronous>, transform_indices = @transform_22, window_bounds = array<i64: 4, 1, 128>}, {pipeline_mode = #tpu.pipeline_mode<synchronous>, transform_indices = @transform_23, window_bounds = array<i64: 4, 96, 64, 128>}, {pipeline_mode = #tpu.pipeline_mode<synchronous>, transform_indices = @transform_24, window_bounds = array<i64: 4, 96, 64>}, {pipeline_mode = #tpu.pipeline_mode<synchronous>, transform_indices = @transform_25, window_bounds = array<i64: 4096, 64>}, {pipeline_mode = #tpu.pipeline_mode<synchronous>, transform_indices = @transform_26, window_bounds = array<i64: 64, 4096>}, {pipeline_mode = #tpu.pipeline_mode<synchronous>, transform_indices = @transform_27, window_bounds = array<i64: 1, 1, 16>}, {transform_indices = @transform_28, window_bounds = array<i64: 1, 96, 4096>}, {pipeline_mode = #tpu.pipeline_mode<synchronous>, transform_indices = @transform_29, window_bounds = array<i64: 1, 1>}]} {
    %get3A = arith.constant 0 : index
    %get3A_0 = arith.constant 0 : index
    %get3A_1 = arith.constant 0 : index
    %get3A_2 = vector.load %arg3[%get3A, %get3A_0, %get3A_1] : memref<1x96x4096xf32, #tpu.memory_space<vmem>>, vector<1x96x4096xf32>
    %get3A_3 = vector.shape_cast %get3A_2 : vector<1x96x4096xf32> to vector<96x4096xf32>
    %convert_element_type3A = arith.truncf %get3A_3 : vector<96x4096xf32> to vector<96x4096xbf16>
    %broadcast_in_dim3A = arith.constant 0.000000e+00 : bf16
    %broadcast_in_dim3A_4 = vector.broadcast %broadcast_in_dim3A : bf16 to vector<96x64xbf16>
    %slice3A = vector.extract_strided_slice %convert_element_type3A {offsets = [0, 0], sizes = [96, 4032], strides = [1, 1]} : vector<96x4096xbf16> to vector<96x4032xbf16>
    %concatenate3A = tpu.concatenate %broadcast_in_dim3A_4, %slice3A in 1 : vector<96x64xbf16>, vector<96x4032xbf16> -> vector<96x4096xbf16>
    %slice3A_5 = vector.extract_strided_slice %convert_element_type3A {offsets = [0, 64], sizes = [96, 4032], strides = [1, 1]} : vector<96x4096xbf16> to vector<96x4032xbf16>
    %concatenate3A_6 = tpu.concatenate %slice3A_5, %broadcast_in_dim3A_4 in 1 : vector<96x4032xbf16>, vector<96x64xbf16> -> vector<96x4096xbf16>
    %concatenate3A_7 = tpu.concatenate %concatenate3A, %convert_element_type3A, %concatenate3A_6 in 0 : vector<96x4096xbf16>, vector<96x4096xbf16>, vector<96x4096xbf16> -> vector<288x4096xbf16>
    %mul3A = arith.constant 2 : i32
    %mul3A_8 = arith.muli %mul3A, %arg0 : i32
    %get3A_9 = arith.index_cast %mul3A_8 : i32 to index
    %get3A_10 = memref.load %arg1[%get3A_9] : memref<16xi32, #tpu.memory_space<smem>>
    %mul3A_11 = arith.constant 2 : i32
    %mul3A_12 = arith.muli %mul3A_11, %arg0 : i32
    %get3A_13 = arith.index_cast %mul3A_12 : i32 to index
    %get3A_14 = memref.load %arg2[%get3A_13] : memref<16xf32, #tpu.memory_space<smem>>
    %jit3A = arith.constant 2 : i32
    %div3A = arith.divsi %get3A_10, %jit3A : i32
    %sign3A = arith.constant 0 : i32
    %sign3A_15 = arith.cmpi sgt, %get3A_10, %sign3A : i32
    %sign3A_16 = arith.extui %sign3A_15 : i1 to i32
    %sign3A_17 = arith.constant 0 : i32
    %sign3A_18 = arith.cmpi slt, %get3A_10, %sign3A_17 : i32
    %sign3A_19 = arith.extui %sign3A_18 : i1 to i32
    %sign3A_20 = arith.subi %sign3A_16, %sign3A_19 : i32
    %sign3A_21 = arith.constant 0 : i32
    %sign3A_22 = arith.cmpi sgt, %jit3A, %sign3A_21 : i32
    %sign3A_23 = arith.extui %sign3A_22 : i1 to i32
    %sign3A_24 = arith.constant 0 : i32
    %sign3A_25 = arith.cmpi slt, %jit3A, %sign3A_24 : i32
    %sign3A_26 = arith.extui %sign3A_25 : i1 to i32
    %sign3A_27 = arith.subi %sign3A_23, %sign3A_26 : i32
    %ne3A = arith.cmpi ne, %sign3A_20, %sign3A_27 : i32
    %rem3A = arith.remsi %get3A_10, %jit3A : i32
    %ne3A_28 = arith.constant 0 : i32
    %ne3A_29 = arith.cmpi ne, %rem3A, %ne3A_28 : i32
    %and3A = arith.andi %ne3A, %ne3A_29 : i1
    %sub3A = arith.constant 1 : i32
    %sub3A_30 = arith.subi %div3A, %sub3A : i32
    %select_n3A = arith.select %and3A, %sub3A_30, %div3A : i32
    %get3A_31 = arith.index_cast %get3A_10 : i32 to index
    %get3A_32 = arith.constant 0 : index
    %get3A_33 = arith.constant 0 : index
    %get3A_34 = vector.load %arg4[%get3A_31, %get3A_32, %get3A_33] : memref<8x144x288xbf16, #tpu.memory_space<vmem>>, vector<1x144x288xbf16>
    %get3A_35 = vector.shape_cast %get3A_34 : vector<1x144x288xbf16> to vector<144x288xbf16>
    %get3A_36 = arith.index_cast %get3A_10 : i32 to index
    %get3A_37 = arith.constant 0 : index
    %get3A_38 = arith.constant 0 : index
    %get3A_39 = vector.load %arg5[%get3A_36, %get3A_37, %get3A_38] : memref<8x48x1xf32, #tpu.memory_space<vmem>>, vector<1x48x1xf32>
    %get3A_40 = vector.shape_cast %get3A_39 : vector<1x48x1xf32> to vector<48x1xf32>
    %dot_general3A = arith.constant dense<0.000000e+00> : vector<144x4096xf32>
    %dot_general3A_41 = tpu.matmul %get3A_35, %concatenate3A_7, %dot_general3A {dimension_numbers = #tpu.dot_dimension_numbers<[1], [0], [0], [1], [0, 0, 1, 1], [], []>, transpose_lhs_hint = false} : vector<144x288xbf16>, vector<288x4096xbf16>, vector<144x4096xf32> -> vector<144x4096xf32>
    %slice3A_42 = vector.extract_strided_slice %dot_general3A_41 {offsets = [0, 0], sizes = [48, 4096], strides = [1, 1]} : vector<144x4096xf32> to vector<48x4096xf32>
    %slice3A_43 = vector.extract_strided_slice %dot_general3A_41 {offsets = [48, 0], sizes = [48, 4096], strides = [1, 1]} : vector<144x4096xf32> to vector<48x4096xf32>
    %slice3A_44 = vector.extract_strided_slice %dot_general3A_41 {offsets = [96, 0], sizes = [48, 4096], strides = [1, 1]} : vector<144x4096xf32> to vector<48x4096xf32>
    %broadcast_in_dim3A_45 = arith.constant 0.000000e+00 : f32
    %broadcast_in_dim3A_46 = vector.broadcast %broadcast_in_dim3A_45 : f32 to vector<48x1xf32>
    %iota3A = tpu.iota {dimensions = array<i32: 1>} : vector<1x4096xi32>
    %jit3A_47 = arith.constant 64 : i32
    %eq3A = arith.constant 0 : i32
    %eq3A_48 = arith.cmpi eq, %jit3A_47, %eq3A : i32
    %jit3A_49 = arith.constant 1 : i32
    %select_n3A_50 = arith.select %eq3A_48, %jit3A_49, %jit3A_47 : i32
    %rem3A_51 = vector.broadcast %select_n3A_50 : i32 to vector<1x4096xi32>
    %rem3A_52 = arith.remsi %iota3A, %rem3A_51 : vector<1x4096xi32>
    %ne3A_53 = arith.constant 0 : i32
    %ne3A_54 = vector.broadcast %ne3A_53 : i32 to vector<1x4096xi32>
    %ne3A_55 = arith.cmpi ne, %rem3A_52, %ne3A_54 : vector<1x4096xi32>
    %lt3A = arith.constant 0 : i32
    %lt3A_56 = vector.broadcast %lt3A : i32 to vector<1x4096xi32>
    %lt3A_57 = arith.cmpi slt, %rem3A_52, %lt3A_56 : vector<1x4096xi32>
    %lt3A_58 = arith.constant 0 : i32
    %lt3A_59 = arith.cmpi slt, %select_n3A_50, %lt3A_58 : i32
    %ne3A_60 = vector.broadcast %lt3A_59 : i1 to vector<1x4096xi1>
    %ne3A_61 = vector.broadcast %ne3A_60 : vector<1x4096xi1> to vector<1x4096xi1>
    %ne3A_62 = arith.xori %lt3A_57, %ne3A_61 : vector<1x4096xi1>
    %and3A_63 = arith.andi %ne3A_62, %ne3A_55 : vector<1x4096xi1>
    %add3A = vector.broadcast %select_n3A_50 : i32 to vector<1x4096xi32>
    %add3A_64 = arith.addi %rem3A_52, %add3A : vector<1x4096xi32>
    %select_n3A_65 = arith.select %and3A_63, %add3A_64, %rem3A_52 : vector<1x4096xi1>, vector<1x4096xi32>
    %add3A_66 = vector.broadcast %get3A_40 : vector<48x1xf32> to vector<48x4096xf32>
    %add3A_67 = arith.addf %slice3A_43, %add3A_66 : vector<48x4096xf32>
    %ne3A_68 = arith.constant 0 : i32
    %ne3A_69 = vector.broadcast %ne3A_68 : i32 to vector<1x4096xi32>
    %ne3A_70 = arith.cmpi ne, %select_n3A_65, %ne3A_69 : vector<1x4096xi32>
    %slice3A_71 = vector.extract_strided_slice %slice3A_42 {offsets = [0, 0], sizes = [48, 4095], strides = [1, 1]} : vector<48x4096xf32> to vector<48x4095xf32>
    %concatenate3A_72 = tpu.concatenate %broadcast_in_dim3A_46, %slice3A_71 in 1 : vector<48x1xf32>, vector<48x4095xf32> -> vector<48x4096xf32>
    %jit3A_73 = arith.constant 0.000000e+00 : f32
    %broadcast_in_dim3A_74 = vector.shape_cast %ne3A_70 : vector<1x4096xi1> to vector<1x4096xi1>
    %broadcast_in_dim3A_75 = vector.broadcast %broadcast_in_dim3A_74 : vector<1x4096xi1> to vector<48x4096xi1>
    %broadcast_in_dim3A_76 = vector.broadcast %jit3A_73 : f32 to vector<48x4096xf32>
    %select_n3A_77 = arith.select %broadcast_in_dim3A_75, %concatenate3A_72, %broadcast_in_dim3A_76 : vector<48x4096xi1>, vector<48x4096xf32>
    %add3A_78 = arith.addf %add3A_67, %select_n3A_77 : vector<48x4096xf32>
    %ne3A_79 = arith.constant 63 : i32
    %ne3A_80 = vector.broadcast %ne3A_79 : i32 to vector<1x4096xi32>
    %ne3A_81 = arith.cmpi ne, %select_n3A_65, %ne3A_80 : vector<1x4096xi32>
    %slice3A_82 = vector.extract_strided_slice %slice3A_44 {offsets = [0, 1], sizes = [48, 4095], strides = [1, 1]} : vector<48x4096xf32> to vector<48x4095xf32>
    %concatenate3A_83 = tpu.concatenate %slice3A_82, %broadcast_in_dim3A_46 in 1 : vector<48x4095xf32>, vector<48x1xf32> -> vector<48x4096xf32>
    %jit3A_84 = arith.constant 0.000000e+00 : f32
    %broadcast_in_dim3A_85 = vector.shape_cast %ne3A_81 : vector<1x4096xi1> to vector<1x4096xi1>
    %broadcast_in_dim3A_86 = vector.broadcast %broadcast_in_dim3A_85 : vector<1x4096xi1> to vector<48x4096xi1>
    %broadcast_in_dim3A_87 = vector.broadcast %jit3A_84 : f32 to vector<48x4096xf32>
    %select_n3A_88 = arith.select %broadcast_in_dim3A_86, %concatenate3A_83, %broadcast_in_dim3A_87 : vector<48x4096xi1>, vector<48x4096xf32>
    %add3A_89 = arith.addf %add3A_78, %select_n3A_88 : vector<48x4096xf32>
    %max3A = arith.constant 0.000000e+00 : f32
    %max3A_90 = vector.broadcast %max3A : f32 to vector<48x4096xf32>
    %max3A_91 = arith.maximumf %add3A_89, %max3A_90 : vector<48x4096xf32>
    %convert_element_type3A_92 = arith.truncf %max3A_91 : vector<48x4096xf32> to vector<48x4096xbf16>
    %broadcast_in_dim3A_93 = arith.constant 0.000000e+00 : bf16
    %broadcast_in_dim3A_94 = vector.broadcast %broadcast_in_dim3A_93 : bf16 to vector<48x64xbf16>
    %slice3A_95 = vector.extract_strided_slice %convert_element_type3A_92 {offsets = [0, 0], sizes = [48, 4032], strides = [1, 1]} : vector<48x4096xbf16> to vector<48x4032xbf16>
    %concatenate3A_96 = tpu.concatenate %broadcast_in_dim3A_94, %slice3A_95 in 1 : vector<48x64xbf16>, vector<48x4032xbf16> -> vector<48x4096xbf16>
    %slice3A_97 = vector.extract_strided_slice %convert_element_type3A_92 {offsets = [0, 64], sizes = [48, 4032], strides = [1, 1]} : vector<48x4096xbf16> to vector<48x4032xbf16>
    %concatenate3A_98 = tpu.concatenate %slice3A_97, %broadcast_in_dim3A_94 in 1 : vector<48x4032xbf16>, vector<48x64xbf16> -> vector<48x4096xbf16>
    %concatenate3A_99 = tpu.concatenate %concatenate3A_96, %convert_element_type3A_92, %concatenate3A_98 in 0 : vector<48x4096xbf16>, vector<48x4096xbf16>, vector<48x4096xbf16> -> vector<144x4096xbf16>
    %get3A_100 = arith.index_cast %get3A_10 : i32 to index
    %get3A_101 = arith.constant 0 : index
    %get3A_102 = arith.constant 0 : index
    %get3A_103 = vector.load %arg6[%get3A_100, %get3A_101, %get3A_102] : memref<8x144x144xbf16, #tpu.memory_space<vmem>>, vector<1x144x144xbf16>
    %get3A_104 = vector.shape_cast %get3A_103 : vector<1x144x144xbf16> to vector<144x144xbf16>
    %get3A_105 = arith.index_cast %get3A_10 : i32 to index
    %get3A_106 = arith.constant 0 : index
    %get3A_107 = arith.constant 0 : index
    %get3A_108 = vector.load %arg7[%get3A_105, %get3A_106, %get3A_107] : memref<8x48x1xf32, #tpu.memory_space<vmem>>, vector<1x48x1xf32>
    %get3A_109 = vector.shape_cast %get3A_108 : vector<1x48x1xf32> to vector<48x1xf32>
    %dot_general3A_110 = arith.constant dense<0.000000e+00> : vector<144x4096xf32>
    %dot_general3A_111 = tpu.matmul %get3A_104, %concatenate3A_99, %dot_general3A_110 {dimension_numbers = #tpu.dot_dimension_numbers<[1], [0], [0], [1], [0, 0, 1, 1], [], []>, transpose_lhs_hint = false} : vector<144x144xbf16>, vector<144x4096xbf16>, vector<144x4096xf32> -> vector<144x4096xf32>
    %slice3A_112 = vector.extract_strided_slice %dot_general3A_111 {offsets = [0, 0], sizes = [48, 4096], strides = [1, 1]} : vector<144x4096xf32> to vector<48x4096xf32>
    %slice3A_113 = vector.extract_strided_slice %dot_general3A_111 {offsets = [48, 0], sizes = [48, 4096], strides = [1, 1]} : vector<144x4096xf32> to vector<48x4096xf32>
    %slice3A_114 = vector.extract_strided_slice %dot_general3A_111 {offsets = [96, 0], sizes = [48, 4096], strides = [1, 1]} : vector<144x4096xf32> to vector<48x4096xf32>
    %broadcast_in_dim3A_115 = arith.constant 0.000000e+00 : f32
    %broadcast_in_dim3A_116 = vector.broadcast %broadcast_in_dim3A_115 : f32 to vector<48x1xf32>
    %iota3A_117 = tpu.iota {dimensions = array<i32: 1>} : vector<1x4096xi32>
    %jit3A_118 = arith.constant 64 : i32
    %eq3A_119 = arith.constant 0 : i32
    %eq3A_120 = arith.cmpi eq, %jit3A_118, %eq3A_119 : i32
    %jit3A_121 = arith.constant 1 : i32
    %select_n3A_122 = arith.select %eq3A_120, %jit3A_121, %jit3A_118 : i32
    %rem3A_123 = vector.broadcast %select_n3A_122 : i32 to vector<1x4096xi32>
    %rem3A_124 = arith.remsi %iota3A_117, %rem3A_123 : vector<1x4096xi32>
    %ne3A_125 = arith.constant 0 : i32
    %ne3A_126 = vector.broadcast %ne3A_125 : i32 to vector<1x4096xi32>
    %ne3A_127 = arith.cmpi ne, %rem3A_124, %ne3A_126 : vector<1x4096xi32>
    %lt3A_128 = arith.constant 0 : i32
    %lt3A_129 = vector.broadcast %lt3A_128 : i32 to vector<1x4096xi32>
    %lt3A_130 = arith.cmpi slt, %rem3A_124, %lt3A_129 : vector<1x4096xi32>
    %lt3A_131 = arith.constant 0 : i32
    %lt3A_132 = arith.cmpi slt, %select_n3A_122, %lt3A_131 : i32
    %ne3A_133 = vector.broadcast %lt3A_132 : i1 to vector<1x4096xi1>
    %ne3A_134 = vector.broadcast %ne3A_133 : vector<1x4096xi1> to vector<1x4096xi1>
    %ne3A_135 = arith.xori %lt3A_130, %ne3A_134 : vector<1x4096xi1>
    %and3A_136 = arith.andi %ne3A_135, %ne3A_127 : vector<1x4096xi1>
    %add3A_137 = vector.broadcast %select_n3A_122 : i32 to vector<1x4096xi32>
    %add3A_138 = arith.addi %rem3A_124, %add3A_137 : vector<1x4096xi32>
    %select_n3A_139 = arith.select %and3A_136, %add3A_138, %rem3A_124 : vector<1x4096xi1>, vector<1x4096xi32>
    %add3A_140 = vector.broadcast %get3A_109 : vector<48x1xf32> to vector<48x4096xf32>
    %add3A_141 = arith.addf %slice3A_113, %add3A_140 : vector<48x4096xf32>
    %ne3A_142 = arith.constant 0 : i32
    %ne3A_143 = vector.broadcast %ne3A_142 : i32 to vector<1x4096xi32>
    %ne3A_144 = arith.cmpi ne, %select_n3A_139, %ne3A_143 : vector<1x4096xi32>
    %slice3A_145 = vector.extract_strided_slice %slice3A_112 {offsets = [0, 0], sizes = [48, 4095], strides = [1, 1]} : vector<48x4096xf32> to vector<48x4095xf32>
    %concatenate3A_146 = tpu.concatenate %broadcast_in_dim3A_116, %slice3A_145 in 1 : vector<48x1xf32>, vector<48x4095xf32> -> vector<48x4096xf32>
    %jit3A_147 = arith.constant 0.000000e+00 : f32
    %broadcast_in_dim3A_148 = vector.shape_cast %ne3A_144 : vector<1x4096xi1> to vector<1x4096xi1>
    %broadcast_in_dim3A_149 = vector.broadcast %broadcast_in_dim3A_148 : vector<1x4096xi1> to vector<48x4096xi1>
    %broadcast_in_dim3A_150 = vector.broadcast %jit3A_147 : f32 to vector<48x4096xf32>
    %select_n3A_151 = arith.select %broadcast_in_dim3A_149, %concatenate3A_146, %broadcast_in_dim3A_150 : vector<48x4096xi1>, vector<48x4096xf32>
    %add3A_152 = arith.addf %add3A_141, %select_n3A_151 : vector<48x4096xf32>
    %ne3A_153 = arith.constant 63 : i32
    %ne3A_154 = vector.broadcast %ne3A_153 : i32 to vector<1x4096xi32>
    %ne3A_155 = arith.cmpi ne, %select_n3A_139, %ne3A_154 : vector<1x4096xi32>
    %slice3A_156 = vector.extract_strided_slice %slice3A_114 {offsets = [0, 1], sizes = [48, 4095], strides = [1, 1]} : vector<48x4096xf32> to vector<48x4095xf32>
    %concatenate3A_157 = tpu.concatenate %slice3A_156, %broadcast_in_dim3A_116 in 1 : vector<48x4095xf32>, vector<48x1xf32> -> vector<48x4096xf32>
    %jit3A_158 = arith.constant 0.000000e+00 : f32
    %broadcast_in_dim3A_159 = vector.shape_cast %ne3A_155 : vector<1x4096xi1> to vector<1x4096xi1>
    %broadcast_in_dim3A_160 = vector.broadcast %broadcast_in_dim3A_159 : vector<1x4096xi1> to vector<48x4096xi1>
    %broadcast_in_dim3A_161 = vector.broadcast %jit3A_158 : f32 to vector<48x4096xf32>
    %select_n3A_162 = arith.select %broadcast_in_dim3A_160, %concatenate3A_157, %broadcast_in_dim3A_161 : vector<48x4096xi1>, vector<48x4096xf32>
    %add3A_163 = arith.addf %add3A_152, %select_n3A_162 : vector<48x4096xf32>
    %max3A_164 = arith.constant 0.000000e+00 : f32
    %max3A_165 = vector.broadcast %max3A_164 : f32 to vector<48x4096xf32>
    %max3A_166 = arith.maximumf %add3A_163, %max3A_165 : vector<48x4096xf32>
    %convert_element_type3A_167 = arith.truncf %max3A_166 : vector<48x4096xf32> to vector<48x4096xbf16>
    %broadcast_in_dim3A_168 = arith.constant 0.000000e+00 : bf16
    %broadcast_in_dim3A_169 = vector.broadcast %broadcast_in_dim3A_168 : bf16 to vector<48x64xbf16>
    %slice3A_170 = vector.extract_strided_slice %convert_element_type3A_167 {offsets = [0, 0], sizes = [48, 4032], strides = [1, 1]} : vector<48x4096xbf16> to vector<48x4032xbf16>
    %concatenate3A_171 = tpu.concatenate %broadcast_in_dim3A_169, %slice3A_170 in 1 : vector<48x64xbf16>, vector<48x4032xbf16> -> vector<48x4096xbf16>
    %slice3A_172 = vector.extract_strided_slice %convert_element_type3A_167 {offsets = [0, 64], sizes = [48, 4032], strides = [1, 1]} : vector<48x4096xbf16> to vector<48x4032xbf16>
    %concatenate3A_173 = tpu.concatenate %slice3A_172, %broadcast_in_dim3A_169 in 1 : vector<48x4032xbf16>, vector<48x64xbf16> -> vector<48x4096xbf16>
    %concatenate3A_174 = tpu.concatenate %concatenate3A_171, %convert_element_type3A_167, %concatenate3A_173 in 0 : vector<48x4096xbf16>, vector<48x4096xbf16>, vector<48x4096xbf16> -> vector<144x4096xbf16>
    %get3A_175 = arith.index_cast %get3A_10 : i32 to index
    %get3A_176 = arith.constant 0 : index
    %get3A_177 = arith.constant 0 : index
    %get3A_178 = vector.load %arg8[%get3A_175, %get3A_176, %get3A_177] : memref<8x144x144xbf16, #tpu.memory_space<vmem>>, vector<1x144x144xbf16>
    %get3A_179 = vector.shape_cast %get3A_178 : vector<1x144x144xbf16> to vector<144x144xbf16>
    %get3A_180 = arith.index_cast %get3A_10 : i32 to index
    %get3A_181 = arith.constant 0 : index
    %get3A_182 = arith.constant 0 : index
    %get3A_183 = vector.load %arg9[%get3A_180, %get3A_181, %get3A_182] : memref<8x48x1xf32, #tpu.memory_space<vmem>>, vector<1x48x1xf32>
    %get3A_184 = vector.shape_cast %get3A_183 : vector<1x48x1xf32> to vector<48x1xf32>
    %dot_general3A_185 = arith.constant dense<0.000000e+00> : vector<144x4096xf32>
    %dot_general3A_186 = tpu.matmul %get3A_179, %concatenate3A_174, %dot_general3A_185 {dimension_numbers = #tpu.dot_dimension_numbers<[1], [0], [0], [1], [0, 0, 1, 1], [], []>, transpose_lhs_hint = false} : vector<144x144xbf16>, vector<144x4096xbf16>, vector<144x4096xf32> -> vector<144x4096xf32>
    %slice3A_187 = vector.extract_strided_slice %dot_general3A_186 {offsets = [0, 0], sizes = [48, 4096], strides = [1, 1]} : vector<144x4096xf32> to vector<48x4096xf32>
    %slice3A_188 = vector.extract_strided_slice %dot_general3A_186 {offsets = [48, 0], sizes = [48, 4096], strides = [1, 1]} : vector<144x4096xf32> to vector<48x4096xf32>
    %slice3A_189 = vector.extract_strided_slice %dot_general3A_186 {offsets = [96, 0], sizes = [48, 4096], strides = [1, 1]} : vector<144x4096xf32> to vector<48x4096xf32>
    %broadcast_in_dim3A_190 = arith.constant 0.000000e+00 : f32
    %broadcast_in_dim3A_191 = vector.broadcast %broadcast_in_dim3A_190 : f32 to vector<48x1xf32>
    %iota3A_192 = tpu.iota {dimensions = array<i32: 1>} : vector<1x4096xi32>
    %jit3A_193 = arith.constant 64 : i32
    %eq3A_194 = arith.constant 0 : i32
    %eq3A_195 = arith.cmpi eq, %jit3A_193, %eq3A_194 : i32
    %jit3A_196 = arith.constant 1 : i32
    %select_n3A_197 = arith.select %eq3A_195, %jit3A_196, %jit3A_193 : i32
    %rem3A_198 = vector.broadcast %select_n3A_197 : i32 to vector<1x4096xi32>
    %rem3A_199 = arith.remsi %iota3A_192, %rem3A_198 : vector<1x4096xi32>
    %ne3A_200 = arith.constant 0 : i32
    %ne3A_201 = vector.broadcast %ne3A_200 : i32 to vector<1x4096xi32>
    %ne3A_202 = arith.cmpi ne, %rem3A_199, %ne3A_201 : vector<1x4096xi32>
    %lt3A_203 = arith.constant 0 : i32
    %lt3A_204 = vector.broadcast %lt3A_203 : i32 to vector<1x4096xi32>
    %lt3A_205 = arith.cmpi slt, %rem3A_199, %lt3A_204 : vector<1x4096xi32>
    %lt3A_206 = arith.constant 0 : i32
    %lt3A_207 = arith.cmpi slt, %select_n3A_197, %lt3A_206 : i32
    %ne3A_208 = vector.broadcast %lt3A_207 : i1 to vector<1x4096xi1>
    %ne3A_209 = vector.broadcast %ne3A_208 : vector<1x4096xi1> to vector<1x4096xi1>
    %ne3A_210 = arith.xori %lt3A_205, %ne3A_209 : vector<1x4096xi1>
    %and3A_211 = arith.andi %ne3A_210, %ne3A_202 : vector<1x4096xi1>
    %add3A_212 = vector.broadcast %select_n3A_197 : i32 to vector<1x4096xi32>
    %add3A_213 = arith.addi %rem3A_199, %add3A_212 : vector<1x4096xi32>
    %select_n3A_214 = arith.select %and3A_211, %add3A_213, %rem3A_199 : vector<1x4096xi1>, vector<1x4096xi32>
    %add3A_215 = vector.broadcast %get3A_184 : vector<48x1xf32> to vector<48x4096xf32>
    %add3A_216 = arith.addf %slice3A_188, %add3A_215 : vector<48x4096xf32>
    %ne3A_217 = arith.constant 0 : i32
    %ne3A_218 = vector.broadcast %ne3A_217 : i32 to vector<1x4096xi32>
    %ne3A_219 = arith.cmpi ne, %select_n3A_214, %ne3A_218 : vector<1x4096xi32>
    %slice3A_220 = vector.extract_strided_slice %slice3A_187 {offsets = [0, 0], sizes = [48, 4095], strides = [1, 1]} : vector<48x4096xf32> to vector<48x4095xf32>
    %concatenate3A_221 = tpu.concatenate %broadcast_in_dim3A_191, %slice3A_220 in 1 : vector<48x1xf32>, vector<48x4095xf32> -> vector<48x4096xf32>
    %jit3A_222 = arith.constant 0.000000e+00 : f32
    %broadcast_in_dim3A_223 = vector.shape_cast %ne3A_219 : vector<1x4096xi1> to vector<1x4096xi1>
    %broadcast_in_dim3A_224 = vector.broadcast %broadcast_in_dim3A_223 : vector<1x4096xi1> to vector<48x4096xi1>
    %broadcast_in_dim3A_225 = vector.broadcast %jit3A_222 : f32 to vector<48x4096xf32>
    %select_n3A_226 = arith.select %broadcast_in_dim3A_224, %concatenate3A_221, %broadcast_in_dim3A_225 : vector<48x4096xi1>, vector<48x4096xf32>
    %add3A_227 = arith.addf %add3A_216, %select_n3A_226 : vector<48x4096xf32>
    %ne3A_228 = arith.constant 63 : i32
    %ne3A_229 = vector.broadcast %ne3A_228 : i32 to vector<1x4096xi32>
    %ne3A_230 = arith.cmpi ne, %select_n3A_214, %ne3A_229 : vector<1x4096xi32>
    %slice3A_231 = vector.extract_strided_slice %slice3A_189 {offsets = [0, 1], sizes = [48, 4095], strides = [1, 1]} : vector<48x4096xf32> to vector<48x4095xf32>
    %concatenate3A_232 = tpu.concatenate %slice3A_231, %broadcast_in_dim3A_191 in 1 : vector<48x4095xf32>, vector<48x1xf32> -> vector<48x4096xf32>
    %jit3A_233 = arith.constant 0.000000e+00 : f32
    %broadcast_in_dim3A_234 = vector.shape_cast %ne3A_230 : vector<1x4096xi1> to vector<1x4096xi1>
    %broadcast_in_dim3A_235 = vector.broadcast %broadcast_in_dim3A_234 : vector<1x4096xi1> to vector<48x4096xi1>
    %broadcast_in_dim3A_236 = vector.broadcast %jit3A_233 : f32 to vector<48x4096xf32>
    %select_n3A_237 = arith.select %broadcast_in_dim3A_235, %concatenate3A_232, %broadcast_in_dim3A_236 : vector<48x4096xi1>, vector<48x4096xf32>
    %add3A_238 = arith.addf %add3A_227, %select_n3A_237 : vector<48x4096xf32>
    %add3A_239 = arith.addf %add3A_238, %max3A_91 : vector<48x4096xf32>
    %max3A_240 = arith.constant 0.000000e+00 : f32
    %max3A_241 = vector.broadcast %max3A_240 : f32 to vector<48x4096xf32>
    %max3A_242 = arith.maximumf %add3A_239, %max3A_241 : vector<48x4096xf32>
    %convert_element_type3A_243 = arith.truncf %max3A_242 : vector<48x4096xf32> to vector<48x4096xbf16>
    %broadcast_in_dim3A_244 = arith.constant 0.000000e+00 : bf16
    %broadcast_in_dim3A_245 = vector.broadcast %broadcast_in_dim3A_244 : bf16 to vector<48x64xbf16>
    %slice3A_246 = vector.extract_strided_slice %convert_element_type3A_243 {offsets = [0, 0], sizes = [48, 4032], strides = [1, 1]} : vector<48x4096xbf16> to vector<48x4032xbf16>
    %concatenate3A_247 = tpu.concatenate %broadcast_in_dim3A_245, %slice3A_246 in 1 : vector<48x64xbf16>, vector<48x4032xbf16> -> vector<48x4096xbf16>
    %slice3A_248 = vector.extract_strided_slice %convert_element_type3A_243 {offsets = [0, 64], sizes = [48, 4032], strides = [1, 1]} : vector<48x4096xbf16> to vector<48x4032xbf16>
    %concatenate3A_249 = tpu.concatenate %slice3A_248, %broadcast_in_dim3A_245 in 1 : vector<48x4032xbf16>, vector<48x64xbf16> -> vector<48x4096xbf16>
    %concatenate3A_250 = tpu.concatenate %concatenate3A_247, %convert_element_type3A_243, %concatenate3A_249 in 0 : vector<48x4096xbf16>, vector<48x4096xbf16>, vector<48x4096xbf16> -> vector<144x4096xbf16>
    %get3A_251 = arith.index_cast %get3A_10 : i32 to index
    %get3A_252 = arith.constant 0 : index
    %get3A_253 = arith.constant 0 : index
    %get3A_254 = vector.load %arg10[%get3A_251, %get3A_252, %get3A_253] : memref<8x288x144xbf16, #tpu.memory_space<vmem>>, vector<1x288x144xbf16>
    %get3A_255 = vector.shape_cast %get3A_254 : vector<1x288x144xbf16> to vector<288x144xbf16>
    %get3A_256 = arith.index_cast %get3A_10 : i32 to index
    %get3A_257 = arith.constant 0 : index
    %get3A_258 = arith.constant 0 : index
    %get3A_259 = vector.load %arg11[%get3A_256, %get3A_257, %get3A_258] : memref<8x96x1xf32, #tpu.memory_space<vmem>>, vector<1x96x1xf32>
    %get3A_260 = vector.shape_cast %get3A_259 : vector<1x96x1xf32> to vector<96x1xf32>
    %dot_general3A_261 = arith.constant dense<0.000000e+00> : vector<288x4096xf32>
    %dot_general3A_262 = tpu.matmul %get3A_255, %concatenate3A_250, %dot_general3A_261 {dimension_numbers = #tpu.dot_dimension_numbers<[1], [0], [0], [1], [0, 0, 1, 1], [], []>, transpose_lhs_hint = false} : vector<288x144xbf16>, vector<144x4096xbf16>, vector<288x4096xf32> -> vector<288x4096xf32>
    %slice3A_263 = vector.extract_strided_slice %dot_general3A_262 {offsets = [0, 0], sizes = [96, 4096], strides = [1, 1]} : vector<288x4096xf32> to vector<96x4096xf32>
    %slice3A_264 = vector.extract_strided_slice %dot_general3A_262 {offsets = [96, 0], sizes = [96, 4096], strides = [1, 1]} : vector<288x4096xf32> to vector<96x4096xf32>
    %slice3A_265 = vector.extract_strided_slice %dot_general3A_262 {offsets = [192, 0], sizes = [96, 4096], strides = [1, 1]} : vector<288x4096xf32> to vector<96x4096xf32>
    %broadcast_in_dim3A_266 = arith.constant 0.000000e+00 : f32
    %broadcast_in_dim3A_267 = vector.broadcast %broadcast_in_dim3A_266 : f32 to vector<96x1xf32>
    %iota3A_268 = tpu.iota {dimensions = array<i32: 1>} : vector<1x4096xi32>
    %jit3A_269 = arith.constant 64 : i32
    %eq3A_270 = arith.constant 0 : i32
    %eq3A_271 = arith.cmpi eq, %jit3A_269, %eq3A_270 : i32
    %jit3A_272 = arith.constant 1 : i32
    %select_n3A_273 = arith.select %eq3A_271, %jit3A_272, %jit3A_269 : i32
    %rem3A_274 = vector.broadcast %select_n3A_273 : i32 to vector<1x4096xi32>
    %rem3A_275 = arith.remsi %iota3A_268, %rem3A_274 : vector<1x4096xi32>
    %ne3A_276 = arith.constant 0 : i32
    %ne3A_277 = vector.broadcast %ne3A_276 : i32 to vector<1x4096xi32>
    %ne3A_278 = arith.cmpi ne, %rem3A_275, %ne3A_277 : vector<1x4096xi32>
    %lt3A_279 = arith.constant 0 : i32
    %lt3A_280 = vector.broadcast %lt3A_279 : i32 to vector<1x4096xi32>
    %lt3A_281 = arith.cmpi slt, %rem3A_275, %lt3A_280 : vector<1x4096xi32>
    %lt3A_282 = arith.constant 0 : i32
    %lt3A_283 = arith.cmpi slt, %select_n3A_273, %lt3A_282 : i32
    %ne3A_284 = vector.broadcast %lt3A_283 : i1 to vector<1x4096xi1>
    %ne3A_285 = vector.broadcast %ne3A_284 : vector<1x4096xi1> to vector<1x4096xi1>
    %ne3A_286 = arith.xori %lt3A_281, %ne3A_285 : vector<1x4096xi1>
    %and3A_287 = arith.andi %ne3A_286, %ne3A_278 : vector<1x4096xi1>
    %add3A_288 = vector.broadcast %select_n3A_273 : i32 to vector<1x4096xi32>
    %add3A_289 = arith.addi %rem3A_275, %add3A_288 : vector<1x4096xi32>
    %select_n3A_290 = arith.select %and3A_287, %add3A_289, %rem3A_275 : vector<1x4096xi1>, vector<1x4096xi32>
    %add3A_291 = vector.broadcast %get3A_260 : vector<96x1xf32> to vector<96x4096xf32>
    %add3A_292 = arith.addf %slice3A_264, %add3A_291 : vector<96x4096xf32>
    %ne3A_293 = arith.constant 0 : i32
    %ne3A_294 = vector.broadcast %ne3A_293 : i32 to vector<1x4096xi32>
    %ne3A_295 = arith.cmpi ne, %select_n3A_290, %ne3A_294 : vector<1x4096xi32>
    %slice3A_296 = vector.extract_strided_slice %slice3A_263 {offsets = [0, 0], sizes = [96, 4095], strides = [1, 1]} : vector<96x4096xf32> to vector<96x4095xf32>
    %concatenate3A_297 = tpu.concatenate %broadcast_in_dim3A_267, %slice3A_296 in 1 : vector<96x1xf32>, vector<96x4095xf32> -> vector<96x4096xf32>
    %jit3A_298 = arith.constant 0.000000e+00 : f32
    %broadcast_in_dim3A_299 = vector.shape_cast %ne3A_295 : vector<1x4096xi1> to vector<1x4096xi1>
    %broadcast_in_dim3A_300 = vector.broadcast %broadcast_in_dim3A_299 : vector<1x4096xi1> to vector<96x4096xi1>
    %broadcast_in_dim3A_301 = vector.broadcast %jit3A_298 : f32 to vector<96x4096xf32>
    %select_n3A_302 = arith.select %broadcast_in_dim3A_300, %concatenate3A_297, %broadcast_in_dim3A_301 : vector<96x4096xi1>, vector<96x4096xf32>
    %add3A_303 = arith.addf %add3A_292, %select_n3A_302 : vector<96x4096xf32>
    %ne3A_304 = arith.constant 63 : i32
    %ne3A_305 = vector.broadcast %ne3A_304 : i32 to vector<1x4096xi32>
    %ne3A_306 = arith.cmpi ne, %select_n3A_290, %ne3A_305 : vector<1x4096xi32>
    %slice3A_307 = vector.extract_strided_slice %slice3A_265 {offsets = [0, 1], sizes = [96, 4095], strides = [1, 1]} : vector<96x4096xf32> to vector<96x4095xf32>
    %concatenate3A_308 = tpu.concatenate %slice3A_307, %broadcast_in_dim3A_267 in 1 : vector<96x4095xf32>, vector<96x1xf32> -> vector<96x4096xf32>
    %jit3A_309 = arith.constant 0.000000e+00 : f32
    %broadcast_in_dim3A_310 = vector.shape_cast %ne3A_306 : vector<1x4096xi1> to vector<1x4096xi1>
    %broadcast_in_dim3A_311 = vector.broadcast %broadcast_in_dim3A_310 : vector<1x4096xi1> to vector<96x4096xi1>
    %broadcast_in_dim3A_312 = vector.broadcast %jit3A_309 : f32 to vector<96x4096xf32>
    %select_n3A_313 = arith.select %broadcast_in_dim3A_311, %concatenate3A_308, %broadcast_in_dim3A_312 : vector<96x4096xi1>, vector<96x4096xf32>
    %add3A_314 = arith.addf %add3A_303, %select_n3A_313 : vector<96x4096xf32>
    %swap3A = arith.constant 0 : index
    %swap3A_315 = arith.constant 0 : index
    %swap3A_316 = vector.load %arg33[%swap3A, %swap3A_315] : memref<96x4096xf32, #tpu.memory_space<vmem>>, vector<96x4096xf32>
    tpu.vector_store %arg33[%swap3A, %swap3A_315], %add3A_314 {strides = array<i32>} : memref<96x4096xf32, #tpu.memory_space<vmem>>, vector<96x4096xf32>,
    %jit3A_317 = arith.constant 2 : i32
    %eq3A_318 = arith.constant 0 : i32
    %eq3A_319 = arith.cmpi eq, %jit3A_317, %eq3A_318 : i32
    %jit3A_320 = arith.constant 1 : i32
    %select_n3A_321 = arith.select %eq3A_319, %jit3A_320, %jit3A_317 : i32
    %rem3A_322 = arith.remsi %get3A_10, %select_n3A_321 : i32
    %ne3A_323 = arith.constant 0 : i32
    %ne3A_324 = arith.cmpi ne, %rem3A_322, %ne3A_323 : i32
    %lt3A_325 = arith.constant 0 : i32
    %lt3A_326 = arith.cmpi slt, %rem3A_322, %lt3A_325 : i32
    %lt3A_327 = arith.constant 0 : i32
    %lt3A_328 = arith.cmpi slt, %select_n3A_321, %lt3A_327 : i32
    %ne3A_329 = arith.xori %lt3A_326, %lt3A_328 : i1
    %and3A_330 = arith.andi %ne3A_329, %ne3A_324 : i1
    %add3A_331 = arith.addi %rem3A_322, %select_n3A_321 : i32
    %select_n3A_332 = arith.select %and3A_330, %add3A_331, %rem3A_322 : i32
    %eq3A_333 = arith.constant 0 : i32
    %eq3A_334 = arith.cmpi eq, %select_n3A_332, %eq3A_333 : i32
    %convert_element_type3A_335 = arith.extui %eq3A_334 : i1 to i32
    %cond3A = arith.constant 0 : i32
    %cond3A_336 = arith.cmpi ne, %convert_element_type3A_335, %cond3A : i32
    scf.if %cond3A_336 {
      %convert_element_type3A_710 = arith.truncf %add3A_314 : vector<96x4096xf32> to vector<96x4096xbf16>
      %get3A_711 = arith.constant 0 : index
      %get3A_712 = arith.constant 0 : index
      %get3A_713 = vector.load %arg28[%get3A_711, %get3A_712] : memref<4096x64xbf16, #tpu.memory_space<vmem>>, vector<4096x64xbf16>
      %dot_general3A_714 = arith.constant dense<0.000000e+00> : vector<96x64xf32>
      %dot_general3A_715 = tpu.matmul %convert_element_type3A_710, %get3A_713, %dot_general3A_714 {dimension_numbers = #tpu.dot_dimension_numbers<[1], [0], [0], [1], [0, 0, 1, 1], [], []>, transpose_lhs_hint = false} : vector<96x4096xbf16>, vector<4096x64xbf16>, vector<96x64xf32> -> vector<96x64xf32>
      %convert_element_type3A_716 = arith.truncf %dot_general3A_715 : vector<96x64xf32> to vector<96x64xbf16>
      %get3A_717 = arith.index_cast %select_n3A : i32 to index
      %get3A_718 = arith.constant 0 : index
      %get3A_719 = arith.constant 0 : index
      %get3A_720 = arith.constant 0 : index
      %get3A_721 = vector.load %arg12[%get3A_717, %get3A_718, %get3A_719, %get3A_720] : memref<4x96x64x128xbf16, #tpu.memory_space<vmem>>, vector<1x96x64x128xbf16>
      %get3A_722 = vector.shape_cast %get3A_721 : vector<1x96x64x128xbf16> to vector<96x64x128xbf16>
      %dot_general3A_723 = arith.constant dense<0.000000e+00> : vector<96x128xf32>
      %dot_general3A_724 = tpu.matmul %convert_element_type3A_716, %get3A_722, %dot_general3A_723 {dimension_numbers = #tpu.dot_dimension_numbers<[1], [1], [], [2], [0, 0, 1, 2], [0], [0]>, transpose_lhs_hint = false} : vector<96x64xbf16>, vector<96x64x128xbf16>, vector<96x128xf32> -> vector<96x128xf32>
      %reduce_sum3A = arith.constant dense<0.000000e+00> : vector<128xf32>
      %reduce_sum3A_725 = vector.multi_reduction <add>, %dot_general3A_724, %reduce_sum3A [0] : vector<96x128xf32> to vector<128xf32>
      %broadcast_in_dim3A_726 = vector.shape_cast %reduce_sum3A_725 : vector<128xf32> to vector<1x128xf32>
      %get3A_727 = arith.index_cast %select_n3A : i32 to index
      %get3A_728 = arith.constant 0 : index
      %get3A_729 = arith.constant 0 : index
      %get3A_730 = vector.load %arg13[%get3A_727, %get3A_728, %get3A_729] : memref<4x1x128xf32, #tpu.memory_space<vmem>>, vector<1x1x128xf32>
      %get3A_731 = vector.shape_cast %get3A_730 : vector<1x1x128xf32> to vector<1x128xf32>
      %add3A_732 = arith.addf %broadcast_in_dim3A_726, %get3A_731 : vector<1x128xf32>
      %get3A_733 = arith.index_cast %select_n3A : i32 to index
      %get3A_734 = arith.constant 0 : index
      %get3A_735 = arith.constant 0 : index
      %get3A_736 = vector.load %arg14[%get3A_733, %get3A_734, %get3A_735] : memref<4x128x128xf32, #tpu.memory_space<vmem>>, vector<1x128x128xf32>
      %get3A_737 = vector.shape_cast %get3A_736 : vector<1x128x128xf32> to vector<128x128xf32>
      %dot_general3A_738 = arith.constant dense<0.000000e+00> : vector<1x128xf32>
      %dot_general3A_739 = tpu.matmul %add3A_732, %get3A_737, %dot_general3A_738 {dimension_numbers = #tpu.dot_dimension_numbers<[1], [0], [0], [1], [0, 0, 1, 1], [], []>, transpose_lhs_hint = false} : vector<1x128xf32>, vector<128x128xf32>, vector<1x128xf32> -> vector<1x128xf32>
      %get3A_740 = arith.index_cast %select_n3A : i32 to index
      %get3A_741 = arith.constant 0 : index
      %get3A_742 = arith.constant 0 : index
      %get3A_743 = vector.load %arg15[%get3A_740, %get3A_741, %get3A_742] : memref<4x1x128xf32, #tpu.memory_space<vmem>>, vector<1x1x128xf32>
      %get3A_744 = vector.shape_cast %get3A_743 : vector<1x1x128xf32> to vector<1x128xf32>
      %add3A_745 = arith.addf %dot_general3A_739, %get3A_744 : vector<1x128xf32>
      %get3A_746 = arith.index_cast %select_n3A : i32 to index
      %get3A_747 = arith.constant 0 : index
      %get3A_748 = arith.constant 0 : index
      %get3A_749 = vector.load %arg16[%get3A_746, %get3A_747, %get3A_748] : memref<4x128x128xf32, #tpu.memory_space<vmem>>, vector<1x128x128xf32>
      %get3A_750 = vector.shape_cast %get3A_749 : vector<1x128x128xf32> to vector<128x128xf32>
      %dot_general3A_751 = arith.constant dense<0.000000e+00> : vector<1x128xf32>
      %dot_general3A_752 = tpu.matmul %add3A_745, %get3A_750, %dot_general3A_751 {dimension_numbers = #tpu.dot_dimension_numbers<[1], [0], [0], [1], [0, 0, 1, 1], [], []>, transpose_lhs_hint = false} : vector<1x128xf32>, vector<128x128xf32>, vector<1x128xf32> -> vector<1x128xf32>
      %get3A_753 = arith.index_cast %select_n3A : i32 to index
      %get3A_754 = arith.constant 0 : index
      %get3A_755 = arith.constant 0 : index
      %get3A_756 = vector.load %arg17[%get3A_753, %get3A_754, %get3A_755] : memref<4x1x128xf32, #tpu.memory_space<vmem>>, vector<1x1x128xf32>
      %get3A_757 = vector.shape_cast %get3A_756 : vector<1x1x128xf32> to vector<1x128xf32>
      %add3A_758 = arith.addf %dot_general3A_752, %get3A_757 : vector<1x128xf32>
      %add3A_759 = arith.addf %add3A_732, %add3A_758 : vector<1x128xf32>
      %get3A_760 = arith.index_cast %select_n3A : i32 to index
      %get3A_761 = arith.constant 0 : index
      %get3A_762 = arith.constant 0 : index
      %get3A_763 = vector.load %arg22[%get3A_760, %get3A_761, %get3A_762] : memref<4x1x128xf32, #tpu.memory_space<vmem>>, vector<1x1x128xf32>
      %get3A_764 = vector.shape_cast %get3A_763 : vector<1x1x128xf32> to vector<1x128xf32>
      %get3A_765 = arith.index_cast %select_n3A : i32 to index
      %get3A_766 = arith.constant 0 : index
      %get3A_767 = arith.constant 0 : index
      %get3A_768 = vector.load %arg23[%get3A_765, %get3A_766, %get3A_767] : memref<4x1x128xf32, #tpu.memory_space<vmem>>, vector<1x1x128xf32>
      %get3A_769 = vector.shape_cast %get3A_768 : vector<1x1x128xf32> to vector<1x128xf32>
      %reduce_sum3A_770 = arith.constant dense<0.000000e+00> : vector<1xf32>
      %reduce_sum3A_771 = vector.multi_reduction <add>, %add3A_759, %reduce_sum3A_770 [1] : vector<1x128xf32> to vector<1xf32>
      %broadcast_in_dim3A_772 = vector.shape_cast %reduce_sum3A_771 : vector<1xf32> to vector<1x1xf32>
      %div3A_773 = arith.constant 1.280000e+02 : f32
      %div3A_774 = vector.broadcast %div3A_773 : f32 to vector<1x1xf32>
      %div3A_775 = arith.divf %broadcast_in_dim3A_772, %div3A_774 : vector<1x1xf32>
      %sub3A_776 = vector.broadcast %div3A_775 : vector<1x1xf32> to vector<1x128xf32>
      %sub3A_777 = arith.subf %add3A_759, %sub3A_776 : vector<1x128xf32>
      %sub3A_778 = vector.broadcast %div3A_775 : vector<1x1xf32> to vector<1x128xf32>
      %sub3A_779 = arith.subf %add3A_759, %sub3A_778 : vector<1x128xf32>
      %mul3A_780 = arith.mulf %sub3A_777, %sub3A_779 : vector<1x128xf32>
      %reduce_sum3A_781 = arith.constant dense<0.000000e+00> : vector<1xf32>
      %reduce_sum3A_782 = vector.multi_reduction <add>, %mul3A_780, %reduce_sum3A_781 [1] : vector<1x128xf32> to vector<1xf32>
      %broadcast_in_dim3A_783 = vector.shape_cast %reduce_sum3A_782 : vector<1xf32> to vector<1x1xf32>
      %div3A_784 = arith.constant 1.280000e+02 : f32
      %div3A_785 = vector.broadcast %div3A_784 : f32 to vector<1x1xf32>
      %div3A_786 = arith.divf %broadcast_in_dim3A_783, %div3A_785 : vector<1x1xf32>
      %sub3A_787 = vector.broadcast %div3A_775 : vector<1x1xf32> to vector<1x128xf32>
      %sub3A_788 = arith.subf %add3A_759, %sub3A_787 : vector<1x128xf32>
      %add3A_789 = arith.constant 9.99999974E-6 : f32
      %add3A_790 = vector.broadcast %add3A_789 : f32 to vector<1x1xf32>
      %add3A_791 = arith.addf %div3A_786, %add3A_790 : vector<1x1xf32>
      %sqrt3A = math.sqrt %add3A_791 : vector<1x1xf32>
      %div3A_792 = vector.broadcast %sqrt3A : vector<1x1xf32> to vector<1x128xf32>
      %div3A_793 = arith.divf %sub3A_788, %div3A_792 : vector<1x128xf32>
      %mul3A_794 = arith.mulf %div3A_793, %get3A_764 : vector<1x128xf32>
      %add3A_795 = arith.addf %mul3A_794, %get3A_769 : vector<1x128xf32>
      %get3A_796 = arith.index_cast %select_n3A : i32 to index
      %get3A_797 = arith.constant 0 : index
      %get3A_798 = arith.constant 0 : index
      %get3A_799 = vector.load %arg18[%get3A_796, %get3A_797, %get3A_798] : memref<4x128x256xf32, #tpu.memory_space<vmem>>, vector<1x128x256xf32>
      %get3A_800 = vector.shape_cast %get3A_799 : vector<1x128x256xf32> to vector<128x256xf32>
      %dot_general3A_801 = arith.constant dense<0.000000e+00> : vector<1x256xf32>
      %dot_general3A_802 = tpu.matmul %add3A_795, %get3A_800, %dot_general3A_801 {dimension_numbers = #tpu.dot_dimension_numbers<[1], [0], [0], [1], [0, 0, 1, 1], [], []>, transpose_lhs_hint = false} : vector<1x128xf32>, vector<128x256xf32>, vector<1x256xf32> -> vector<1x256xf32>
      %get3A_803 = arith.index_cast %select_n3A : i32 to index
      %get3A_804 = arith.constant 0 : index
      %get3A_805 = arith.constant 0 : index
      %get3A_806 = vector.load %arg19[%get3A_803, %get3A_804, %get3A_805] : memref<4x1x256xf32, #tpu.memory_space<vmem>>, vector<1x1x256xf32>
      %get3A_807 = vector.shape_cast %get3A_806 : vector<1x1x256xf32> to vector<1x256xf32>
      %add3A_808 = arith.addf %dot_general3A_802, %get3A_807 : vector<1x256xf32>
      %max3A_809 = arith.constant 0.000000e+00 : f32
      %max3A_810 = vector.broadcast %max3A_809 : f32 to vector<1x256xf32>
      %max3A_811 = arith.maximumf %add3A_808, %max3A_810 : vector<1x256xf32>
      %get3A_812 = arith.index_cast %select_n3A : i32 to index
      %get3A_813 = arith.constant 0 : index
      %get3A_814 = arith.constant 0 : index
      %get3A_815 = vector.load %arg20[%get3A_812, %get3A_813, %get3A_814] : memref<4x256x128xf32, #tpu.memory_space<vmem>>, vector<1x256x128xf32>
      %get3A_816 = vector.shape_cast %get3A_815 : vector<1x256x128xf32> to vector<256x128xf32>
      %dot_general3A_817 = arith.constant dense<0.000000e+00> : vector<1x128xf32>
      %dot_general3A_818 = tpu.matmul %max3A_811, %get3A_816, %dot_general3A_817 {dimension_numbers = #tpu.dot_dimension_numbers<[1], [0], [0], [1], [0, 0, 1, 1], [], []>, transpose_lhs_hint = false} : vector<1x256xf32>, vector<256x128xf32>, vector<1x128xf32> -> vector<1x128xf32>
      %get3A_819 = arith.index_cast %select_n3A : i32 to index
      %get3A_820 = arith.constant 0 : index
      %get3A_821 = arith.constant 0 : index
      %get3A_822 = vector.load %arg21[%get3A_819, %get3A_820, %get3A_821] : memref<4x1x128xf32, #tpu.memory_space<vmem>>, vector<1x1x128xf32>
      %get3A_823 = vector.shape_cast %get3A_822 : vector<1x1x128xf32> to vector<1x128xf32>
      %add3A_824 = arith.addf %dot_general3A_818, %get3A_823 : vector<1x128xf32>
      %add3A_825 = arith.addf %add3A_795, %add3A_824 : vector<1x128xf32>
      %get3A_826 = arith.index_cast %select_n3A : i32 to index
      %get3A_827 = arith.constant 0 : index
      %get3A_828 = arith.constant 0 : index
      %get3A_829 = vector.load %arg24[%get3A_826, %get3A_827, %get3A_828] : memref<4x1x128xf32, #tpu.memory_space<vmem>>, vector<1x1x128xf32>
      %get3A_830 = vector.shape_cast %get3A_829 : vector<1x1x128xf32> to vector<1x128xf32>
      %get3A_831 = arith.index_cast %select_n3A : i32 to index
      %get3A_832 = arith.constant 0 : index
      %get3A_833 = arith.constant 0 : index
      %get3A_834 = vector.load %arg25[%get3A_831, %get3A_832, %get3A_833] : memref<4x1x128xf32, #tpu.memory_space<vmem>>, vector<1x1x128xf32>
      %get3A_835 = vector.shape_cast %get3A_834 : vector<1x1x128xf32> to vector<1x128xf32>
      %reduce_sum3A_836 = arith.constant dense<0.000000e+00> : vector<1xf32>
      %reduce_sum3A_837 = vector.multi_reduction <add>, %add3A_825, %reduce_sum3A_836 [1] : vector<1x128xf32> to vector<1xf32>
      %broadcast_in_dim3A_838 = vector.shape_cast %reduce_sum3A_837 : vector<1xf32> to vector<1x1xf32>
      %div3A_839 = arith.constant 1.280000e+02 : f32
      %div3A_840 = vector.broadcast %div3A_839 : f32 to vector<1x1xf32>
      %div3A_841 = arith.divf %broadcast_in_dim3A_838, %div3A_840 : vector<1x1xf32>
      %sub3A_842 = vector.broadcast %div3A_841 : vector<1x1xf32> to vector<1x128xf32>
      %sub3A_843 = arith.subf %add3A_825, %sub3A_842 : vector<1x128xf32>
      %sub3A_844 = vector.broadcast %div3A_841 : vector<1x1xf32> to vector<1x128xf32>
      %sub3A_845 = arith.subf %add3A_825, %sub3A_844 : vector<1x128xf32>
      %mul3A_846 = arith.mulf %sub3A_843, %sub3A_845 : vector<1x128xf32>
      %reduce_sum3A_847 = arith.constant dense<0.000000e+00> : vector<1xf32>
      %reduce_sum3A_848 = vector.multi_reduction <add>, %mul3A_846, %reduce_sum3A_847 [1] : vector<1x128xf32> to vector<1xf32>
      %broadcast_in_dim3A_849 = vector.shape_cast %reduce_sum3A_848 : vector<1xf32> to vector<1x1xf32>
      %div3A_850 = arith.constant 1.280000e+02 : f32
      %div3A_851 = vector.broadcast %div3A_850 : f32 to vector<1x1xf32>
      %div3A_852 = arith.divf %broadcast_in_dim3A_849, %div3A_851 : vector<1x1xf32>
      %sub3A_853 = vector.broadcast %div3A_841 : vector<1x1xf32> to vector<1x128xf32>
      %sub3A_854 = arith.subf %add3A_825, %sub3A_853 : vector<1x128xf32>
      %add3A_855 = arith.constant 9.99999974E-6 : f32
      %add3A_856 = vector.broadcast %add3A_855 : f32 to vector<1x1xf32>
      %add3A_857 = arith.addf %div3A_852, %add3A_856 : vector<1x1xf32>
      %sqrt3A_858 = math.sqrt %add3A_857 : vector<1x1xf32>
      %div3A_859 = vector.broadcast %sqrt3A_858 : vector<1x1xf32> to vector<1x128xf32>
      %div3A_860 = arith.divf %sub3A_854, %div3A_859 : vector<1x128xf32>
      %mul3A_861 = arith.mulf %div3A_860, %get3A_830 : vector<1x128xf32>
      %add3A_862 = arith.addf %mul3A_861, %get3A_835 : vector<1x128xf32>
      %convert_element_type3A_863 = arith.truncf %add3A_862 : vector<1x128xf32> to vector<1x128xbf16>
      %broadcast_in_dim3A_864 = vector.shape_cast %convert_element_type3A_863 : vector<1x128xbf16> to vector<1x128xbf16>
      %broadcast_in_dim3A_865 = vector.broadcast %broadcast_in_dim3A_864 : vector<1x128xbf16> to vector<96x128xbf16>
      %get3A_866 = arith.index_cast %select_n3A : i32 to index
      %get3A_867 = arith.constant 0 : index
      %get3A_868 = arith.constant 0 : index
      %get3A_869 = arith.constant 0 : index
      %get3A_870 = vector.load %arg26[%get3A_866, %get3A_867, %get3A_868, %get3A_869] : memref<4x96x64x128xbf16, #tpu.memory_space<vmem>>, vector<1x96x64x128xbf16>
      %get3A_871 = vector.shape_cast %get3A_870 : vector<1x96x64x128xbf16> to vector<96x64x128xbf16>
      %dot_general3A_872 = arith.constant dense<0.000000e+00> : vector<96x64xf32>
      %dot_general3A_873 = tpu.matmul %broadcast_in_dim3A_865, %get3A_871, %dot_general3A_872 {dimension_numbers = #tpu.dot_dimension_numbers<[1], [2], [], [1], [0, 0, 1, 1], [0], [0]>, transpose_lhs_hint = false} : vector<96x128xbf16>, vector<96x64x128xbf16>, vector<96x64xf32> -> vector<96x64xf32>
      %get3A_874 = arith.index_cast %select_n3A : i32 to index
      %get3A_875 = arith.constant 0 : index
      %get3A_876 = arith.constant 0 : index
      %get3A_877 = vector.load %arg27[%get3A_874, %get3A_875, %get3A_876] : memref<4x96x64xf32, #tpu.memory_space<vmem>>, vector<1x96x64xf32>
      %get3A_878 = vector.shape_cast %get3A_877 : vector<1x96x64xf32> to vector<96x64xf32>
      %add3A_879 = arith.addf %dot_general3A_873, %get3A_878 : vector<96x64xf32>
      %convert_element_type3A_880 = arith.truncf %add3A_879 : vector<96x64xf32> to vector<96x64xbf16>
      %get3A_881 = arith.constant 0 : index
      %get3A_882 = arith.constant 0 : index
      %get3A_883 = vector.load %arg29[%get3A_881, %get3A_882] : memref<64x4096xbf16, #tpu.memory_space<vmem>>, vector<64x4096xbf16>
      %dot_general3A_884 = arith.constant dense<0.000000e+00> : vector<96x4096xf32>
      %dot_general3A_885 = tpu.matmul %convert_element_type3A_880, %get3A_883, %dot_general3A_884 {dimension_numbers = #tpu.dot_dimension_numbers<[1], [0], [0], [1], [0, 0, 1, 1], [], []>, transpose_lhs_hint = false} : vector<96x64xbf16>, vector<64x4096xbf16>, vector<96x4096xf32> -> vector<96x4096xf32>
      %add3A_886 = arith.addf %add3A_314, %dot_general3A_885 : vector<96x4096xf32>
      %swap3A_887 = arith.constant 0 : index
      %swap3A_888 = arith.constant 0 : index
      %swap3A_889 = vector.load %arg33[%swap3A_887, %swap3A_888] : memref<96x4096xf32, #tpu.memory_space<vmem>>, vector<96x4096xf32>
      tpu.vector_store %arg33[%swap3A_887, %swap3A_888], %add3A_886 {strides = array<i32>} : memref<96x4096xf32, #tpu.memory_space<vmem>>, vector<96x4096xf32>,
    } else {
    }
    %get3A_337 = arith.constant 0 : index
    %get3A_338 = arith.constant 0 : index
    %get3A_339 = vector.load %arg33[%get3A_337, %get3A_338] : memref<96x4096xf32, #tpu.memory_space<vmem>>, vector<96x4096xf32>
    %mul3A_340 = vector.broadcast %get3A_14 : f32 to vector<96x4096xf32>
    %mul3A_341 = arith.mulf %get3A_339, %mul3A_340 : vector<96x4096xf32>
    %mul3A_342 = arith.constant 2 : i32
    %mul3A_343 = arith.muli %mul3A_342, %arg0 : i32
    %add3A_344 = arith.constant 1 : i32
    %add3A_345 = arith.addi %mul3A_343, %add3A_344 : i32
    %get3A_346 = arith.index_cast %add3A_345 : i32 to index
    %get3A_347 = memref.load %arg1[%get3A_346] : memref<16xi32, #tpu.memory_space<smem>>
    %mul3A_348 = arith.constant 2 : i32
    %mul3A_349 = arith.muli %mul3A_348, %arg0 : i32
    %add3A_350 = arith.constant 1 : i32
    %add3A_351 = arith.addi %mul3A_349, %add3A_350 : i32
    %get3A_352 = arith.index_cast %add3A_351 : i32 to index
    %get3A_353 = memref.load %arg2[%get3A_352] : memref<16xf32, #tpu.memory_space<smem>>
    %jit3A_354 = arith.constant 2 : i32
    %div3A_355 = arith.divsi %get3A_347, %jit3A_354 : i32
    %sign3A_356 = arith.constant 0 : i32
    %sign3A_357 = arith.cmpi sgt, %get3A_347, %sign3A_356 : i32
    %sign3A_358 = arith.extui %sign3A_357 : i1 to i32
    %sign3A_359 = arith.constant 0 : i32
    %sign3A_360 = arith.cmpi slt, %get3A_347, %sign3A_359 : i32
    %sign3A_361 = arith.extui %sign3A_360 : i1 to i32
    %sign3A_362 = arith.subi %sign3A_358, %sign3A_361 : i32
    %sign3A_363 = arith.constant 0 : i32
    %sign3A_364 = arith.cmpi sgt, %jit3A_354, %sign3A_363 : i32
    %sign3A_365 = arith.extui %sign3A_364 : i1 to i32
    %sign3A_366 = arith.constant 0 : i32
    %sign3A_367 = arith.cmpi slt, %jit3A_354, %sign3A_366 : i32
    %sign3A_368 = arith.extui %sign3A_367 : i1 to i32
    %sign3A_369 = arith.subi %sign3A_365, %sign3A_368 : i32
    %ne3A_370 = arith.cmpi ne, %sign3A_362, %sign3A_369 : i32
    %rem3A_371 = arith.remsi %get3A_347, %jit3A_354 : i32
    %ne3A_372 = arith.constant 0 : i32
    %ne3A_373 = arith.cmpi ne, %rem3A_371, %ne3A_372 : i32
    %and3A_374 = arith.andi %ne3A_370, %ne3A_373 : i1
    %sub3A_375 = arith.constant 1 : i32
    %sub3A_376 = arith.subi %div3A_355, %sub3A_375 : i32
    %select_n3A_377 = arith.select %and3A_374, %sub3A_376, %div3A_355 : i32
    %get3A_378 = arith.index_cast %get3A_347 : i32 to index
    %get3A_379 = arith.constant 0 : index
    %get3A_380 = arith.constant 0 : index
    %get3A_381 = vector.load %arg4[%get3A_378, %get3A_379, %get3A_380] : memref<8x144x288xbf16, #tpu.memory_space<vmem>>, vector<1x144x288xbf16>
    %get3A_382 = vector.shape_cast %get3A_381 : vector<1x144x288xbf16> to vector<144x288xbf16>
    %get3A_383 = arith.index_cast %get3A_347 : i32 to index
    %get3A_384 = arith.constant 0 : index
    %get3A_385 = arith.constant 0 : index
    %get3A_386 = vector.load %arg5[%get3A_383, %get3A_384, %get3A_385] : memref<8x48x1xf32, #tpu.memory_space<vmem>>, vector<1x48x1xf32>
    %get3A_387 = vector.shape_cast %get3A_386 : vector<1x48x1xf32> to vector<48x1xf32>
    %dot_general3A_388 = arith.constant dense<0.000000e+00> : vector<144x4096xf32>
    %dot_general3A_389 = tpu.matmul %get3A_382, %concatenate3A_7, %dot_general3A_388 {dimension_numbers = #tpu.dot_dimension_numbers<[1], [0], [0], [1], [0, 0, 1, 1], [], []>, transpose_lhs_hint = false} : vector<144x288xbf16>, vector<288x4096xbf16>, vector<144x4096xf32> -> vector<144x4096xf32>
    %slice3A_390 = vector.extract_strided_slice %dot_general3A_389 {offsets = [0, 0], sizes = [48, 4096], strides = [1, 1]} : vector<144x4096xf32> to vector<48x4096xf32>
    %slice3A_391 = vector.extract_strided_slice %dot_general3A_389 {offsets = [48, 0], sizes = [48, 4096], strides = [1, 1]} : vector<144x4096xf32> to vector<48x4096xf32>
    %slice3A_392 = vector.extract_strided_slice %dot_general3A_389 {offsets = [96, 0], sizes = [48, 4096], strides = [1, 1]} : vector<144x4096xf32> to vector<48x4096xf32>
    %broadcast_in_dim3A_393 = arith.constant 0.000000e+00 : f32
    %broadcast_in_dim3A_394 = vector.broadcast %broadcast_in_dim3A_393 : f32 to vector<48x1xf32>
    %iota3A_395 = tpu.iota {dimensions = array<i32: 1>} : vector<1x4096xi32>
    %jit3A_396 = arith.constant 64 : i32
    %eq3A_397 = arith.constant 0 : i32
    %eq3A_398 = arith.cmpi eq, %jit3A_396, %eq3A_397 : i32
    %jit3A_399 = arith.constant 1 : i32
    %select_n3A_400 = arith.select %eq3A_398, %jit3A_399, %jit3A_396 : i32
    %rem3A_401 = vector.broadcast %select_n3A_400 : i32 to vector<1x4096xi32>
    %rem3A_402 = arith.remsi %iota3A_395, %rem3A_401 : vector<1x4096xi32>
    %ne3A_403 = arith.constant 0 : i32
    %ne3A_404 = vector.broadcast %ne3A_403 : i32 to vector<1x4096xi32>
    %ne3A_405 = arith.cmpi ne, %rem3A_402, %ne3A_404 : vector<1x4096xi32>
    %lt3A_406 = arith.constant 0 : i32
    %lt3A_407 = vector.broadcast %lt3A_406 : i32 to vector<1x4096xi32>
    %lt3A_408 = arith.cmpi slt, %rem3A_402, %lt3A_407 : vector<1x4096xi32>
    %lt3A_409 = arith.constant 0 : i32
    %lt3A_410 = arith.cmpi slt, %select_n3A_400, %lt3A_409 : i32
    %ne3A_411 = vector.broadcast %lt3A_410 : i1 to vector<1x4096xi1>
    %ne3A_412 = vector.broadcast %ne3A_411 : vector<1x4096xi1> to vector<1x4096xi1>
    %ne3A_413 = arith.xori %lt3A_408, %ne3A_412 : vector<1x4096xi1>
    %and3A_414 = arith.andi %ne3A_413, %ne3A_405 : vector<1x4096xi1>
    %add3A_415 = vector.broadcast %select_n3A_400 : i32 to vector<1x4096xi32>
    %add3A_416 = arith.addi %rem3A_402, %add3A_415 : vector<1x4096xi32>
    %select_n3A_417 = arith.select %and3A_414, %add3A_416, %rem3A_402 : vector<1x4096xi1>, vector<1x4096xi32>
    %add3A_418 = vector.broadcast %get3A_387 : vector<48x1xf32> to vector<48x4096xf32>
    %add3A_419 = arith.addf %slice3A_391, %add3A_418 : vector<48x4096xf32>
    %ne3A_420 = arith.constant 0 : i32
    %ne3A_421 = vector.broadcast %ne3A_420 : i32 to vector<1x4096xi32>
    %ne3A_422 = arith.cmpi ne, %select_n3A_417, %ne3A_421 : vector<1x4096xi32>
    %slice3A_423 = vector.extract_strided_slice %slice3A_390 {offsets = [0, 0], sizes = [48, 4095], strides = [1, 1]} : vector<48x4096xf32> to vector<48x4095xf32>
    %concatenate3A_424 = tpu.concatenate %broadcast_in_dim3A_394, %slice3A_423 in 1 : vector<48x1xf32>, vector<48x4095xf32> -> vector<48x4096xf32>
    %jit3A_425 = arith.constant 0.000000e+00 : f32
    %broadcast_in_dim3A_426 = vector.shape_cast %ne3A_422 : vector<1x4096xi1> to vector<1x4096xi1>
    %broadcast_in_dim3A_427 = vector.broadcast %broadcast_in_dim3A_426 : vector<1x4096xi1> to vector<48x4096xi1>
    %broadcast_in_dim3A_428 = vector.broadcast %jit3A_425 : f32 to vector<48x4096xf32>
    %select_n3A_429 = arith.select %broadcast_in_dim3A_427, %concatenate3A_424, %broadcast_in_dim3A_428 : vector<48x4096xi1>, vector<48x4096xf32>
    %add3A_430 = arith.addf %add3A_419, %select_n3A_429 : vector<48x4096xf32>
    %ne3A_431 = arith.constant 63 : i32
    %ne3A_432 = vector.broadcast %ne3A_431 : i32 to vector<1x4096xi32>
    %ne3A_433 = arith.cmpi ne, %select_n3A_417, %ne3A_432 : vector<1x4096xi32>
    %slice3A_434 = vector.extract_strided_slice %slice3A_392 {offsets = [0, 1], sizes = [48, 4095], strides = [1, 1]} : vector<48x4096xf32> to vector<48x4095xf32>
    %concatenate3A_435 = tpu.concatenate %slice3A_434, %broadcast_in_dim3A_394 in 1 : vector<48x4095xf32>, vector<48x1xf32> -> vector<48x4096xf32>
    %jit3A_436 = arith.constant 0.000000e+00 : f32
    %broadcast_in_dim3A_437 = vector.shape_cast %ne3A_433 : vector<1x4096xi1> to vector<1x4096xi1>
    %broadcast_in_dim3A_438 = vector.broadcast %broadcast_in_dim3A_437 : vector<1x4096xi1> to vector<48x4096xi1>
    %broadcast_in_dim3A_439 = vector.broadcast %jit3A_436 : f32 to vector<48x4096xf32>
    %select_n3A_440 = arith.select %broadcast_in_dim3A_438, %concatenate3A_435, %broadcast_in_dim3A_439 : vector<48x4096xi1>, vector<48x4096xf32>
    %add3A_441 = arith.addf %add3A_430, %select_n3A_440 : vector<48x4096xf32>
    %max3A_442 = arith.constant 0.000000e+00 : f32
    %max3A_443 = vector.broadcast %max3A_442 : f32 to vector<48x4096xf32>
    %max3A_444 = arith.maximumf %add3A_441, %max3A_443 : vector<48x4096xf32>
    %convert_element_type3A_445 = arith.truncf %max3A_444 : vector<48x4096xf32> to vector<48x4096xbf16>
    %broadcast_in_dim3A_446 = arith.constant 0.000000e+00 : bf16
    %broadcast_in_dim3A_447 = vector.broadcast %broadcast_in_dim3A_446 : bf16 to vector<48x64xbf16>
    %slice3A_448 = vector.extract_strided_slice %convert_element_type3A_445 {offsets = [0, 0], sizes = [48, 4032], strides = [1, 1]} : vector<48x4096xbf16> to vector<48x4032xbf16>
    %concatenate3A_449 = tpu.concatenate %broadcast_in_dim3A_447, %slice3A_448 in 1 : vector<48x64xbf16>, vector<48x4032xbf16> -> vector<48x4096xbf16>
    %slice3A_450 = vector.extract_strided_slice %convert_element_type3A_445 {offsets = [0, 64], sizes = [48, 4032], strides = [1, 1]} : vector<48x4096xbf16> to vector<48x4032xbf16>
    %concatenate3A_451 = tpu.concatenate %slice3A_450, %broadcast_in_dim3A_447 in 1 : vector<48x4032xbf16>, vector<48x64xbf16> -> vector<48x4096xbf16>
    %concatenate3A_452 = tpu.concatenate %concatenate3A_449, %convert_element_type3A_445, %concatenate3A_451 in 0 : vector<48x4096xbf16>, vector<48x4096xbf16>, vector<48x4096xbf16> -> vector<144x4096xbf16>
    %get3A_453 = arith.index_cast %get3A_347 : i32 to index
    %get3A_454 = arith.constant 0 : index
    %get3A_455 = arith.constant 0 : index
    %get3A_456 = vector.load %arg6[%get3A_453, %get3A_454, %get3A_455] : memref<8x144x144xbf16, #tpu.memory_space<vmem>>, vector<1x144x144xbf16>
    %get3A_457 = vector.shape_cast %get3A_456 : vector<1x144x144xbf16> to vector<144x144xbf16>
    %get3A_458 = arith.index_cast %get3A_347 : i32 to index
    %get3A_459 = arith.constant 0 : index
    %get3A_460 = arith.constant 0 : index
    %get3A_461 = vector.load %arg7[%get3A_458, %get3A_459, %get3A_460] : memref<8x48x1xf32, #tpu.memory_space<vmem>>, vector<1x48x1xf32>
    %get3A_462 = vector.shape_cast %get3A_461 : vector<1x48x1xf32> to vector<48x1xf32>
    %dot_general3A_463 = arith.constant dense<0.000000e+00> : vector<144x4096xf32>
    %dot_general3A_464 = tpu.matmul %get3A_457, %concatenate3A_452, %dot_general3A_463 {dimension_numbers = #tpu.dot_dimension_numbers<[1], [0], [0], [1], [0, 0, 1, 1], [], []>, transpose_lhs_hint = false} : vector<144x144xbf16>, vector<144x4096xbf16>, vector<144x4096xf32> -> vector<144x4096xf32>
    %slice3A_465 = vector.extract_strided_slice %dot_general3A_464 {offsets = [0, 0], sizes = [48, 4096], strides = [1, 1]} : vector<144x4096xf32> to vector<48x4096xf32>
    %slice3A_466 = vector.extract_strided_slice %dot_general3A_464 {offsets = [48, 0], sizes = [48, 4096], strides = [1, 1]} : vector<144x4096xf32> to vector<48x4096xf32>
    %slice3A_467 = vector.extract_strided_slice %dot_general3A_464 {offsets = [96, 0], sizes = [48, 4096], strides = [1, 1]} : vector<144x4096xf32> to vector<48x4096xf32>
    %broadcast_in_dim3A_468 = arith.constant 0.000000e+00 : f32
    %broadcast_in_dim3A_469 = vector.broadcast %broadcast_in_dim3A_468 : f32 to vector<48x1xf32>
    %iota3A_470 = tpu.iota {dimensions = array<i32: 1>} : vector<1x4096xi32>
    %jit3A_471 = arith.constant 64 : i32
    %eq3A_472 = arith.constant 0 : i32
    %eq3A_473 = arith.cmpi eq, %jit3A_471, %eq3A_472 : i32
    %jit3A_474 = arith.constant 1 : i32
    %select_n3A_475 = arith.select %eq3A_473, %jit3A_474, %jit3A_471 : i32
    %rem3A_476 = vector.broadcast %select_n3A_475 : i32 to vector<1x4096xi32>
    %rem3A_477 = arith.remsi %iota3A_470, %rem3A_476 : vector<1x4096xi32>
    %ne3A_478 = arith.constant 0 : i32
    %ne3A_479 = vector.broadcast %ne3A_478 : i32 to vector<1x4096xi32>
    %ne3A_480 = arith.cmpi ne, %rem3A_477, %ne3A_479 : vector<1x4096xi32>
    %lt3A_481 = arith.constant 0 : i32
    %lt3A_482 = vector.broadcast %lt3A_481 : i32 to vector<1x4096xi32>
    %lt3A_483 = arith.cmpi slt, %rem3A_477, %lt3A_482 : vector<1x4096xi32>
    %lt3A_484 = arith.constant 0 : i32
    %lt3A_485 = arith.cmpi slt, %select_n3A_475, %lt3A_484 : i32
    %ne3A_486 = vector.broadcast %lt3A_485 : i1 to vector<1x4096xi1>
    %ne3A_487 = vector.broadcast %ne3A_486 : vector<1x4096xi1> to vector<1x4096xi1>
    %ne3A_488 = arith.xori %lt3A_483, %ne3A_487 : vector<1x4096xi1>
    %and3A_489 = arith.andi %ne3A_488, %ne3A_480 : vector<1x4096xi1>
    %add3A_490 = vector.broadcast %select_n3A_475 : i32 to vector<1x4096xi32>
    %add3A_491 = arith.addi %rem3A_477, %add3A_490 : vector<1x4096xi32>
    %select_n3A_492 = arith.select %and3A_489, %add3A_491, %rem3A_477 : vector<1x4096xi1>, vector<1x4096xi32>
    %add3A_493 = vector.broadcast %get3A_462 : vector<48x1xf32> to vector<48x4096xf32>
    %add3A_494 = arith.addf %slice3A_466, %add3A_493 : vector<48x4096xf32>
    %ne3A_495 = arith.constant 0 : i32
    %ne3A_496 = vector.broadcast %ne3A_495 : i32 to vector<1x4096xi32>
    %ne3A_497 = arith.cmpi ne, %select_n3A_492, %ne3A_496 : vector<1x4096xi32>
    %slice3A_498 = vector.extract_strided_slice %slice3A_465 {offsets = [0, 0], sizes = [48, 4095], strides = [1, 1]} : vector<48x4096xf32> to vector<48x4095xf32>
    %concatenate3A_499 = tpu.concatenate %broadcast_in_dim3A_469, %slice3A_498 in 1 : vector<48x1xf32>, vector<48x4095xf32> -> vector<48x4096xf32>
    %jit3A_500 = arith.constant 0.000000e+00 : f32
    %broadcast_in_dim3A_501 = vector.shape_cast %ne3A_497 : vector<1x4096xi1> to vector<1x4096xi1>
    %broadcast_in_dim3A_502 = vector.broadcast %broadcast_in_dim3A_501 : vector<1x4096xi1> to vector<48x4096xi1>
    %broadcast_in_dim3A_503 = vector.broadcast %jit3A_500 : f32 to vector<48x4096xf32>
    %select_n3A_504 = arith.select %broadcast_in_dim3A_502, %concatenate3A_499, %broadcast_in_dim3A_503 : vector<48x4096xi1>, vector<48x4096xf32>
    %add3A_505 = arith.addf %add3A_494, %select_n3A_504 : vector<48x4096xf32>
    %ne3A_506 = arith.constant 63 : i32
    %ne3A_507 = vector.broadcast %ne3A_506 : i32 to vector<1x4096xi32>
    %ne3A_508 = arith.cmpi ne, %select_n3A_492, %ne3A_507 : vector<1x4096xi32>
    %slice3A_509 = vector.extract_strided_slice %slice3A_467 {offsets = [0, 1], sizes = [48, 4095], strides = [1, 1]} : vector<48x4096xf32> to vector<48x4095xf32>
    %concatenate3A_510 = tpu.concatenate %slice3A_509, %broadcast_in_dim3A_469 in 1 : vector<48x4095xf32>, vector<48x1xf32> -> vector<48x4096xf32>
    %jit3A_511 = arith.constant 0.000000e+00 : f32
    %broadcast_in_dim3A_512 = vector.shape_cast %ne3A_508 : vector<1x4096xi1> to vector<1x4096xi1>
    %broadcast_in_dim3A_513 = vector.broadcast %broadcast_in_dim3A_512 : vector<1x4096xi1> to vector<48x4096xi1>
    %broadcast_in_dim3A_514 = vector.broadcast %jit3A_511 : f32 to vector<48x4096xf32>
    %select_n3A_515 = arith.select %broadcast_in_dim3A_513, %concatenate3A_510, %broadcast_in_dim3A_514 : vector<48x4096xi1>, vector<48x4096xf32>
    %add3A_516 = arith.addf %add3A_505, %select_n3A_515 : vector<48x4096xf32>
    %max3A_517 = arith.constant 0.000000e+00 : f32
    %max3A_518 = vector.broadcast %max3A_517 : f32 to vector<48x4096xf32>
    %max3A_519 = arith.maximumf %add3A_516, %max3A_518 : vector<48x4096xf32>
    %convert_element_type3A_520 = arith.truncf %max3A_519 : vector<48x4096xf32> to vector<48x4096xbf16>
    %broadcast_in_dim3A_521 = arith.constant 0.000000e+00 : bf16
    %broadcast_in_dim3A_522 = vector.broadcast %broadcast_in_dim3A_521 : bf16 to vector<48x64xbf16>
    %slice3A_523 = vector.extract_strided_slice %convert_element_type3A_520 {offsets = [0, 0], sizes = [48, 4032], strides = [1, 1]} : vector<48x4096xbf16> to vector<48x4032xbf16>
    %concatenate3A_524 = tpu.concatenate %broadcast_in_dim3A_522, %slice3A_523 in 1 : vector<48x64xbf16>, vector<48x4032xbf16> -> vector<48x4096xbf16>
    %slice3A_525 = vector.extract_strided_slice %convert_element_type3A_520 {offsets = [0, 64], sizes = [48, 4032], strides = [1, 1]} : vector<48x4096xbf16> to vector<48x4032xbf16>
    %concatenate3A_526 = tpu.concatenate %slice3A_525, %broadcast_in_dim3A_522 in 1 : vector<48x4032xbf16>, vector<48x64xbf16> -> vector<48x4096xbf16>
    %concatenate3A_527 = tpu.concatenate %concatenate3A_524, %convert_element_type3A_520, %concatenate3A_526 in 0 : vector<48x4096xbf16>, vector<48x4096xbf16>, vector<48x4096xbf16> -> vector<144x4096xbf16>
    %get3A_528 = arith.index_cast %get3A_347 : i32 to index
    %get3A_529 = arith.constant 0 : index
    %get3A_530 = arith.constant 0 : index
    %get3A_531 = vector.load %arg8[%get3A_528, %get3A_529, %get3A_530] : memref<8x144x144xbf16, #tpu.memory_space<vmem>>, vector<1x144x144xbf16>
    %get3A_532 = vector.shape_cast %get3A_531 : vector<1x144x144xbf16> to vector<144x144xbf16>
    %get3A_533 = arith.index_cast %get3A_347 : i32 to index
    %get3A_534 = arith.constant 0 : index
    %get3A_535 = arith.constant 0 : index
    %get3A_536 = vector.load %arg9[%get3A_533, %get3A_534, %get3A_535] : memref<8x48x1xf32, #tpu.memory_space<vmem>>, vector<1x48x1xf32>
    %get3A_537 = vector.shape_cast %get3A_536 : vector<1x48x1xf32> to vector<48x1xf32>
    %dot_general3A_538 = arith.constant dense<0.000000e+00> : vector<144x4096xf32>
    %dot_general3A_539 = tpu.matmul %get3A_532, %concatenate3A_527, %dot_general3A_538 {dimension_numbers = #tpu.dot_dimension_numbers<[1], [0], [0], [1], [0, 0, 1, 1], [], []>, transpose_lhs_hint = false} : vector<144x144xbf16>, vector<144x4096xbf16>, vector<144x4096xf32> -> vector<144x4096xf32>
    %slice3A_540 = vector.extract_strided_slice %dot_general3A_539 {offsets = [0, 0], sizes = [48, 4096], strides = [1, 1]} : vector<144x4096xf32> to vector<48x4096xf32>
    %slice3A_541 = vector.extract_strided_slice %dot_general3A_539 {offsets = [48, 0], sizes = [48, 4096], strides = [1, 1]} : vector<144x4096xf32> to vector<48x4096xf32>
    %slice3A_542 = vector.extract_strided_slice %dot_general3A_539 {offsets = [96, 0], sizes = [48, 4096], strides = [1, 1]} : vector<144x4096xf32> to vector<48x4096xf32>
    %broadcast_in_dim3A_543 = arith.constant 0.000000e+00 : f32
    %broadcast_in_dim3A_544 = vector.broadcast %broadcast_in_dim3A_543 : f32 to vector<48x1xf32>
    %iota3A_545 = tpu.iota {dimensions = array<i32: 1>} : vector<1x4096xi32>
    %jit3A_546 = arith.constant 64 : i32
    %eq3A_547 = arith.constant 0 : i32
    %eq3A_548 = arith.cmpi eq, %jit3A_546, %eq3A_547 : i32
    %jit3A_549 = arith.constant 1 : i32
    %select_n3A_550 = arith.select %eq3A_548, %jit3A_549, %jit3A_546 : i32
    %rem3A_551 = vector.broadcast %select_n3A_550 : i32 to vector<1x4096xi32>
    %rem3A_552 = arith.remsi %iota3A_545, %rem3A_551 : vector<1x4096xi32>
    %ne3A_553 = arith.constant 0 : i32
    %ne3A_554 = vector.broadcast %ne3A_553 : i32 to vector<1x4096xi32>
    %ne3A_555 = arith.cmpi ne, %rem3A_552, %ne3A_554 : vector<1x4096xi32>
    %lt3A_556 = arith.constant 0 : i32
    %lt3A_557 = vector.broadcast %lt3A_556 : i32 to vector<1x4096xi32>
    %lt3A_558 = arith.cmpi slt, %rem3A_552, %lt3A_557 : vector<1x4096xi32>
    %lt3A_559 = arith.constant 0 : i32
    %lt3A_560 = arith.cmpi slt, %select_n3A_550, %lt3A_559 : i32
    %ne3A_561 = vector.broadcast %lt3A_560 : i1 to vector<1x4096xi1>
    %ne3A_562 = vector.broadcast %ne3A_561 : vector<1x4096xi1> to vector<1x4096xi1>
    %ne3A_563 = arith.xori %lt3A_558, %ne3A_562 : vector<1x4096xi1>
    %and3A_564 = arith.andi %ne3A_563, %ne3A_555 : vector<1x4096xi1>
    %add3A_565 = vector.broadcast %select_n3A_550 : i32 to vector<1x4096xi32>
    %add3A_566 = arith.addi %rem3A_552, %add3A_565 : vector<1x4096xi32>
    %select_n3A_567 = arith.select %and3A_564, %add3A_566, %rem3A_552 : vector<1x4096xi1>, vector<1x4096xi32>
    %add3A_568 = vector.broadcast %get3A_537 : vector<48x1xf32> to vector<48x4096xf32>
    %add3A_569 = arith.addf %slice3A_541, %add3A_568 : vector<48x4096xf32>
    %ne3A_570 = arith.constant 0 : i32
    %ne3A_571 = vector.broadcast %ne3A_570 : i32 to vector<1x4096xi32>
    %ne3A_572 = arith.cmpi ne, %select_n3A_567, %ne3A_571 : vector<1x4096xi32>
    %slice3A_573 = vector.extract_strided_slice %slice3A_540 {offsets = [0, 0], sizes = [48, 4095], strides = [1, 1]} : vector<48x4096xf32> to vector<48x4095xf32>
    %concatenate3A_574 = tpu.concatenate %broadcast_in_dim3A_544, %slice3A_573 in 1 : vector<48x1xf32>, vector<48x4095xf32> -> vector<48x4096xf32>
    %jit3A_575 = arith.constant 0.000000e+00 : f32
    %broadcast_in_dim3A_576 = vector.shape_cast %ne3A_572 : vector<1x4096xi1> to vector<1x4096xi1>
    %broadcast_in_dim3A_577 = vector.broadcast %broadcast_in_dim3A_576 : vector<1x4096xi1> to vector<48x4096xi1>
    %broadcast_in_dim3A_578 = vector.broadcast %jit3A_575 : f32 to vector<48x4096xf32>
    %select_n3A_579 = arith.select %broadcast_in_dim3A_577, %concatenate3A_574, %broadcast_in_dim3A_578 : vector<48x4096xi1>, vector<48x4096xf32>
    %add3A_580 = arith.addf %add3A_569, %select_n3A_579 : vector<48x4096xf32>
    %ne3A_581 = arith.constant 63 : i32
    %ne3A_582 = vector.broadcast %ne3A_581 : i32 to vector<1x4096xi32>
    %ne3A_583 = arith.cmpi ne, %select_n3A_567, %ne3A_582 : vector<1x4096xi32>
    %slice3A_584 = vector.extract_strided_slice %slice3A_542 {offsets = [0, 1], sizes = [48, 4095], strides = [1, 1]} : vector<48x4096xf32> to vector<48x4095xf32>
    %concatenate3A_585 = tpu.concatenate %slice3A_584, %broadcast_in_dim3A_544 in 1 : vector<48x4095xf32>, vector<48x1xf32> -> vector<48x4096xf32>
    %jit3A_586 = arith.constant 0.000000e+00 : f32
    %broadcast_in_dim3A_587 = vector.shape_cast %ne3A_583 : vector<1x4096xi1> to vector<1x4096xi1>
    %broadcast_in_dim3A_588 = vector.broadcast %broadcast_in_dim3A_587 : vector<1x4096xi1> to vector<48x4096xi1>
    %broadcast_in_dim3A_589 = vector.broadcast %jit3A_586 : f32 to vector<48x4096xf32>
    %select_n3A_590 = arith.select %broadcast_in_dim3A_588, %concatenate3A_585, %broadcast_in_dim3A_589 : vector<48x4096xi1>, vector<48x4096xf32>
    %add3A_591 = arith.addf %add3A_580, %select_n3A_590 : vector<48x4096xf32>
    %add3A_592 = arith.addf %add3A_591, %max3A_444 : vector<48x4096xf32>
    %max3A_593 = arith.constant 0.000000e+00 : f32
    %max3A_594 = vector.broadcast %max3A_593 : f32 to vector<48x4096xf32>
    %max3A_595 = arith.maximumf %add3A_592, %max3A_594 : vector<48x4096xf32>
    %convert_element_type3A_596 = arith.truncf %max3A_595 : vector<48x4096xf32> to vector<48x4096xbf16>
    %broadcast_in_dim3A_597 = arith.constant 0.000000e+00 : bf16
    %broadcast_in_dim3A_598 = vector.broadcast %broadcast_in_dim3A_597 : bf16 to vector<48x64xbf16>
    %slice3A_599 = vector.extract_strided_slice %convert_element_type3A_596 {offsets = [0, 0], sizes = [48, 4032], strides = [1, 1]} : vector<48x4096xbf16> to vector<48x4032xbf16>
    %concatenate3A_600 = tpu.concatenate %broadcast_in_dim3A_598, %slice3A_599 in 1 : vector<48x64xbf16>, vector<48x4032xbf16> -> vector<48x4096xbf16>
    %slice3A_601 = vector.extract_strided_slice %convert_element_type3A_596 {offsets = [0, 64], sizes = [48, 4032], strides = [1, 1]} : vector<48x4096xbf16> to vector<48x4032xbf16>
    %concatenate3A_602 = tpu.concatenate %slice3A_601, %broadcast_in_dim3A_598 in 1 : vector<48x4032xbf16>, vector<48x64xbf16> -> vector<48x4096xbf16>
    %concatenate3A_603 = tpu.concatenate %concatenate3A_600, %convert_element_type3A_596, %concatenate3A_602 in 0 : vector<48x4096xbf16>, vector<48x4096xbf16>, vector<48x4096xbf16> -> vector<144x4096xbf16>
    %get3A_604 = arith.index_cast %get3A_347 : i32 to index
    %get3A_605 = arith.constant 0 : index
    %get3A_606 = arith.constant 0 : index
    %get3A_607 = vector.load %arg10[%get3A_604, %get3A_605, %get3A_606] : memref<8x288x144xbf16, #tpu.memory_space<vmem>>, vector<1x288x144xbf16>
    %get3A_608 = vector.shape_cast %get3A_607 : vector<1x288x144xbf16> to vector<288x144xbf16>
    %get3A_609 = arith.index_cast %get3A_347 : i32 to index
    %get3A_610 = arith.constant 0 : index
    %get3A_611 = arith.constant 0 : index
    %get3A_612 = vector.load %arg11[%get3A_609, %get3A_610, %get3A_611] : memref<8x96x1xf32, #tpu.memory_space<vmem>>, vector<1x96x1xf32>
    %get3A_613 = vector.shape_cast %get3A_612 : vector<1x96x1xf32> to vector<96x1xf32>
    %dot_general3A_614 = arith.constant dense<0.000000e+00> : vector<288x4096xf32>
    %dot_general3A_615 = tpu.matmul %get3A_608, %concatenate3A_603, %dot_general3A_614 {dimension_numbers = #tpu.dot_dimension_numbers<[1], [0], [0], [1], [0, 0, 1, 1], [], []>, transpose_lhs_hint = false} : vector<288x144xbf16>, vector<144x4096xbf16>, vector<288x4096xf32> -> vector<288x4096xf32>
    %slice3A_616 = vector.extract_strided_slice %dot_general3A_615 {offsets = [0, 0], sizes = [96, 4096], strides = [1, 1]} : vector<288x4096xf32> to vector<96x4096xf32>
    %slice3A_617 = vector.extract_strided_slice %dot_general3A_615 {offsets = [96, 0], sizes = [96, 4096], strides = [1, 1]} : vector<288x4096xf32> to vector<96x4096xf32>
    %slice3A_618 = vector.extract_strided_slice %dot_general3A_615 {offsets = [192, 0], sizes = [96, 4096], strides = [1, 1]} : vector<288x4096xf32> to vector<96x4096xf32>
    %broadcast_in_dim3A_619 = arith.constant 0.000000e+00 : f32
    %broadcast_in_dim3A_620 = vector.broadcast %broadcast_in_dim3A_619 : f32 to vector<96x1xf32>
    %iota3A_621 = tpu.iota {dimensions = array<i32: 1>} : vector<1x4096xi32>
    %jit3A_622 = arith.constant 64 : i32
    %eq3A_623 = arith.constant 0 : i32
    %eq3A_624 = arith.cmpi eq, %jit3A_622, %eq3A_623 : i32
    %jit3A_625 = arith.constant 1 : i32
    %select_n3A_626 = arith.select %eq3A_624, %jit3A_625, %jit3A_622 : i32
    %rem3A_627 = vector.broadcast %select_n3A_626 : i32 to vector<1x4096xi32>
    %rem3A_628 = arith.remsi %iota3A_621, %rem3A_627 : vector<1x4096xi32>
    %ne3A_629 = arith.constant 0 : i32
    %ne3A_630 = vector.broadcast %ne3A_629 : i32 to vector<1x4096xi32>
    %ne3A_631 = arith.cmpi ne, %rem3A_628, %ne3A_630 : vector<1x4096xi32>
    %lt3A_632 = arith.constant 0 : i32
    %lt3A_633 = vector.broadcast %lt3A_632 : i32 to vector<1x4096xi32>
    %lt3A_634 = arith.cmpi slt, %rem3A_628, %lt3A_633 : vector<1x4096xi32>
    %lt3A_635 = arith.constant 0 : i32
    %lt3A_636 = arith.cmpi slt, %select_n3A_626, %lt3A_635 : i32
    %ne3A_637 = vector.broadcast %lt3A_636 : i1 to vector<1x4096xi1>
    %ne3A_638 = vector.broadcast %ne3A_637 : vector<1x4096xi1> to vector<1x4096xi1>
    %ne3A_639 = arith.xori %lt3A_634, %ne3A_638 : vector<1x4096xi1>
    %and3A_640 = arith.andi %ne3A_639, %ne3A_631 : vector<1x4096xi1>
    %add3A_641 = vector.broadcast %select_n3A_626 : i32 to vector<1x4096xi32>
    %add3A_642 = arith.addi %rem3A_628, %add3A_641 : vector<1x4096xi32>
    %select_n3A_643 = arith.select %and3A_640, %add3A_642, %rem3A_628 : vector<1x4096xi1>, vector<1x4096xi32>
    %add3A_644 = vector.broadcast %get3A_613 : vector<96x1xf32> to vector<96x4096xf32>
    %add3A_645 = arith.addf %slice3A_617, %add3A_644 : vector<96x4096xf32>
    %ne3A_646 = arith.constant 0 : i32
    %ne3A_647 = vector.broadcast %ne3A_646 : i32 to vector<1x4096xi32>
    %ne3A_648 = arith.cmpi ne, %select_n3A_643, %ne3A_647 : vector<1x4096xi32>
    %slice3A_649 = vector.extract_strided_slice %slice3A_616 {offsets = [0, 0], sizes = [96, 4095], strides = [1, 1]} : vector<96x4096xf32> to vector<96x4095xf32>
    %concatenate3A_650 = tpu.concatenate %broadcast_in_dim3A_620, %slice3A_649 in 1 : vector<96x1xf32>, vector<96x4095xf32> -> vector<96x4096xf32>
    %jit3A_651 = arith.constant 0.000000e+00 : f32
    %broadcast_in_dim3A_652 = vector.shape_cast %ne3A_648 : vector<1x4096xi1> to vector<1x4096xi1>
    %broadcast_in_dim3A_653 = vector.broadcast %broadcast_in_dim3A_652 : vector<1x4096xi1> to vector<96x4096xi1>
    %broadcast_in_dim3A_654 = vector.broadcast %jit3A_651 : f32 to vector<96x4096xf32>
    %select_n3A_655 = arith.select %broadcast_in_dim3A_653, %concatenate3A_650, %broadcast_in_dim3A_654 : vector<96x4096xi1>, vector<96x4096xf32>
    %add3A_656 = arith.addf %add3A_645, %select_n3A_655 : vector<96x4096xf32>
    %ne3A_657 = arith.constant 63 : i32
    %ne3A_658 = vector.broadcast %ne3A_657 : i32 to vector<1x4096xi32>
    %ne3A_659 = arith.cmpi ne, %select_n3A_643, %ne3A_658 : vector<1x4096xi32>
    %slice3A_660 = vector.extract_strided_slice %slice3A_618 {offsets = [0, 1], sizes = [96, 4095], strides = [1, 1]} : vector<96x4096xf32> to vector<96x4095xf32>
    %concatenate3A_661 = tpu.concatenate %slice3A_660, %broadcast_in_dim3A_620 in 1 : vector<96x4095xf32>, vector<96x1xf32> -> vector<96x4096xf32>
    %jit3A_662 = arith.constant 0.000000e+00 : f32
    %broadcast_in_dim3A_663 = vector.shape_cast %ne3A_659 : vector<1x4096xi1> to vector<1x4096xi1>
    %broadcast_in_dim3A_664 = vector.broadcast %broadcast_in_dim3A_663 : vector<1x4096xi1> to vector<96x4096xi1>
    %broadcast_in_dim3A_665 = vector.broadcast %jit3A_662 : f32 to vector<96x4096xf32>
    %select_n3A_666 = arith.select %broadcast_in_dim3A_664, %concatenate3A_661, %broadcast_in_dim3A_665 : vector<96x4096xi1>, vector<96x4096xf32>
    %add3A_667 = arith.addf %add3A_656, %select_n3A_666 : vector<96x4096xf32>
    %swap3A_668 = arith.constant 0 : index
    %swap3A_669 = arith.constant 0 : index
    %swap3A_670 = vector.load %arg33[%swap3A_668, %swap3A_669] : memref<96x4096xf32, #tpu.memory_space<vmem>>, vector<96x4096xf32>
    tpu.vector_store %arg33[%swap3A_668, %swap3A_669], %add3A_667 {strides = array<i32>} : memref<96x4096xf32, #tpu.memory_space<vmem>>, vector<96x4096xf32>,
    %jit3A_671 = arith.constant 2 : i32
    %eq3A_672 = arith.constant 0 : i32
    %eq3A_673 = arith.cmpi eq, %jit3A_671, %eq3A_672 : i32
    %jit3A_674 = arith.constant 1 : i32
    %select_n3A_675 = arith.select %eq3A_673, %jit3A_674, %jit3A_671 : i32
    %rem3A_676 = arith.remsi %get3A_347, %select_n3A_675 : i32
    %ne3A_677 = arith.constant 0 : i32
    %ne3A_678 = arith.cmpi ne, %rem3A_676, %ne3A_677 : i32
    %lt3A_679 = arith.constant 0 : i32
    %lt3A_680 = arith.cmpi slt, %rem3A_676, %lt3A_679 : i32
    %lt3A_681 = arith.constant 0 : i32
    %lt3A_682 = arith.cmpi slt, %select_n3A_675, %lt3A_681 : i32
    %ne3A_683 = arith.xori %lt3A_680, %lt3A_682 : i1
    %and3A_684 = arith.andi %ne3A_683, %ne3A_678 : i1
    %add3A_685 = arith.addi %rem3A_676, %select_n3A_675 : i32
    %select_n3A_686 = arith.select %and3A_684, %add3A_685, %rem3A_676 : i32
    %eq3A_687 = arith.constant 0 : i32
    %eq3A_688 = arith.cmpi eq, %select_n3A_686, %eq3A_687 : i32
    %convert_element_type3A_689 = arith.extui %eq3A_688 : i1 to i32
    %cond3A_690 = arith.constant 0 : i32
    %cond3A_691 = arith.cmpi ne, %convert_element_type3A_689, %cond3A_690 : i32
    scf.if %cond3A_691 {
      %convert_element_type3A_710 = arith.truncf %add3A_667 : vector<96x4096xf32> to vector<96x4096xbf16>
      %get3A_711 = arith.constant 0 : index
      %get3A_712 = arith.constant 0 : index
      %get3A_713 = vector.load %arg28[%get3A_711, %get3A_712] : memref<4096x64xbf16, #tpu.memory_space<vmem>>, vector<4096x64xbf16>
      %dot_general3A_714 = arith.constant dense<0.000000e+00> : vector<96x64xf32>
      %dot_general3A_715 = tpu.matmul %convert_element_type3A_710, %get3A_713, %dot_general3A_714 {dimension_numbers = #tpu.dot_dimension_numbers<[1], [0], [0], [1], [0, 0, 1, 1], [], []>, transpose_lhs_hint = false} : vector<96x4096xbf16>, vector<4096x64xbf16>, vector<96x64xf32> -> vector<96x64xf32>
      %convert_element_type3A_716 = arith.truncf %dot_general3A_715 : vector<96x64xf32> to vector<96x64xbf16>
      %get3A_717 = arith.index_cast %select_n3A_377 : i32 to index
      %get3A_718 = arith.constant 0 : index
      %get3A_719 = arith.constant 0 : index
      %get3A_720 = arith.constant 0 : index
      %get3A_721 = vector.load %arg12[%get3A_717, %get3A_718, %get3A_719, %get3A_720] : memref<4x96x64x128xbf16, #tpu.memory_space<vmem>>, vector<1x96x64x128xbf16>
      %get3A_722 = vector.shape_cast %get3A_721 : vector<1x96x64x128xbf16> to vector<96x64x128xbf16>
      %dot_general3A_723 = arith.constant dense<0.000000e+00> : vector<96x128xf32>
      %dot_general3A_724 = tpu.matmul %convert_element_type3A_716, %get3A_722, %dot_general3A_723 {dimension_numbers = #tpu.dot_dimension_numbers<[1], [1], [], [2], [0, 0, 1, 2], [0], [0]>, transpose_lhs_hint = false} : vector<96x64xbf16>, vector<96x64x128xbf16>, vector<96x128xf32> -> vector<96x128xf32>
      %reduce_sum3A = arith.constant dense<0.000000e+00> : vector<128xf32>
      %reduce_sum3A_725 = vector.multi_reduction <add>, %dot_general3A_724, %reduce_sum3A [0] : vector<96x128xf32> to vector<128xf32>
      %broadcast_in_dim3A_726 = vector.shape_cast %reduce_sum3A_725 : vector<128xf32> to vector<1x128xf32>
      %get3A_727 = arith.index_cast %select_n3A_377 : i32 to index
      %get3A_728 = arith.constant 0 : index
      %get3A_729 = arith.constant 0 : index
      %get3A_730 = vector.load %arg13[%get3A_727, %get3A_728, %get3A_729] : memref<4x1x128xf32, #tpu.memory_space<vmem>>, vector<1x1x128xf32>
      %get3A_731 = vector.shape_cast %get3A_730 : vector<1x1x128xf32> to vector<1x128xf32>
      %add3A_732 = arith.addf %broadcast_in_dim3A_726, %get3A_731 : vector<1x128xf32>
      %get3A_733 = arith.index_cast %select_n3A_377 : i32 to index
      %get3A_734 = arith.constant 0 : index
      %get3A_735 = arith.constant 0 : index
      %get3A_736 = vector.load %arg14[%get3A_733, %get3A_734, %get3A_735] : memref<4x128x128xf32, #tpu.memory_space<vmem>>, vector<1x128x128xf32>
      %get3A_737 = vector.shape_cast %get3A_736 : vector<1x128x128xf32> to vector<128x128xf32>
      %dot_general3A_738 = arith.constant dense<0.000000e+00> : vector<1x128xf32>
      %dot_general3A_739 = tpu.matmul %add3A_732, %get3A_737, %dot_general3A_738 {dimension_numbers = #tpu.dot_dimension_numbers<[1], [0], [0], [1], [0, 0, 1, 1], [], []>, transpose_lhs_hint = false} : vector<1x128xf32>, vector<128x128xf32>, vector<1x128xf32> -> vector<1x128xf32>
      %get3A_740 = arith.index_cast %select_n3A_377 : i32 to index
      %get3A_741 = arith.constant 0 : index
      %get3A_742 = arith.constant 0 : index
      %get3A_743 = vector.load %arg15[%get3A_740, %get3A_741, %get3A_742] : memref<4x1x128xf32, #tpu.memory_space<vmem>>, vector<1x1x128xf32>
      %get3A_744 = vector.shape_cast %get3A_743 : vector<1x1x128xf32> to vector<1x128xf32>
      %add3A_745 = arith.addf %dot_general3A_739, %get3A_744 : vector<1x128xf32>
      %get3A_746 = arith.index_cast %select_n3A_377 : i32 to index
      %get3A_747 = arith.constant 0 : index
      %get3A_748 = arith.constant 0 : index
      %get3A_749 = vector.load %arg16[%get3A_746, %get3A_747, %get3A_748] : memref<4x128x128xf32, #tpu.memory_space<vmem>>, vector<1x128x128xf32>
      %get3A_750 = vector.shape_cast %get3A_749 : vector<1x128x128xf32> to vector<128x128xf32>
      %dot_general3A_751 = arith.constant dense<0.000000e+00> : vector<1x128xf32>
      %dot_general3A_752 = tpu.matmul %add3A_745, %get3A_750, %dot_general3A_751 {dimension_numbers = #tpu.dot_dimension_numbers<[1], [0], [0], [1], [0, 0, 1, 1], [], []>, transpose_lhs_hint = false} : vector<1x128xf32>, vector<128x128xf32>, vector<1x128xf32> -> vector<1x128xf32>
      %get3A_753 = arith.index_cast %select_n3A_377 : i32 to index
      %get3A_754 = arith.constant 0 : index
      %get3A_755 = arith.constant 0 : index
      %get3A_756 = vector.load %arg17[%get3A_753, %get3A_754, %get3A_755] : memref<4x1x128xf32, #tpu.memory_space<vmem>>, vector<1x1x128xf32>
      %get3A_757 = vector.shape_cast %get3A_756 : vector<1x1x128xf32> to vector<1x128xf32>
      %add3A_758 = arith.addf %dot_general3A_752, %get3A_757 : vector<1x128xf32>
      %add3A_759 = arith.addf %add3A_732, %add3A_758 : vector<1x128xf32>
      %get3A_760 = arith.index_cast %select_n3A_377 : i32 to index
      %get3A_761 = arith.constant 0 : index
      %get3A_762 = arith.constant 0 : index
      %get3A_763 = vector.load %arg22[%get3A_760, %get3A_761, %get3A_762] : memref<4x1x128xf32, #tpu.memory_space<vmem>>, vector<1x1x128xf32>
      %get3A_764 = vector.shape_cast %get3A_763 : vector<1x1x128xf32> to vector<1x128xf32>
      %get3A_765 = arith.index_cast %select_n3A_377 : i32 to index
      %get3A_766 = arith.constant 0 : index
      %get3A_767 = arith.constant 0 : index
      %get3A_768 = vector.load %arg23[%get3A_765, %get3A_766, %get3A_767] : memref<4x1x128xf32, #tpu.memory_space<vmem>>, vector<1x1x128xf32>
      %get3A_769 = vector.shape_cast %get3A_768 : vector<1x1x128xf32> to vector<1x128xf32>
      %reduce_sum3A_770 = arith.constant dense<0.000000e+00> : vector<1xf32>
      %reduce_sum3A_771 = vector.multi_reduction <add>, %add3A_759, %reduce_sum3A_770 [1] : vector<1x128xf32> to vector<1xf32>
      %broadcast_in_dim3A_772 = vector.shape_cast %reduce_sum3A_771 : vector<1xf32> to vector<1x1xf32>
      %div3A_773 = arith.constant 1.280000e+02 : f32
      %div3A_774 = vector.broadcast %div3A_773 : f32 to vector<1x1xf32>
      %div3A_775 = arith.divf %broadcast_in_dim3A_772, %div3A_774 : vector<1x1xf32>
      %sub3A_776 = vector.broadcast %div3A_775 : vector<1x1xf32> to vector<1x128xf32>
      %sub3A_777 = arith.subf %add3A_759, %sub3A_776 : vector<1x128xf32>
      %sub3A_778 = vector.broadcast %div3A_775 : vector<1x1xf32> to vector<1x128xf32>
      %sub3A_779 = arith.subf %add3A_759, %sub3A_778 : vector<1x128xf32>
      %mul3A_780 = arith.mulf %sub3A_777, %sub3A_779 : vector<1x128xf32>
      %reduce_sum3A_781 = arith.constant dense<0.000000e+00> : vector<1xf32>
      %reduce_sum3A_782 = vector.multi_reduction <add>, %mul3A_780, %reduce_sum3A_781 [1] : vector<1x128xf32> to vector<1xf32>
      %broadcast_in_dim3A_783 = vector.shape_cast %reduce_sum3A_782 : vector<1xf32> to vector<1x1xf32>
      %div3A_784 = arith.constant 1.280000e+02 : f32
      %div3A_785 = vector.broadcast %div3A_784 : f32 to vector<1x1xf32>
      %div3A_786 = arith.divf %broadcast_in_dim3A_783, %div3A_785 : vector<1x1xf32>
      %sub3A_787 = vector.broadcast %div3A_775 : vector<1x1xf32> to vector<1x128xf32>
      %sub3A_788 = arith.subf %add3A_759, %sub3A_787 : vector<1x128xf32>
      %add3A_789 = arith.constant 9.99999974E-6 : f32
      %add3A_790 = vector.broadcast %add3A_789 : f32 to vector<1x1xf32>
      %add3A_791 = arith.addf %div3A_786, %add3A_790 : vector<1x1xf32>
      %sqrt3A = math.sqrt %add3A_791 : vector<1x1xf32>
      %div3A_792 = vector.broadcast %sqrt3A : vector<1x1xf32> to vector<1x128xf32>
      %div3A_793 = arith.divf %sub3A_788, %div3A_792 : vector<1x128xf32>
      %mul3A_794 = arith.mulf %div3A_793, %get3A_764 : vector<1x128xf32>
      %add3A_795 = arith.addf %mul3A_794, %get3A_769 : vector<1x128xf32>
      %get3A_796 = arith.index_cast %select_n3A_377 : i32 to index
      %get3A_797 = arith.constant 0 : index
      %get3A_798 = arith.constant 0 : index
      %get3A_799 = vector.load %arg18[%get3A_796, %get3A_797, %get3A_798] : memref<4x128x256xf32, #tpu.memory_space<vmem>>, vector<1x128x256xf32>
      %get3A_800 = vector.shape_cast %get3A_799 : vector<1x128x256xf32> to vector<128x256xf32>
      %dot_general3A_801 = arith.constant dense<0.000000e+00> : vector<1x256xf32>
      %dot_general3A_802 = tpu.matmul %add3A_795, %get3A_800, %dot_general3A_801 {dimension_numbers = #tpu.dot_dimension_numbers<[1], [0], [0], [1], [0, 0, 1, 1], [], []>, transpose_lhs_hint = false} : vector<1x128xf32>, vector<128x256xf32>, vector<1x256xf32> -> vector<1x256xf32>
      %get3A_803 = arith.index_cast %select_n3A_377 : i32 to index
      %get3A_804 = arith.constant 0 : index
      %get3A_805 = arith.constant 0 : index
      %get3A_806 = vector.load %arg19[%get3A_803, %get3A_804, %get3A_805] : memref<4x1x256xf32, #tpu.memory_space<vmem>>, vector<1x1x256xf32>
      %get3A_807 = vector.shape_cast %get3A_806 : vector<1x1x256xf32> to vector<1x256xf32>
      %add3A_808 = arith.addf %dot_general3A_802, %get3A_807 : vector<1x256xf32>
      %max3A_809 = arith.constant 0.000000e+00 : f32
      %max3A_810 = vector.broadcast %max3A_809 : f32 to vector<1x256xf32>
      %max3A_811 = arith.maximumf %add3A_808, %max3A_810 : vector<1x256xf32>
      %get3A_812 = arith.index_cast %select_n3A_377 : i32 to index
      %get3A_813 = arith.constant 0 : index
      %get3A_814 = arith.constant 0 : index
      %get3A_815 = vector.load %arg20[%get3A_812, %get3A_813, %get3A_814] : memref<4x256x128xf32, #tpu.memory_space<vmem>>, vector<1x256x128xf32>
      %get3A_816 = vector.shape_cast %get3A_815 : vector<1x256x128xf32> to vector<256x128xf32>
      %dot_general3A_817 = arith.constant dense<0.000000e+00> : vector<1x128xf32>
      %dot_general3A_818 = tpu.matmul %max3A_811, %get3A_816, %dot_general3A_817 {dimension_numbers = #tpu.dot_dimension_numbers<[1], [0], [0], [1], [0, 0, 1, 1], [], []>, transpose_lhs_hint = false} : vector<1x256xf32>, vector<256x128xf32>, vector<1x128xf32> -> vector<1x128xf32>
      %get3A_819 = arith.index_cast %select_n3A_377 : i32 to index
      %get3A_820 = arith.constant 0 : index
      %get3A_821 = arith.constant 0 : index
      %get3A_822 = vector.load %arg21[%get3A_819, %get3A_820, %get3A_821] : memref<4x1x128xf32, #tpu.memory_space<vmem>>, vector<1x1x128xf32>
      %get3A_823 = vector.shape_cast %get3A_822 : vector<1x1x128xf32> to vector<1x128xf32>
      %add3A_824 = arith.addf %dot_general3A_818, %get3A_823 : vector<1x128xf32>
      %add3A_825 = arith.addf %add3A_795, %add3A_824 : vector<1x128xf32>
      %get3A_826 = arith.index_cast %select_n3A_377 : i32 to index
      %get3A_827 = arith.constant 0 : index
      %get3A_828 = arith.constant 0 : index
      %get3A_829 = vector.load %arg24[%get3A_826, %get3A_827, %get3A_828] : memref<4x1x128xf32, #tpu.memory_space<vmem>>, vector<1x1x128xf32>
      %get3A_830 = vector.shape_cast %get3A_829 : vector<1x1x128xf32> to vector<1x128xf32>
      %get3A_831 = arith.index_cast %select_n3A_377 : i32 to index
      %get3A_832 = arith.constant 0 : index
      %get3A_833 = arith.constant 0 : index
      %get3A_834 = vector.load %arg25[%get3A_831, %get3A_832, %get3A_833] : memref<4x1x128xf32, #tpu.memory_space<vmem>>, vector<1x1x128xf32>
      %get3A_835 = vector.shape_cast %get3A_834 : vector<1x1x128xf32> to vector<1x128xf32>
      %reduce_sum3A_836 = arith.constant dense<0.000000e+00> : vector<1xf32>
      %reduce_sum3A_837 = vector.multi_reduction <add>, %add3A_825, %reduce_sum3A_836 [1] : vector<1x128xf32> to vector<1xf32>
      %broadcast_in_dim3A_838 = vector.shape_cast %reduce_sum3A_837 : vector<1xf32> to vector<1x1xf32>
      %div3A_839 = arith.constant 1.280000e+02 : f32
      %div3A_840 = vector.broadcast %div3A_839 : f32 to vector<1x1xf32>
      %div3A_841 = arith.divf %broadcast_in_dim3A_838, %div3A_840 : vector<1x1xf32>
      %sub3A_842 = vector.broadcast %div3A_841 : vector<1x1xf32> to vector<1x128xf32>
      %sub3A_843 = arith.subf %add3A_825, %sub3A_842 : vector<1x128xf32>
      %sub3A_844 = vector.broadcast %div3A_841 : vector<1x1xf32> to vector<1x128xf32>
      %sub3A_845 = arith.subf %add3A_825, %sub3A_844 : vector<1x128xf32>
      %mul3A_846 = arith.mulf %sub3A_843, %sub3A_845 : vector<1x128xf32>
      %reduce_sum3A_847 = arith.constant dense<0.000000e+00> : vector<1xf32>
      %reduce_sum3A_848 = vector.multi_reduction <add>, %mul3A_846, %reduce_sum3A_847 [1] : vector<1x128xf32> to vector<1xf32>
      %broadcast_in_dim3A_849 = vector.shape_cast %reduce_sum3A_848 : vector<1xf32> to vector<1x1xf32>
      %div3A_850 = arith.constant 1.280000e+02 : f32
      %div3A_851 = vector.broadcast %div3A_850 : f32 to vector<1x1xf32>
      %div3A_852 = arith.divf %broadcast_in_dim3A_849, %div3A_851 : vector<1x1xf32>
      %sub3A_853 = vector.broadcast %div3A_841 : vector<1x1xf32> to vector<1x128xf32>
      %sub3A_854 = arith.subf %add3A_825, %sub3A_853 : vector<1x128xf32>
      %add3A_855 = arith.constant 9.99999974E-6 : f32
      %add3A_856 = vector.broadcast %add3A_855 : f32 to vector<1x1xf32>
      %add3A_857 = arith.addf %div3A_852, %add3A_856 : vector<1x1xf32>
      %sqrt3A_858 = math.sqrt %add3A_857 : vector<1x1xf32>
      %div3A_859 = vector.broadcast %sqrt3A_858 : vector<1x1xf32> to vector<1x128xf32>
      %div3A_860 = arith.divf %sub3A_854, %div3A_859 : vector<1x128xf32>
      %mul3A_861 = arith.mulf %div3A_860, %get3A_830 : vector<1x128xf32>
      %add3A_862 = arith.addf %mul3A_861, %get3A_835 : vector<1x128xf32>
      %convert_element_type3A_863 = arith.truncf %add3A_862 : vector<1x128xf32> to vector<1x128xbf16>
      %broadcast_in_dim3A_864 = vector.shape_cast %convert_element_type3A_863 : vector<1x128xbf16> to vector<1x128xbf16>
      %broadcast_in_dim3A_865 = vector.broadcast %broadcast_in_dim3A_864 : vector<1x128xbf16> to vector<96x128xbf16>
      %get3A_866 = arith.index_cast %select_n3A_377 : i32 to index
      %get3A_867 = arith.constant 0 : index
      %get3A_868 = arith.constant 0 : index
      %get3A_869 = arith.constant 0 : index
      %get3A_870 = vector.load %arg26[%get3A_866, %get3A_867, %get3A_868, %get3A_869] : memref<4x96x64x128xbf16, #tpu.memory_space<vmem>>, vector<1x96x64x128xbf16>
      %get3A_871 = vector.shape_cast %get3A_870 : vector<1x96x64x128xbf16> to vector<96x64x128xbf16>
      %dot_general3A_872 = arith.constant dense<0.000000e+00> : vector<96x64xf32>
      %dot_general3A_873 = tpu.matmul %broadcast_in_dim3A_865, %get3A_871, %dot_general3A_872 {dimension_numbers = #tpu.dot_dimension_numbers<[1], [2], [], [1], [0, 0, 1, 1], [0], [0]>, transpose_lhs_hint = false} : vector<96x128xbf16>, vector<96x64x128xbf16>, vector<96x64xf32> -> vector<96x64xf32>
      %get3A_874 = arith.index_cast %select_n3A_377 : i32 to index
      %get3A_875 = arith.constant 0 : index
      %get3A_876 = arith.constant 0 : index
      %get3A_877 = vector.load %arg27[%get3A_874, %get3A_875, %get3A_876] : memref<4x96x64xf32, #tpu.memory_space<vmem>>, vector<1x96x64xf32>
      %get3A_878 = vector.shape_cast %get3A_877 : vector<1x96x64xf32> to vector<96x64xf32>
      %add3A_879 = arith.addf %dot_general3A_873, %get3A_878 : vector<96x64xf32>
      %convert_element_type3A_880 = arith.truncf %add3A_879 : vector<96x64xf32> to vector<96x64xbf16>
      %get3A_881 = arith.constant 0 : index
      %get3A_882 = arith.constant 0 : index
      %get3A_883 = vector.load %arg29[%get3A_881, %get3A_882] : memref<64x4096xbf16, #tpu.memory_space<vmem>>, vector<64x4096xbf16>
      %dot_general3A_884 = arith.constant dense<0.000000e+00> : vector<96x4096xf32>
      %dot_general3A_885 = tpu.matmul %convert_element_type3A_880, %get3A_883, %dot_general3A_884 {dimension_numbers = #tpu.dot_dimension_numbers<[1], [0], [0], [1], [0, 0, 1, 1], [], []>, transpose_lhs_hint = false} : vector<96x64xbf16>, vector<64x4096xbf16>, vector<96x4096xf32> -> vector<96x4096xf32>
      %add3A_886 = arith.addf %add3A_667, %dot_general3A_885 : vector<96x4096xf32>
      %swap3A_887 = arith.constant 0 : index
      %swap3A_888 = arith.constant 0 : index
      %swap3A_889 = vector.load %arg33[%swap3A_887, %swap3A_888] : memref<96x4096xf32, #tpu.memory_space<vmem>>, vector<96x4096xf32>
      tpu.vector_store %arg33[%swap3A_887, %swap3A_888], %add3A_886 {strides = array<i32>} : memref<96x4096xf32, #tpu.memory_space<vmem>>, vector<96x4096xf32>,
    } else {
    }
    %get3A_692 = arith.constant 0 : index
    %get3A_693 = arith.constant 0 : index
    %get3A_694 = vector.load %arg33[%get3A_692, %get3A_693] : memref<96x4096xf32, #tpu.memory_space<vmem>>, vector<96x4096xf32>
    %mul3A_695 = vector.broadcast %get3A_353 : f32 to vector<96x4096xf32>
    %mul3A_696 = arith.mulf %get3A_694, %mul3A_695 : vector<96x4096xf32>
    %add3A_697 = arith.addf %get3A_3, %mul3A_341 : vector<96x4096xf32>
    %add3A_698 = arith.addf %add3A_697, %mul3A_696 : vector<96x4096xf32>
    %swap3A_699 = arith.constant 0 : index
    %swap3A_700 = arith.constant 0 : index
    %swap3A_701 = arith.constant 0 : index
    %swap3A_702 = vector.load %arg31[%swap3A_699, %swap3A_700, %swap3A_701] : memref<1x96x4096xf32, #tpu.memory_space<vmem>>, vector<1x96x4096xf32>
    %swap3A_703 = vector.shape_cast %swap3A_702 : vector<1x96x4096xf32> to vector<96x4096xf32>
    %swap3A_704 = vector.shape_cast %add3A_698 : vector<96x4096xf32> to vector<1x96x4096xf32>
    tpu.vector_store %arg31[%swap3A_699, %swap3A_700, %swap3A_701], %swap3A_704 {strides = array<i32>} : memref<1x96x4096xf32, #tpu.memory_space<vmem>>, vector<1x96x4096xf32>,
    %eq3A_705 = arith.constant 0 : i32
    %eq3A_706 = arith.cmpi eq, %arg0, %eq3A_705 : i32
    %convert_element_type3A_707 = arith.extui %eq3A_706 : i1 to i32
    %cond3A_708 = arith.constant 0 : i32
    %cond3A_709 = arith.cmpi ne, %convert_element_type3A_707, %cond3A_708 : i32
    scf.if %cond3A_709 {
      %get3A_710 = arith.constant 0 : index
      %get3A_711 = arith.constant 0 : index
      %get3A_712 = arith.constant 0 : index
      %get3A_713 = vector.load %arg30[%get3A_710, %get3A_711, %get3A_712] : memref<1x1x16xf32, #tpu.memory_space<vmem>>, vector<1x1x16xf32>
      %get3A_714 = vector.shape_cast %get3A_713 : vector<1x1x16xf32> to vector<1x16xf32>
      %add3A_715 = arith.constant 9.99999971E-10 : f32
      %add3A_716 = vector.broadcast %add3A_715 : f32 to vector<1x16xf32>
      %add3A_717 = arith.addf %get3A_714, %add3A_716 : vector<1x16xf32>
      %log3A = math.log %add3A_717 : vector<1x16xf32>
      %mul3A_718 = arith.mulf %get3A_714, %log3A : vector<1x16xf32>
      %reduce_sum3A = arith.constant dense<0.000000e+00> : vector<1xf32>
      %reduce_sum3A_719 = vector.multi_reduction <add>, %mul3A_718, %reduce_sum3A [1] : vector<1x16xf32> to vector<1xf32>
      %broadcast_in_dim3A_720 = vector.shape_cast %reduce_sum3A_719 : vector<1xf32> to vector<1x1xf32>
      %neg3A = arith.constant 0.000000e+00 : f32
      %neg3A_721 = vector.broadcast %neg3A : f32 to vector<1x1xf32>
      %neg3A_722 = arith.subf %neg3A_721, %broadcast_in_dim3A_720 : vector<1x1xf32>
      %div3A_723 = arith.constant 8.000000e+00 : f32
      %div3A_724 = vector.broadcast %div3A_723 : f32 to vector<1x1xf32>
      %div3A_725 = arith.divf %neg3A_722, %div3A_724 : vector<1x1xf32>
      %swap3A_726 = arith.constant 0 : index
      %swap3A_727 = arith.constant 0 : index
      %swap3A_728 = vector.load %arg32[%swap3A_726, %swap3A_727] : memref<1x1xf32, #tpu.memory_space<vmem>>, vector<1x1xf32>
      tpu.vector_store %arg32[%swap3A_726, %swap3A_727], %div3A_725 {strides = array<i32>} : memref<1x1xf32, #tpu.memory_space<vmem>>, vector<1x1xf32>,
    } else {
    }
    return
  }
  func.func @transform_0(%arg0: i32, %arg1: memref<16xi32, #tpu.memory_space<smem>>, %arg2: memref<16xf32, #tpu.memory_space<smem>>) -> (i32, i32, i32) {
    %c0_i32 = arith.constant 0 : i32
    %c0_i32_0 = arith.constant 0 : i32
    %c0_i32_1 = arith.constant 0 : i32
    return %arg0, %c0_i32, %c0_i32_0 : i32, i32, i32
  }
  func.func @transform_1(%arg0: i32, %arg1: memref<16xi32, #tpu.memory_space<smem>>, %arg2: memref<16xf32, #tpu.memory_space<smem>>) -> (i32, i32, i32) {
    %c0_i32 = arith.constant 0 : i32
    %c0_i32_0 = arith.constant 0 : i32
    %c0_i32_1 = arith.constant 0 : i32
    %c0_i32_2 = arith.constant 0 : i32
    return %c0_i32, %c0_i32_0, %c0_i32_1 : i32, i32, i32
  }
  func.func @transform_2(%arg0: i32, %arg1: memref<16xi32, #tpu.memory_space<smem>>, %arg2: memref<16xf32, #tpu.memory_space<smem>>) -> (i32, i32, i32) {
    %c0_i32 = arith.constant 0 : i32
    %c0_i32_0 = arith.constant 0 : i32
    %c0_i32_1 = arith.constant 0 : i32
    %c0_i32_2 = arith.constant 0 : i32
    return %c0_i32, %c0_i32_0, %c0_i32_1 : i32, i32, i32
  }
  func.func @transform_3(%arg0: i32, %arg1: memref<16xi32, #tpu.memory_space<smem>>, %arg2: memref<16xf32, #tpu.memory_space<smem>>) -> (i32, i32, i32) {
    %c0_i32 = arith.constant 0 : i32
    %c0_i32_0 = arith.constant 0 : i32
    %c0_i32_1 = arith.constant 0 : i32
    %c0_i32_2 = arith.constant 0 : i32
    return %c0_i32, %c0_i32_0, %c0_i32_1 : i32, i32, i32
  }
  func.func @transform_4(%arg0: i32, %arg1: memref<16xi32, #tpu.memory_space<smem>>, %arg2: memref<16xf32, #tpu.memory_space<smem>>) -> (i32, i32, i32) {
    %c0_i32 = arith.constant 0 : i32
    %c0_i32_0 = arith.constant 0 : i32
    %c0_i32_1 = arith.constant 0 : i32
    %c0_i32_2 = arith.constant 0 : i32
    return %c0_i32, %c0_i32_0, %c0_i32_1 : i32, i32, i32
  }
  func.func @transform_5(%arg0: i32, %arg1: memref<16xi32, #tpu.memory_space<smem>>, %arg2: memref<16xf32, #tpu.memory_space<smem>>) -> (i32, i32, i32) {
    %c0_i32 = arith.constant 0 : i32
    %c0_i32_0 = arith.constant 0 : i32
    %c0_i32_1 = arith.constant 0 : i32
    %c0_i32_2 = arith.constant 0 : i32
    return %c0_i32, %c0_i32_0, %c0_i32_1 : i32, i32, i32
  }
  func.func @transform_6(%arg0: i32, %arg1: memref<16xi32, #tpu.memory_space<smem>>, %arg2: memref<16xf32, #tpu.memory_space<smem>>) -> (i32, i32, i32) {
    %c0_i32 = arith.constant 0 : i32
    %c0_i32_0 = arith.constant 0 : i32
    %c0_i32_1 = arith.constant 0 : i32
    %c0_i32_2 = arith.constant 0 : i32
    return %c0_i32, %c0_i32_0, %c0_i32_1 : i32, i32, i32
  }
  func.func @transform_7(%arg0: i32, %arg1: memref<16xi32, #tpu.memory_space<smem>>, %arg2: memref<16xf32, #tpu.memory_space<smem>>) -> (i32, i32, i32) {
    %c0_i32 = arith.constant 0 : i32
    %c0_i32_0 = arith.constant 0 : i32
    %c0_i32_1 = arith.constant 0 : i32
    %c0_i32_2 = arith.constant 0 : i32
    return %c0_i32, %c0_i32_0, %c0_i32_1 : i32, i32, i32
  }
  func.func @transform_8(%arg0: i32, %arg1: memref<16xi32, #tpu.memory_space<smem>>, %arg2: memref<16xf32, #tpu.memory_space<smem>>) -> (i32, i32, i32) {
    %c0_i32 = arith.constant 0 : i32
    %c0_i32_0 = arith.constant 0 : i32
    %c0_i32_1 = arith.constant 0 : i32
    %c0_i32_2 = arith.constant 0 : i32
    return %c0_i32, %c0_i32_0, %c0_i32_1 : i32, i32, i32
  }
  func.func @transform_9(%arg0: i32, %arg1: memref<16xi32, #tpu.memory_space<smem>>, %arg2: memref<16xf32, #tpu.memory_space<smem>>) -> (i32, i32, i32, i32) {
    %c0_i32 = arith.constant 0 : i32
    %c0_i32_0 = arith.constant 0 : i32
    %c0_i32_1 = arith.constant 0 : i32
    %c0_i32_2 = arith.constant 0 : i32
    %c0_i32_3 = arith.constant 0 : i32
    return %c0_i32, %c0_i32_0, %c0_i32_1, %c0_i32_2 : i32, i32, i32, i32
  }
  func.func @transform_10(%arg0: i32, %arg1: memref<16xi32, #tpu.memory_space<smem>>, %arg2: memref<16xf32, #tpu.memory_space<smem>>) -> (i32, i32, i32) {
    %c0_i32 = arith.constant 0 : i32
    %c0_i32_0 = arith.constant 0 : i32
    %c0_i32_1 = arith.constant 0 : i32
    %c0_i32_2 = arith.constant 0 : i32
    return %c0_i32, %c0_i32_0, %c0_i32_1 : i32, i32, i32
  }
  func.func @transform_11(%arg0: i32, %arg1: memref<16xi32, #tpu.memory_space<smem>>, %arg2: memref<16xf32, #tpu.memory_space<smem>>) -> (i32, i32, i32) {
    %c0_i32 = arith.constant 0 : i32
    %c0_i32_0 = arith.constant 0 : i32
    %c0_i32_1 = arith.constant 0 : i32
    %c0_i32_2 = arith.constant 0 : i32
    return %c0_i32, %c0_i32_0, %c0_i32_1 : i32, i32, i32
  }
  func.func @transform_12(%arg0: i32, %arg1: memref<16xi32, #tpu.memory_space<smem>>, %arg2: memref<16xf32, #tpu.memory_space<smem>>) -> (i32, i32, i32) {
    %c0_i32 = arith.constant 0 : i32
    %c0_i32_0 = arith.constant 0 : i32
    %c0_i32_1 = arith.constant 0 : i32
    %c0_i32_2 = arith.constant 0 : i32
    return %c0_i32, %c0_i32_0, %c0_i32_1 : i32, i32, i32
  }
  func.func @transform_13(%arg0: i32, %arg1: memref<16xi32, #tpu.memory_space<smem>>, %arg2: memref<16xf32, #tpu.memory_space<smem>>) -> (i32, i32, i32) {
    %c0_i32 = arith.constant 0 : i32
    %c0_i32_0 = arith.constant 0 : i32
    %c0_i32_1 = arith.constant 0 : i32
    %c0_i32_2 = arith.constant 0 : i32
    return %c0_i32, %c0_i32_0, %c0_i32_1 : i32, i32, i32
  }
  func.func @transform_14(%arg0: i32, %arg1: memref<16xi32, #tpu.memory_space<smem>>, %arg2: memref<16xf32, #tpu.memory_space<smem>>) -> (i32, i32, i32) {
    %c0_i32 = arith.constant 0 : i32
    %c0_i32_0 = arith.constant 0 : i32
    %c0_i32_1 = arith.constant 0 : i32
    %c0_i32_2 = arith.constant 0 : i32
    return %c0_i32, %c0_i32_0, %c0_i32_1 : i32, i32, i32
  }
  func.func @transform_15(%arg0: i32, %arg1: memref<16xi32, #tpu.memory_space<smem>>, %arg2: memref<16xf32, #tpu.memory_space<smem>>) -> (i32, i32, i32) {
    %c0_i32 = arith.constant 0 : i32
    %c0_i32_0 = arith.constant 0 : i32
    %c0_i32_1 = arith.constant 0 : i32
    %c0_i32_2 = arith.constant 0 : i32
    return %c0_i32, %c0_i32_0, %c0_i32_1 : i32, i32, i32
  }
  func.func @transform_16(%arg0: i32, %arg1: memref<16xi32, #tpu.memory_space<smem>>, %arg2: memref<16xf32, #tpu.memory_space<smem>>) -> (i32, i32, i32) {
    %c0_i32 = arith.constant 0 : i32
    %c0_i32_0 = arith.constant 0 : i32
    %c0_i32_1 = arith.constant 0 : i32
    %c0_i32_2 = arith.constant 0 : i32
    return %c0_i32, %c0_i32_0, %c0_i32_1 : i32, i32, i32
  }
  func.func @transform_17(%arg0: i32, %arg1: memref<16xi32, #tpu.memory_space<smem>>, %arg2: memref<16xf32, #tpu.memory_space<smem>>) -> (i32, i32, i32) {
    %c0_i32 = arith.constant 0 : i32
    %c0_i32_0 = arith.constant 0 : i32
    %c0_i32_1 = arith.constant 0 : i32
    %c0_i32_2 = arith.constant 0 : i32
    return %c0_i32, %c0_i32_0, %c0_i32_1 : i32, i32, i32
  }
  func.func @transform_18(%arg0: i32, %arg1: memref<16xi32, #tpu.memory_space<smem>>, %arg2: memref<16xf32, #tpu.memory_space<smem>>) -> (i32, i32, i32) {
    %c0_i32 = arith.constant 0 : i32
    %c0_i32_0 = arith.constant 0 : i32
    %c0_i32_1 = arith.constant 0 : i32
    %c0_i32_2 = arith.constant 0 : i32
    return %c0_i32, %c0_i32_0, %c0_i32_1 : i32, i32, i32
  }
  func.func @transform_19(%arg0: i32, %arg1: memref<16xi32, #tpu.memory_space<smem>>, %arg2: memref<16xf32, #tpu.memory_space<smem>>) -> (i32, i32, i32) {
    %c0_i32 = arith.constant 0 : i32
    %c0_i32_0 = arith.constant 0 : i32
    %c0_i32_1 = arith.constant 0 : i32
    %c0_i32_2 = arith.constant 0 : i32
    return %c0_i32, %c0_i32_0, %c0_i32_1 : i32, i32, i32
  }
  func.func @transform_20(%arg0: i32, %arg1: memref<16xi32, #tpu.memory_space<smem>>, %arg2: memref<16xf32, #tpu.memory_space<smem>>) -> (i32, i32, i32) {
    %c0_i32 = arith.constant 0 : i32
    %c0_i32_0 = arith.constant 0 : i32
    %c0_i32_1 = arith.constant 0 : i32
    %c0_i32_2 = arith.constant 0 : i32
    return %c0_i32, %c0_i32_0, %c0_i32_1 : i32, i32, i32
  }
  func.func @transform_21(%arg0: i32, %arg1: memref<16xi32, #tpu.memory_space<smem>>, %arg2: memref<16xf32, #tpu.memory_space<smem>>) -> (i32, i32, i32) {
    %c0_i32 = arith.constant 0 : i32
    %c0_i32_0 = arith.constant 0 : i32
    %c0_i32_1 = arith.constant 0 : i32
    %c0_i32_2 = arith.constant 0 : i32
    return %c0_i32, %c0_i32_0, %c0_i32_1 : i32, i32, i32
  }
  func.func @transform_22(%arg0: i32, %arg1: memref<16xi32, #tpu.memory_space<smem>>, %arg2: memref<16xf32, #tpu.memory_space<smem>>) -> (i32, i32, i32) {
    %c0_i32 = arith.constant 0 : i32
    %c0_i32_0 = arith.constant 0 : i32
    %c0_i32_1 = arith.constant 0 : i32
    %c0_i32_2 = arith.constant 0 : i32
    return %c0_i32, %c0_i32_0, %c0_i32_1 : i32, i32, i32
  }
  func.func @transform_23(%arg0: i32, %arg1: memref<16xi32, #tpu.memory_space<smem>>, %arg2: memref<16xf32, #tpu.memory_space<smem>>) -> (i32, i32, i32, i32) {
    %c0_i32 = arith.constant 0 : i32
    %c0_i32_0 = arith.constant 0 : i32
    %c0_i32_1 = arith.constant 0 : i32
    %c0_i32_2 = arith.constant 0 : i32
    %c0_i32_3 = arith.constant 0 : i32
    return %c0_i32, %c0_i32_0, %c0_i32_1, %c0_i32_2 : i32, i32, i32, i32
  }
  func.func @transform_24(%arg0: i32, %arg1: memref<16xi32, #tpu.memory_space<smem>>, %arg2: memref<16xf32, #tpu.memory_space<smem>>) -> (i32, i32, i32) {
    %c0_i32 = arith.constant 0 : i32
    %c0_i32_0 = arith.constant 0 : i32
    %c0_i32_1 = arith.constant 0 : i32
    %c0_i32_2 = arith.constant 0 : i32
    return %c0_i32, %c0_i32_0, %c0_i32_1 : i32, i32, i32
  }
  func.func @transform_25(%arg0: i32, %arg1: memref<16xi32, #tpu.memory_space<smem>>, %arg2: memref<16xf32, #tpu.memory_space<smem>>) -> (i32, i32) {
    %c0_i32 = arith.constant 0 : i32
    %c0_i32_0 = arith.constant 0 : i32
    %c0_i32_1 = arith.constant 0 : i32
    return %c0_i32, %c0_i32_0 : i32, i32
  }
  func.func @transform_26(%arg0: i32, %arg1: memref<16xi32, #tpu.memory_space<smem>>, %arg2: memref<16xf32, #tpu.memory_space<smem>>) -> (i32, i32) {
    %c0_i32 = arith.constant 0 : i32
    %c0_i32_0 = arith.constant 0 : i32
    %c0_i32_1 = arith.constant 0 : i32
    return %c0_i32, %c0_i32_0 : i32, i32
  }
  func.func @transform_27(%arg0: i32, %arg1: memref<16xi32, #tpu.memory_space<smem>>, %arg2: memref<16xf32, #tpu.memory_space<smem>>) -> (i32, i32, i32) {
    %c0_i32 = arith.constant 0 : i32
    %c0_i32_0 = arith.constant 0 : i32
    %c0_i32_1 = arith.constant 0 : i32
    %c0_i32_2 = arith.constant 0 : i32
    return %c0_i32, %c0_i32_0, %c0_i32_1 : i32, i32, i32
  }
  func.func @transform_28(%arg0: i32, %arg1: memref<16xi32, #tpu.memory_space<smem>>, %arg2: memref<16xf32, #tpu.memory_space<smem>>) -> (i32, i32, i32) {
    %c0_i32 = arith.constant 0 : i32
    %c0_i32_0 = arith.constant 0 : i32
    %c0_i32_1 = arith.constant 0 : i32
    return %arg0, %c0_i32, %c0_i32_0 : i32, i32, i32
  }
  func.func @transform_29(%arg0: i32, %arg1: memref<16xi32, #tpu.memory_space<smem>>, %arg2: memref<16xf32, #tpu.memory_space<smem>>) -> (i32, i32) {
    %c0_i32 = arith.constant 0 : i32
    %c0_i32_0 = arith.constant 0 : i32
    %c0_i32_1 = arith.constant 0 : i32
    return %c0_i32, %c0_i32_0 : i32, i32
  }
}

</mosaic_0001>

<sc_bundles>
// kernel: kernel.5.cloned.1.call-start
scs
__scs_entry_jumppad:
0x0: {  	(pc) =	sbr.rel $0x88, $3  }
0x1: {  	(tag) =	ssettag $0x0;
	lr =	simm.s32 $0x1  }
0x2: {  	[smem:$0x3EDB] =	sst lr;
	_ =	strace $0xD0000000  }
0x3: {  	_ = 	snop  }
0x4: {  	_ = 	snop  }
0x5: {  	_ = 	snop  }
0x6: {  	_ = 	snop  }
0x7: {  	_ = 	snop  }
__scs_overlays_trampoline_lowered:
0x8: {  	[smem:$0x3EEA] =	sst s0  }
0x9: {  	[smem:$0x3EEB] =	sst s1  }
0xa: {  	[smem:$0x3EEC] =	sst s2  }
0xb: {  	[smem:$0x3EED] =	sst s3  }
0xc: {  	[smem:$0x3EEE] =	sst s4  }
0xd: {  	[smem:$0x3EEF] =	sst s5  }
0xe: {  	[smem:$0x3EF0] =	sst s6  }
0xf: {  	[smem:$0x3EF1] =	sst s7  }
0x10: {  	[smem:$0x3EF2] =	sst s8  }
0x11: {  	[smem:$0x3EF3] =	sst s9;
	s0 =	simm.s32 @!p0 $0x0  }
0x12: {  	s1 =	sld [smem:$0x3ED9];
	s0 =	simm.s32 @p0 $0x1  }
0x13: {  	[smem:$0x3EF4] =	sst s0;
	s0 =	simm.s32 @!p1 $0x0  }
0x14: {  	s2 =	sld [smem:$0x3ED8];
	s0 =	simm.s32 @p1 $0x1  }
0x15: {  	[smem:$0x3EF5] =	sst s0;
	s0 =	simm.s32 @!p2 $0x0  }
0x16: {  	s3 =	sld [smem:$0x3FDB];
	s0 =	simm.s32 @p2 $0x1  }
0x17: {  	s4 =	simm.s32 $0x1BF5;
	[smem:$0x3EF7] =	sst s0  }
0x18: {  	s0 =	sld [smem:$0x3EDA];
	_ =	swait.ge [sflag:s4], $0x0  }
0x19: {  	s7 =	sld [smem:$0x3EDB]  }
0x1a: {  	s8 =	sadd.s32 $0xFFFFE003, lr  }
0x1b: {  	s9 =	sadd.s32 $0xFFFFFEF7, lr;
	s5 =	simm.s32 $0xFFFFFFFF;
	p2 =	slt.u32 s8, $0xFFFFF086  }
0x1c: {  	p1 =	slt.u32 s9, $0xF7A;
	s5 =	simm.s32 @!p2 $0x0  }
0x1d: {  	s5 =	simm.s32 @p1 $0x1;
	p0 =	seq.s32 s7, s2  }
0x1e: {  	s7 =	smul.u32 @!p0 $0xF7A, s2;
	p2 =	seq.s32 @!p0 s5, $0x0  }
0x1f: {  	s9 =	smul.u32 $0xF7A, s1;
	s8 =	simm.s32 @!p0 $0x1BF5;
	p2 =	por !p2, p0  }
0x20: {  	[sflag:s8] =	ssyncset.s32 @!p0 $0xFFFFF086;
	s6 =	sadd.s32 @!p0 s3, s7;
	s7 =	simm.s32 @!p0 $0x108  }
0x21: {  	s3 =	sadd.s32 s3, s9;
	s6 =	sadd.s32 @!p0 $0x88, s6;
	s7 =	simm.s32 @p2 $0x1082  }
0x22: {  	[simem:s7], [sflag:s8] =	dma.local @!p0 [hbm:s6], $0xF7A  }
0x23: {  	s9 =	sor.u32 $0xD0000000, s2;
	s6 =	simm.s32 $0x108;
	_ =	swait.ge @!p0 [sflag:s8], $0x0  }
0x24: {  	s3 =	sadd.s32 $0x88, s3;
	s6 =	simm.s32 @!p1 $0x1082;
	[sflag:s4] =	ssyncset.s32 $0xFFFFF086  }
0x25: {  	[simem:s6], [sflag:s4] =	dma.local [hbm:s3], $0xF7A  }
0x26: {  	[smem:$0x3EDB] =	sst s1;
	(tag) =	ssettag s2;
	_ =	strace s9  }
0x27: {  	s1 =	sld [smem:$0x3EEB]  }
0x28: {  	s2 =	sld [smem:$0x3EEC]  }
0x29: {  	s4 =	sld [smem:$0x3EEE]  }
0x2a: {  	p0 =	seq.s32 s5, $0x0;
	s5 =	sld [smem:$0x3EEF]  }
0x2b: {  	s6 =	sld [smem:$0x3EF0]  }
0x2c: {  	s7 =	sld [smem:$0x3EF1]  }
0x2d: {  	s3 =	simm.s32 $0x108;
	s8 =	sld [smem:$0x3EF2]  }
0x2e: {  	s3 =	simm.s32 @!p0 $0x1082;
	s9 =	sld [smem:$0x3EF3]  }
0x2f: {  	lr =	sadd.s32 s0, s3;
	s0 =	sld [smem:$0x3EEA]  }
0x30: {  	s3 =	sld [smem:$0x3EED]  }
0x31: {  	[smem:$0x3EF6] =	sst s10  }
0x32: {  	s10 =	sld [smem:$0x3EF4];
	_ =	sdelay $0x3  }
0x33: {  	p0 =	seq.s32 s10, $0x1;
	s10 =	sld [smem:$0x3EF6];
	_ =	sdelay $0x3  }
0x34: {  	[smem:$0x3EF6] =	sst s10  }
0x35: {  	s10 =	sld [smem:$0x3EF5];
	_ =	sdelay $0x3  }
0x36: {  	p1 =	seq.s32 s10, $0x1;
	s10 =	sld [smem:$0x3EF6];
	_ =	sdelay $0x3  }
0x37: {  	[smem:$0x3EF6] =	sst s10  }
0x38: {  	s10 =	sld [smem:$0x3EF7]  }
0x39: {  	_ = 	snop;
	(pc) =	sbr.ind lr, $3  }
0x3a: {  	_ = 	snop  }
0x3b: {  	_ = 	snop  }
0x3c: {  	p2 =	seq.s32 s10, $0x1;
	s10 =	sld [smem:$0x3EF6]  }
0x3d: {  	_ =	shalt  }
0x3e: {  	_ =	shalt  }
0x3f: {  	_ =	shalt  }
0x40: {  	_ =	shalt  }
0x41: {  	_ =	shalt  }
0x42: {  	_ =	shalt  }
0x43: {  	_ =	shalt  }
0x44: {  	_ =	shalt  }
0x45: {  	_ =	shalt  }
0x46: {  	_ =	shalt  }
0x47: {  	_ =	shalt  }
0x48: {  	_ =	shalt  }
0x49: {  	_ =	shalt  }
0x4a: {  	_ =	shalt  }
0x4b: {  	_ =	shalt  }
0x4c: {  	_ =	shalt  }
0x4d: {  	_ =	shalt  }
0x4e: {  	_ =	shalt  }
0x4f: {  	_ =	shalt  }
0x50: {  	_ =	shalt  }
0x51: {  	_ =	shalt  }
0x52: {  	_ =	shalt  }
0x53: {  	_ =	shalt  }
0x54: {  	_ =	shalt  }
0x55: {  	_ =	shalt  }
0x56: {  	_ =	shalt  }
0x57: {  	_ =	shalt  }
0x58: {  	_ =	shalt  }
0x59: {  	_ =	shalt  }
0x5a: {  	_ =	shalt  }
0x5b: {  	_ =	shalt  }
0x5c: {  	_ =	shalt  }
0x5d: {  	_ =	shalt  }
0x5e: {  	_ =	shalt  }
0x5f: {  	_ =	shalt  }
0x60: {  	_ =	shalt  }
0x61: {  	_ =	shalt  }
0x62: {  	_ =	shalt  }
0x63: {  	_ =	shalt  }
0x64: {  	_ =	shalt  }
0x65: {  	_ =	shalt  }
0x66: {  	_ =	shalt  }
0x67: {  	_ =	shalt  }
0x68: {  	_ =	shalt  }
0x69: {  	_ =	shalt  }
0x6a: {  	_ =	shalt  }
0x6b: {  	_ =	shalt  }
0x6c: {  	_ =	shalt  }
0x6d: {  	_ =	shalt  }
0x6e: {  	_ =	shalt  }
0x6f: {  	_ =	shalt  }
0x70: {  	_ =	shalt  }
0x71: {  	_ =	shalt  }
0x72: {  	_ =	shalt  }
0x73: {  	_ =	shalt  }
0x74: {  	_ =	shalt  }
0x75: {  	_ =	shalt  }
0x76: {  	_ =	shalt  }
0x77: {  	_ =	shalt  }
0x78: {  	_ =	shalt  }
0x79: {  	_ =	shalt  }
0x7a: {  	_ =	shalt  }
0x7b: {  	_ =	shalt  }
0x7c: {  	_ =	shalt  }
0x7d: {  	_ =	shalt  }
0x7e: {  	_ =	shalt  }
0x7f: {  	_ =	shalt  }
0x80: {  	_ =	shalt  }
0x81: {  	_ =	shalt  }
0x82: {  	_ =	shalt  }
0x83: {  	_ =	shalt  }
0x84: {  	_ =	shalt  }
0x85: {  	_ =	shalt  }
0x86: {  	_ =	shalt  }
0x87: {  	_ =	shalt  }
.Lfunc_end0:
.L_simem_size_0:
called_computation_lowered:
.L_overlay_start_0:
0x88: {  	s2 =	sld [smem:$0x3FD9]  }
0x89: {  	s3 =	sld [smem:$0x3FFE];
	_ =	sdelay $0x1  }
0x8a: {  	s1 =	srdreg.scid  }
0x8b: {  	s0 =	sand.u32 $0x1, s1  }
0x8c: {  	s14 =	sshll.u32 s0, $0xA;
	s2 =	sadd.s32 s3, s2  }
0x8d: {  	s2 =	sadd.s32 s2, s14  }
0x8e: {  	[smem:$0x3F02] =	sst s2  }
0x8f: {  	_ = 	snop  }
0x90: {  	s2 =	sld [smem:$0x3FD0];
	_ =	sdelay $0x2  }
0x91: {  	s15 =	simm.s32 $0xA;
	s4 =	simm.s32 $0x10  }
0x92: {  	[smem:s4], [sflag:s15] =	dma.local [hbm:s2], $0x1  }
0x93: {  	_ =	swait.eq [sflag:s15], $0x1  }
0x94: {  	s16 =	sld [smem:$0x11];
	[sflag:s15] =	ssyncset.done $0x0  }
0x95: {  	s17 =	sld [smem:$0x12];
	[sflag:s15] =	ssyncadd.s32 $0xFFFFFFFF  }
0x96: {  	s18 =	sld [smem:$0x13];
	(tm) =	ssettm $0x1  }
0x97: {  	s5 =	sld [smem:$0x3FFB];
	_ =	sdelay $0x3  }
0x98: {  	_ =	strace s5  }
0x99: {  	s5 =	sld [smem:$0x3FFC];
	_ =	sdelay $0x3  }
0x9a: {  	_ =	strace s5  }
0x9b: {  	s5 =	sld [smem:$0x3FFD];
	_ =	sdelay $0x3  }
0x9c: {  	_ =	strace s5  }
0x9d: {  	_ =	strace $0x8FFFFFFF  }
0x9e: {  	s19 =	sld [smem:$0x3FDB];
	_ =	sdelay $0x1  }
0x9f: {  	s6 =	simm.s32 $_scs_section_size  }
0xa0: {  	s7 =	simm.s32 $_size__tile_overlayer_lowered;
	s8 =	simm.s32 $_tile_overlayer_lowered  }
0xa1: {  	s22 =	simm.s32 $0x1BFF;
	s21 =	sshll.u32 s8, $0x1;
	s5 =	sadd.s32 s6, s19  }
0xa2: {  	s9 =	simm.s32 $0x0;
	s20 =	sshll.u32 s7, $0x1;
	s7 =	sadd.s32 s21, s5  }
0xa3: {  	[timem:s9], [sflag:s22] =	dma.local [hbm:s7], s20  }
0xa4: {  	_ =	swait.ge [sflag:s22], s20  }
0xa5: {  	s6 =	ssub.s32 $0x0, s20;
	[sflag:s22] =	ssyncset.done $0x0  }
0xa6: {  	[sflag:s22] =	ssyncadd.s32 s6;
	_ =	sdelay $0x1  }
0xa7: {  	s23 =	simm.s32 $0x1B8B  }
0xa8: {  	_ =	swait.ge [sflag:s23], $0x1  }
0xa9: {  	[sflag:s23] =	ssyncset.done $0x0  }
0xaa: {  	s25 =	simm.s32 $0x1B8E;
	s24 =	sld [smem:$0x3FFE];
	[sflag:s23] =	ssyncadd.s32 $0xFFFFFFFF  }
0xab: {  	s26 =	simm.s32 $execute0_lowered;
	[smem:$0x3FD2] =	sst s25  }
0xac: {  	s7 =	sshll.u32 s26, $0x1;
	_ =	strace $0x80000046;
	[dreg:$0x1] =	wrdreg $0xFFFFFFFF  }
0xad: {  	s28 =	simm.s32 $_size_execute0_lowered;
	s5 =	sadd.s32 s5, s7;
	[dreg:$0x0] =	wrdreg $0x0  }
0xae: {  	s7 =	sshll.u32 s28, $0x1;
	[dreg:$0x2] =	wrdreg s5  }
0xaf: {  	[dreg:$0x3] =	wrdreg s7  }
0xb0: {  	[dreg:$0x4] =	wrdreg $0xC0  }
0xb1: {  	_ =	task [dreg:s9], $0x5FFFF  }
0xb2: {  	[dreg:$0x1] =	wrdreg $0xFFFFFFFF  }
0xb3: {  	[dreg:$0x0] =	wrdreg $0x60  }
0xb4: {  	[dreg:$0x2] =	wrdreg s24  }
0xb5: {  	[dreg:$0x3] =	wrdreg s17  }
0xb6: {  	[dreg:$0x4] =	wrdreg s18  }
0xb7: {  	[dreg:$0x5] =	wrdreg s16  }
0xb8: {  	[dreg:$0x6] =	wrdreg $0x9  }
0xb9: {  	_ =	task.clear_ibuf [dreg:s9], $0x7FFFF;
	_ =	strace $0x90000046  }
0xba: {  	s29 =	simm.s32 $0x9;
	_ =	strace $0x80000048  }
0xbb: {  	_ =	swait.ge [sflag:s29], $0x1  }
0xbc: {  	[sflag:s29] =	ssyncadd.s32 $0xFFFFFFFF  }
0xbd: {  	_ =	strace $0x90000048  }
0xbe: {  	_ =	sfence  }
0xbf: {  	s30 =	sld [smem:$0x0];
	_ =	sdelay $0x2  }
0xc0: {  	s31 =	sshll.u32 s1, $0xD;
	s1 =	sshrl.u32 s1, $0x2  }
0xc1: {  	s3 =	sand.u32 $0x4000, s31;
	s1 =	sadd.s32 s1, s30  }
0xc2: {  	s0 =	sor.u32 s3, s0;
	s1 =	sshll.u32 s1, $0x11  }
0xc3: {  	s0 =	sor.u32 s1, s0  }
0xc4: {  	s0 =	sadd.s32 $0x8F2B, s0  }
0xc5: {  	[sflag:s0] =	ssyncadd.remote.s32 $0x1  }
0xc6: {  	_ =	sfence.sel $0xFFFF  }
0xc7: {  	[dreg:$0x0] =	wrdreg $0xFFFFFFFF;
	(pc) =	sbr.abs _section_cstart, $3  }
0xc8: {  	[dreg:$0x1] =	wrdreg $0xFFFFFFFF  }
0xc9: {  	_ =	task.clear_ibuf [dreg:s9], $0x2FFFF;
	_ =	strace $0x9FFFFFFF  }
0xca: {  	(tm) =	ssettm $0x7FFFFFFF  }
0xcb: {  	_ =	shalt  }
tec
execute0_lowered:
.L_overlay_start_1:
0x0: {  	(tag) =	ssettag $0x1  }
0x1: {  	s0 =	srdreg.scid  }
0x2: {  	s6 =	sand.u32 $0x1, s0;
	s0 =	stileid.u32  }
0x3: {  	s7 =	sor.u32 s0, s6  }
0x4: {  	p0 =	sne.s32 s7, $0x0  }
.Ltmp0:
0x5: {  	s5 =	rddreg [dreg:$0x0];
	(pc) =	sbr.rel @p0 .LBB2_3-.Ltmp0, $4  }
0x6: {  	s1 =	rddreg [dreg:$0x1]  }
0x7: {  	s3 =	rddreg [dreg:$0x2]  }
0x8: {  	s4 =	rddreg [dreg:$0x3]  }
0x9: {  	s2 =	rddreg [dreg:$0x4];
	_ =	strace $0x80000047  }
0xa: {  	v0 =	vimm.s32 $0xEFCDAB89  }
0xb: {  	v1 =	vimm.s32 $0x67452301;
	v2 =	vimm.s32 $0xDCFE98BA;
	v3 =	vimm.s32 $0x54761032  }
0xc: {  	v4 =	vimm.s32 $0xBA98FEDC;
	v5 =	vimm.s32 $0x32107654;
	v6 =	vimm.s32 $0xFEDCBA98  }
0xd: {  	v7 =	vimm.s32 $0x76543210;
	v0 =	vunpack.c.l.s4.s8 v0;
	v1 =	vunpack.c.l.s4.s8 v1  }
0xe: {  	v2 =	vunpack.c.l.s4.s8 v2;
	v3 =	vunpack.c.l.s4.s8 v3;
	v4 =	vunpack.c.l.s4.s8 v4  }
0xf: {  	v5 =	vunpack.c.l.s4.s8 v5;
	v6 =	vunpack.c.l.s4.s8 v6;
	v0 =	vunpack.c.0.s8.s32 v0  }
0x10: {  	v1 =	vunpack.c.0.s8.s32 v1;
	v2 =	vunpack.c.0.s8.s32 v2;
	v3 =	vunpack.c.0.s8.s32 v3  }
0x11: {  	v7 =	vunpack.c.l.s4.s8 v7;
	v4 =	vunpack.c.0.s8.s32 v4;
	v5 =	vunpack.c.0.s8.s32 v5  }
0x12: {  	v0 =	vcombine.low v1, v0;
	v1 =	vcombine.low v3, v2;
	v2 =	vunpack.c.0.s8.s32 v6  }
0x13: {  	v3 =	vcombine.low v5, v4;
	v4 =	vunpack.c.0.s8.s32 v7  }
0x14: {  	vm0 =	vmmov $0x1;
	v5 =	vand.u32 $0xF, v2  }
0x15: {  	v2 =	vand.u32 $0xF, v3;
	v3 =	vcombine.low v5, v4;
	v5 =	vimm.s32 $0x0  }
0x16: {  	v5 =	vsel vm0, $0xFFFFFFFF, v5  }
0x17: {  	vm0 =	vmmov $0x3;
	[tilespmem:$0x1FF90] =	vst v5;
	v5 =	vimm.s32 $0x0  }
0x18: {  	v5 =	vsel vm0, $0xFFFFFFFF, v5  }
0x19: {  	vm0 =	vmmov $0x7;
	[tilespmem:$0x1FFA0] =	vst v5;
	v5 =	vimm.s32 $0x0  }
0x1a: {  	v5 =	vsel vm0, $0xFFFFFFFF, v5  }
0x1b: {  	vm0 =	vmmov $0xf;
	[tilespmem:$0x1FFB0] =	vst v5;
	v5 =	vimm.s32 $0x0  }
0x1c: {  	v5 =	vsel vm0, $0xFFFFFFFF, v5  }
0x1d: {  	vm0 =	vmmov $0x1f;
	[tilespmem:$0x1FFC0] =	vst v5;
	v5 =	vimm.s32 $0x0  }
0x1e: {  	vm7 =	vmmov $0xff;
	vm8 =	vmmov $0x1ff;
	v5 =	vsel vm0, $0xFFFFFFFF, v5  }
0x1f: {  	vm9 =	vmmov $0x3ff;
	vm0 =	vmmov $0x3f;
	[tilespmem:$0x1FFD0] =	vst v5;
	v5 =	vimm.s32 $0x0  }
0x20: {  	vm10 =	vmmov $0x7ff;
	vm11 =	vmmov $0xfff;
	v5 =	vsel vm0, $0xFFFFFFFF, v5  }
0x21: {  	s6 =	ssub.s32 $0x2, s6;
	s5 =	sadd.s32 $0x15E00, s5;
	s8 =	simm.s32 $0x1;
	vm12 =	vmmov $0x1fff;
	vm0 =	vmmov $0x7f;
	[tilespmem:$0x1FFE0] =	vst v5;
	v5 =	vimm.s32 $0x0  }
0x22: {  	vm13 =	vmmov $0x3fff;
	vm14 =	vmmov $0x7fff;
	s9 =	simm.s32 $0x400;
	s10 =	simm.s32 $0x480;
	s7 =	sshrl.u32 s6, $0x1;
	v5 =	vsel vm0, $0xFFFFFFFF, v5  }
0x23: {  	s11 =	simm.s32 $0x500;
	s6 =	ssub.s32 s6, s7;
	s7 =	simm.s32 $0x0;
	v0 =	vand.u32 $0xF, v0;
	v1 =	vand.u32 $0xF, v1;
	v4 =	vlaneseq.u32;
	[tilespmem:$0x1FFF0] =	vst v5  }
.LBB2_2:
0x24: {  	[tilespmem:s7], [sflag:$0x1] =	stream.linear.gather [hbm4b:s5+s7], $0x400, $0x38;
	[tilespmem:$0x580] =	vst v63  }
0x25: {  	_ =	swait.ge [sflag:s8], $0x400  }
0x26: {  	[sflag:s8] =	ssyncset.done $0x0  }
0x27: {  	[sflag:s8] =	ssyncadd.s32 $0xFFFFFC00  }
0x28: {  	v6 =	vld [tilespmem:$0x0];
	_ =	sdelay $0x4  }
0x29: {  	v5 =	vperm.xlane v6, v0;
	_ =	sdelay $0x1  }
0x2a: {  	v5 =	vmax.f32 v6, v5  }
0x2b: {  	v7 =	vperm.xlane v5, v1;
	_ =	sdelay $0x1  }
0x2c: {  	v5 =	vmax.f32 v5, v7  }
0x2d: {  	v7 =	vperm.xlane v5, v2;
	_ =	sdelay $0x1  }
0x2e: {  	v5 =	vmax.f32 v5, v7  }
0x2f: {  	v7 =	vperm.xlane v5, v3;
	_ =	sdelay $0x1  }
0x30: {  	v5 =	vmax.f32 v5, v7  }
0x31: {  	vm0 =	veq.f32 v6, v5  }
0x32: {  	v7 =	vnsel vm0, $0x10, v4  }
0x33: {  	v8 =	vperm.xlane v7, v0  }
0x34: {  	v9 =	vld [tilespmem:$0x80]  }
0x35: {  	vm0 =	vlt.s32 v7, v8  }
0x36: {  	v7 =	vsel vm0, v7, v8  }
0x37: {  	v8 =	vperm.xlane v7, v1;
	_ =	sdelay $0x1  }
0x38: {  	v10 =	vperm.xlane v9, v0;
	vm0 =	vlt.s32 v7, v8  }
0x39: {  	v7 =	vsel vm0, v7, v8  }
0x3a: {  	v10 =	vmax.f32 v9, v10;
	v8 =	vperm.xlane v7, v2  }
0x3b: {  	v11 =	vperm.xlane v10, v1  }
0x3c: {  	vm0 =	vlt.s32 v7, v8  }
0x3d: {  	v13 =	vld [tilespmem:$0x100];
	v24 =	vmax.f32 v10, v11;
	v7 =	vsel vm0, v7, v8  }
0x3e: {  	v11 =	vperm.xlane v24, v2;
	v25 =	vperm.xlane v7, v3;
	_ =	sdelay $0x1  }
0x3f: {  	v8 =	vmax.f32 v24, v11;
	vm0 =	vlt.s32 v7, v25  }
0x40: {  	v26 =	vperm.xlane v8, v3;
	v7 =	vsel vm0, v7, v25  }
0x41: {  	v27 =	vperm.xlane v13, v0;
	vm2 =	veq.s32 v7, v4  }
0x42: {  	v12 =	vsel vm2, $0xC0000000, v6;
	v6 =	vmax.f32 v8, v26  }
0x43: {  	v17 =	vld [tilespmem:$0x180];
	v29 =	vmax.f32 v13, v27;
	vm0 =	veq.f32 v9, v6  }
0x44: {  	v14 =	vperm.xlane v29, v1;
	v28 =	vperm.xlane v12, v0;
	v30 =	vnsel vm0, $0x10, v4  }
0x45: {  	v15 =	vperm.xlane v30, v0  }
0x46: {  	v10 =	vmax.f32 v29, v14;
	v8 =	vmax.f32 v12, v28  }
0x47: {  	v14 =	vperm.xlane v10, v2;
	v16 =	vperm.xlane v8, v1;
	vm0 =	vlt.s32 v30, v15  }
0x48: {  	v18 =	vperm.xlane v17, v0;
	v11 =	vsel vm0, v30, v15  }
0x49: {  	v10 =	vmax.f32 v10, v14;
	v8 =	vmax.f32 v8, v16;
	v32 =	vperm.xlane v11, v1  }
0x4a: {  	v34 =	vmax.f32 v17, v18;
	v14 =	vperm.xlane v10, v3;
	v31 =	vperm.xlane v8, v2  }
0x4b: {  	v18 =	vperm.xlane v34, v1;
	vm0 =	vlt.s32 v11, v32  }
0x4c: {  	v15 =	vmax.f32 v8, v31;
	v8 =	vmax.f32 v10, v14;
	v11 =	vsel vm0, v11, v32  }
0x4d: {  	v19 =	vperm.xlane v15, v3;
	vm0 =	veq.f32 v13, v8;
	v33 =	vperm.xlane v11, v2  }
0x4e: {  	v38 =	vmax.f32 v34, v18;
	v35 =	vnsel vm0, $0x10, v4  }
0x4f: {  	v10 =	vmax.f32 v15, v19;
	v36 =	vperm.xlane v35, v0;
	vm1 =	vlt.s32 v11, v33  }
0x50: {  	v18 =	vperm.xlane v38, v2;
	vm0 =	veq.f32 v12, v10;
	v11 =	vsel vm1, v11, v33  }
0x51: {  	v37 =	vnsel vm0, $0x10, v4;
	vm0 =	vlt.s32 v35, v36;
	v39 =	vperm.xlane v11, v3  }
0x52: {  	v20 =	vperm.xlane v37, v0;
	v12 =	vsel vm0, v35, v36  }
0x53: {  	v14 =	vmax.f32 v38, v18;
	v15 =	vperm.xlane v12, v1;
	vm0 =	vlt.s32 v11, v39  }
0x54: {  	v40 =	vperm.xlane v14, v3;
	vm1 =	vlt.s32 v37, v20;
	v11 =	vsel vm0, v11, v39  }
0x55: {  	v41 =	vsel vm1, v37, v20;
	vm0 =	vlt.s32 v12, v15;
	vm1 =	veq.s32 v11, v4  }
0x56: {  	v27 =	vld [tilespmem:$0x280];
	v12 =	vsel vm0, v12, v15;
	v42 =	vsel vm1, $0xC0000000, v9  }
0x57: {  	v9 =	vmax.f32 v14, v40;
	v15 =	vperm.xlane v12, v2;
	v43 =	vperm.xlane v42, v0  }
0x58: {  	v44 =	vperm.xlane v41, v1;
	vm0 =	veq.f32 v17, v9  }
0x59: {  	v45 =	vnsel vm0, $0x10, v4;
	vm0 =	vlt.s32 v12, v15;
	v14 =	vmax.f32 v42, v43  }
0x5a: {  	v21 =	vperm.xlane v45, v0;
	v12 =	vsel vm0, v12, v15;
	v22 =	vperm.xlane v14, v1  }
0x5b: {  	v30 =	vperm.xlane v27, v0;
	vm0 =	vlt.s32 v41, v44;
	v15 =	vperm.xlane v12, v3  }
0x5c: {  	v16 =	vsel vm0, v41, v44;
	vm3 =	vlt.s32 v45, v21;
	v14 =	vmax.f32 v14, v22  }
0x5d: {  	v46 =	vsel vm3, v45, v21;
	vm0 =	vlt.s32 v12, v15;
	v47 =	vperm.xlane v14, v2  }
0x5e: {  	v37 =	vmax.f32 v27, v30;
	v21 =	vperm.xlane v46, v1;
	v12 =	vsel vm0, v12, v15  }
0x5f: {  	v38 =	vperm.xlane v37, v1;
	vm15 =	veq.s32 v12, v4;
	v14 =	vmax.f32 v14, v47  }
0x60: {  	vm0 =	vlt.s32 v46, v21;
	v50 =	vsel vm15, $0xC0000000, v13;
	v49 =	vperm.xlane v14, v3  }
0x61: {  	v59 =	vadd.f32 $0.0e+00, v5;
	v18 =	vsel vm0, v46, v21;
	v51 =	vperm.xlane v50, v0  }
0x62: {  	v41 =	vmax.f32 v37, v38;
	v23 =	vperm.xlane v18, v2;
	v13 =	vmax.f32 v14, v49  }
0x63: {  	v48 =	vperm.xlane v16, v2;
	v52 =	vmax.f32 v50, v51;
	vm3 =	veq.f32 v42, v13  }
0x64: {  	vm4 =	vlt.s32 v18, v23;
	v54 =	vperm.xlane v52, v1;
	v53 =	vnsel vm3, $0x10, v4  }
0x65: {  	v22 =	vld [tilespmem:$0x200];
	vm0 =	vlt.s32 v16, v48;
	v18 =	vsel vm4, v18, v23;
	v55 =	vperm.xlane v53, v0  }
0x66: {  	v21 =	vnsel vm2, $0x0, v59;
	v56 =	vperm.xlane v18, v3;
	v19 =	vmax.f32 v52, v54  }
0x67: {  	v16 =	vsel vm0, v16, v48;
	v24 =	vperm.xlane v19, v2;
	vm0 =	vlt.s32 v53, v55  }
0x68: {  	v57 =	vperm.xlane v16, v3;
	vm3 =	vlt.s32 v18, v56;
	v15 =	vsel vm0, v53, v55  }
0x69: {  	v14 =	vsel vm3, v18, v56;
	v19 =	vmax.f32 v19, v24;
	v58 =	vperm.xlane v15, v1  }
0x6a: {  	v61 =	vperm.xlane v22, v0;
	vm0 =	veq.s32 v14, v4;
	v24 =	vperm.xlane v19, v3  }
0x6b: {  	vm4 =	vlt.s32 v16, v57;
	v25 =	vsel vm0, $0xC0000000, v17;
	vm3 =	vlt.s32 v15, v58  }
0x6c: {  	v60 =	vperm.xlane v25, v0;
	v18 =	vsel vm3, v15, v58;
	v15 =	vmax.f32 v19, v24  }
0x6d: {  	v17 =	vsel vm4, v16, v57;
	v19 =	vmax.f32 v22, v61;
	vm2 =	veq.f32 v50, v15  }
0x6e: {  	v16 =	vmax.f32 v25, v60;
	v62 =	vperm.xlane v18, v2;
	v32 =	vperm.xlane v19, v1  }
0x6f: {  	v63 =	vnsel vm2, $0x10, v4;
	v31 =	vperm.xlane v16, v1;
	vm2 =	veq.s32 v17, v4  }
0x70: {  	v26 =	vperm.xlane v63, v0;
	vm3 =	vlt.s32 v18, v62;
	v19 =	vmax.f32 v19, v32  }
0x71: {  	v24 =	vnsel vm2, $0x0, v10;
	v16 =	vmax.f32 v16, v31;
	v35 =	vperm.xlane v19, v2;
	v31 =	vld [tilespmem:$0x300]  }
0x72: {  	v28 =	vsel vm3, v18, v62;
	vm3 =	vlt.s32 v63, v26;
	v33 =	vperm.xlane v16, v2  }
0x73: {  	v29 =	vperm.xlane v28, v3;
	v34 =	vsel vm3, v63, v26;
	v18 =	vmax.f32 v19, v35  }
0x74: {  	v23 =	vperm.xlane v34, v1;
	v16 =	vmax.f32 v16, v33;
	v19 =	vperm.xlane v18, v3  }
0x75: {  	vm2 =	vlt.s32 v28, v29;
	v33 =	vperm.xlane v41, v2;
	v36 =	vperm.xlane v16, v3  }
0x76: {  	vm3 =	vlt.s32 v34, v23;
	v18 =	vmax.f32 v18, v19;
	v42 =	vperm.xlane v31, v0  }
0x77: {  	v19 =	vmax.f32 v41, v33;
	v16 =	vmax.f32 v16, v36;
	v20 =	vsel vm3, v34, v23  }
0x78: {  	v45 =	vperm.xlane v19, v3;
	vm3 =	veq.f32 v25, v16;
	v39 =	vperm.xlane v20, v2  }
0x79: {  	v36 =	vld [tilespmem:$0x380];
	v23 =	vmax.f32 v31, v42;
	v40 =	vnsel vm3, $0x10, v4;
	vm3 =	veq.f32 v22, v18  }
0x7a: {  	v44 =	vperm.xlane v23, v1;
	v43 =	vperm.xlane v40, v0;
	v32 =	vnsel vm3, $0x10, v4  }
0x7b: {  	v25 =	vsel vm2, v28, v29;
	v19 =	vmax.f32 v19, v45;
	v34 =	vperm.xlane v32, v0  }
0x7c: {  	vm3 =	vlt.s32 v20, v39;
	v23 =	vmax.f32 v23, v44;
	vm4 =	vlt.s32 v40, v43  }
0x7d: {  	v47 =	vperm.xlane v23, v2;
	v26 =	vsel vm4, v40, v43;
	vm4 =	vlt.s32 v32, v34  }
0x7e: {  	v38 =	vperm.xlane v36, v0;
	v35 =	vperm.xlane v26, v1;
	v32 =	vsel vm4, v32, v34  }
0x7f: {  	v34 =	vsel vm3, v20, v39;
	vm4 =	veq.f32 v27, v19;
	v49 =	vmax.f32 v23, v47  }
0x80: {  	v58 =	vmax.f32 v36, v38;
	v46 =	vperm.xlane v32, v1;
	v48 =	vnsel vm4, $0x10, v4  }
0x81: {  	v52 =	vperm.xlane v49, v3;
	vm3 =	vlt.s32 v26, v35;
	v51 =	vperm.xlane v48, v0  }
0x82: {  	v38 =	vperm.xlane v58, v1;
	vm5 =	vlt.s32 v32, v46;
	v26 =	vsel vm3, v26, v35  }
0x83: {  	v20 =	vmax.f32 v49, v52;
	v50 =	vsel vm5, v32, v46;
	vm3 =	vlt.s32 v48, v51  }
0x84: {  	v53 =	vperm.xlane v50, v2;
	v30 =	vsel vm3, v48, v51;
	vm3 =	veq.f32 v31, v20  }
0x85: {  	v33 =	vperm.xlane v34, v3;
	v54 =	vperm.xlane v30, v1;
	v55 =	vnsel vm3, $0x10, v4  }
0x86: {  	v60 =	vmax.f32 v58, v38;
	vm4 =	vlt.s32 v50, v53;
	v57 =	vperm.xlane v55, v0  }
0x87: {  	v37 =	vperm.xlane v26, v2;
	v23 =	vsel vm4, v50, v53;
	vm3 =	vlt.s32 v30, v54  }
0x88: {  	v56 =	vperm.xlane v23, v3;
	v30 =	vsel vm3, v30, v54;
	vm3 =	vlt.s32 v55, v57  }
0x89: {  	vm5 =	vlt.s32 v34, v33;
	vm2 =	vlt.s32 v26, v37;
	v29 =	vsel vm3, v55, v57  }
0x8a: {  	v32 =	vperm.xlane v30, v2;
	vm4 =	vlt.s32 v23, v56;
	v59 =	vperm.xlane v29, v1  }
0x8b: {  	v61 =	vperm.xlane v60, v2;
	v37 =	vsel vm2, v26, v37;
	v23 =	vsel vm4, v23, v56  }
0x8c: {  	vm3 =	vlt.s32 v30, v32;
	vm2 =	veq.s32 v23, v4;
	vm4 =	vlt.s32 v29, v59  }
0x8d: {  	v30 =	vsel vm3, v30, v32;
	v28 =	vsel vm4, v29, v59;
	v62 =	vsel vm2, $0xC0000000, v22  }
0x8e: {  	v63 =	vperm.xlane v30, v3;
	v29 =	vmax.f32 v60, v61;
	v44 =	vperm.xlane v28, v2  }
0x8f: {  	v33 =	vsel vm5, v34, v33;
	v39 =	vperm.xlane v62, v0;
	v40 =	vperm.xlane v29, v3  }
0x90: {  	v45 =	vperm.xlane v37, v3;
	vm3 =	vlt.s32 v30, v63;
	vm4 =	vlt.s32 v28, v44  }
0x91: {  	v39 =	vmax.f32 v62, v39;
	v26 =	vsel vm3, v30, v63;
	v22 =	vmax.f32 v29, v40  }
0x92: {  	v28 =	vsel vm4, v28, v44;
	vm4 =	veq.s32 v26, v4;
	v47 =	vperm.xlane v39, v1  }
0x93: {  	vm3 =	veq.f32 v36, v22;
	v46 =	vperm.xlane v28, v3;
	v48 =	vsel vm4, $0xC0000000, v27  }
0x94: {  	vm5 =	vlt.s32 v37, v45;
	v41 =	vnsel vm3, $0x10, v4;
	v49 =	vperm.xlane v48, v0  }
0x95: {  	v29 =	vmax.f32 v39, v47;
	v50 =	vperm.xlane v41, v0;
	vm6 =	vlt.s32 v28, v46  }
0x96: {  	v51 =	vperm.xlane v29, v2;
	v27 =	vsel vm6, v28, v46;
	v52 =	vmax.f32 v48, v49  }
0x97: {  	v57 =	vnsel vm1, $0x0, v6;
	vm3 =	veq.s32 v27, v4;
	v40 =	vperm.xlane v52, v1  }
0x98: {  	vm6 =	vlt.s32 v41, v50;
	v29 =	vmax.f32 v29, v51;
	v31 =	vsel vm3, $0xC0000000, v31  }
0x99: {  	v55 =	vperm.xlane v29, v3;
	v53 =	vperm.xlane v31, v0;
	v54 =	vmax.f32 v52, v40  }
0x9a: {  	v37 =	vsel vm5, v37, v45;
	v28 =	vsel vm6, v41, v50;
	v40 =	vperm.xlane v54, v2  }
0x9b: {  	v41 =	vperm.xlane v28, v1;
	v29 =	vmax.f32 v29, v55;
	v34 =	vmax.f32 v31, v53  }
0x9c: {  	vm5 =	veq.f32 v62, v29;
	v56 =	vperm.xlane v34, v1;
	v30 =	vmax.f32 v54, v40  }
0x9d: {  	vm1 =	vlt.s32 v28, v41;
	v59 =	vnsel vm5, $0x10, v4;
	v40 =	vperm.xlane v30, v3  }
0x9e: {  	v28 =	vsel vm1, v28, v41;
	v61 =	vperm.xlane v59, v0;
	v34 =	vmax.f32 v34, v56  }
0x9f: {  	v60 =	vperm.xlane v28, v2;
	v58 =	vperm.xlane v34, v2;
	v30 =	vmax.f32 v30, v40  }
0xa0: {  	v21 =	vadd.f32 v24, v21;
	vm5 =	vlt.s32 v59, v61;
	vm1 =	veq.f32 v48, v30  }
0xa1: {  	v32 =	vmax.f32 v34, v58;
	v62 =	vnsel vm1, $0x10, v4;
	vm1 =	vlt.s32 v28, v60  }
0xa2: {  	v63 =	vperm.xlane v32, v3;
	v28 =	vsel vm1, v28, v60;
	v44 =	vperm.xlane v62, v0  }
0xa3: {  	v21 =	vadd.f32 v57, v21;
	v38 =	vsel vm5, v59, v61;
	v45 =	vperm.xlane v28, v3  }
0xa4: {  	v41 =	vperm.xlane v38, v1;
	v32 =	vmax.f32 v32, v63;
	vm1 =	vlt.s32 v62, v44  }
0xa5: {  	vm5 =	veq.f32 v31, v32;
	v46 =	vsel vm1, v62, v44;
	vm1 =	vlt.s32 v28, v45  }
0xa6: {  	v47 =	vnsel vm5, $0x10, v4;
	vm5 =	vlt.s32 v38, v41;
	v40 =	vperm.xlane v46, v1  }
0xa7: {  	v60 =	vnsel vm15, $0x0, v8;
	v28 =	vsel vm1, v28, v45;
	v48 =	vsel vm5, v38, v41  }
0xa8: {  	v49 =	vperm.xlane v47, v0;
	vm1 =	veq.s32 v28, v4;
	vm5 =	vlt.s32 v46, v40  }
0xa9: {  	v41 =	vperm.xlane v48, v2;
	v36 =	vsel vm1, $0xC0000000, v36;
	v31 =	vsel vm5, v46, v40  }
0xaa: {  	vm5 =	vlt.s32 v47, v49;
	v50 =	vperm.xlane v36, v0;
	v46 =	vnsel vm0, $0x0, v9  }
0xab: {  	vm0 =	veq.s32 v37, v4;
	v51 =	vperm.xlane v31, v2;
	v34 =	vsel vm5, v47, v49  }
0xac: {  	vm5 =	vlt.s32 v48, v41;
	v38 =	vperm.xlane v34, v1;
	v40 =	vmax.f32 v36, v50  }
0xad: {  	v35 =	vsel vm5, v48, v41;
	vm5 =	vlt.s32 v31, v51;
	v52 =	vperm.xlane v40, v1  }
0xae: {  	v53 =	vperm.xlane v35, v3;
	v24 =	vsel vm5, v31, v51;
	vm5 =	vlt.s32 v34, v38  }
0xaf: {  	v47 =	vnsel vm0, $0x0, v16;
	v51 =	vnsel vm2, $0x0, v18;
	v34 =	vsel vm5, v34, v38  }
0xb0: {  	v54 =	vmax.f32 v40, v52;
	vm5 =	vlt.s32 v35, v53;
	v55 =	vperm.xlane v34, v2  }
0xb1: {  	v40 =	vperm.xlane v54, v2;
	v31 =	vsel vm5, v35, v53;
	vm5 =	veq.s32 v25, v4  }
0xb2: {  	v63 =	vld [tilespmem:$0x1FF90];
	v56 =	vperm.xlane v24, v3;
	v57 =	vnsel vm5, $0x0, v13;
	vm5 =	vlt.s32 v34, v55  }
0xb3: {  	v38 =	vmax.f32 v54, v40;
	v21 =	vadd.f32 v57, v21;
	v34 =	vsel vm5, v34, v55  }
0xb4: {  	v45 =	vld [tilespmem:$0x1FFA0];
	vm5 =	vlt.s32 v24, v56;
	v58 =	vperm.xlane v38, v3;
	v59 =	vperm.xlane v34, v3  }
0xb5: {  	v55 =	vld [tilespmem:$0x1FFE0];
	v24 =	vsel vm5, v24, v56;
	vm5 =	veq.s32 v33, v4;
	v43 =	vadd.f32 v60, v21  }
0xb6: {  	v50 =	vld [tilespmem:$0x1FFC0];
	v38 =	vmax.f32 v38, v58;
	v61 =	vnsel vm5, $0x0, v15;
	vm5 =	vlt.s32 v34, v59  }
0xb7: {  	v48 =	vld [tilespmem:$0x1FFB0];
	vm6 =	veq.f32 v36, v38;
	v34 =	vsel vm5, v34, v59;
	vm5 =	vnez.u8 v63  }
0xb8: {  	v56 =	vnsel vm4, $0x0, v19;
	v62 =	vnsel vm6, $0x10, v4;
	v7 =	vsel vm5, v7, v17  }
0xb9: {  	v5 =	vsel vm5, v5, v10;
	v44 =	vperm.xlane v62, v0;
	vm5 =	vnez.u8 v45  }
0xba: {  	v10 =	vadd.f32 v61, v43;
	vm2 =	vnez.u8 v55;
	v7 =	vsel vm5, v7, v11  }
0xbb: {  	v53 =	vld [tilespmem:$0x1FFD0];
	v5 =	vsel vm5, v5, v6;
	vm5 =	vnez.u8 v50;
	vm0 =	vlt.s32 v62, v44  }
0xbc: {  	v6 =	vadd.f32 v46, v10;
	v17 =	vsel vm0, v62, v44;
	vm0 =	vnez.u8 v48  }
0xbd: {  	v7 =	vsel vm0, v7, v25;
	v5 =	vsel vm0, v5, v13;
	v49 =	vperm.xlane v17, v1  }
0xbe: {  	vm0 =	veq.s32 v31, v4;
	v6 =	vadd.f32 v47, v6;
	v7 =	vsel vm5, v7, v12  }
0xbf: {  	v58 =	vld [tilespmem:$0x1FFF0];
	v52 =	vnsel vm0, $0x0, v29;
	v5 =	vsel vm5, v5, v8;
	vm0 =	vlt.s32 v17, v49  }
0xc0: {  	v6 =	vadd.f32 v51, v6;
	v10 =	vsel vm0, v17, v49;
	vm0 =	vnez.u8 v53  }
0xc1: {  	v7 =	vsel vm0, v7, v33;
	v5 =	vsel vm0, v5, v15;
	v54 =	vperm.xlane v10, v2  }
0xc2: {  	vm0 =	veq.s32 v24, v4;
	v6 =	vadd.f32 v52, v6;
	v7 =	vsel vm2, v7, v14  }
0xc3: {  	v57 =	vnsel vm0, $0x0, v30;
	v5 =	vsel vm2, v5, v9;
	vm0 =	vlt.s32 v10, v54  }
0xc4: {  	v6 =	vadd.f32 v56, v6;
	v8 =	vsel vm0, v10, v54;
	vm0 =	vnez.u8 v58  }
0xc5: {  	v60 =	vnsel vm3, $0x0, v20;
	v7 =	vsel vm0, v7, v37;
	v5 =	vsel vm0, v5, v16  }
0xc6: {  	v59 =	vperm.xlane v8, v3;
	v6 =	vadd.f32 v57, v6;
	v7 =	vsel vm7, v7, v23  }
0xc7: {  	v62 =	vnsel vm1, $0x0, v22;
	v5 =	vsel vm7, v5, v18;
	v7 =	vsel vm8, v7, v31  }
0xc8: {  	v5 =	vsel vm8, v5, v29;
	vm0 =	vlt.s32 v8, v59;
	v6 =	vadd.f32 v60, v6  }
0xc9: {  	v7 =	vsel vm9, v7, v26;
	v8 =	vsel vm0, v8, v59;
	vm0 =	veq.s32 v34, v4  }
0xca: {  	v5 =	vsel vm9, v5, v19;
	v61 =	vnsel vm0, $0x0, v32;
	v7 =	vsel vm10, v7, v24  }
0xcb: {  	v5 =	vsel vm10, v5, v30;
	v7 =	vsel vm11, v7, v27;
	v6 =	vadd.f32 v61, v6  }
0xcc: {  	vm0 =	veq.s32 v8, v4;
	v5 =	vsel vm11, v5, v20;
	v7 =	vsel vm12, v7, v34  }
0xcd: {  	v5 =	vsel vm12, v5, v32;
	v7 =	vsel vm13, v7, v28;
	v6 =	vadd.f32 v62, v6  }
0xce: {  	v63 =	vnsel vm0, $0x0, v38;
	v5 =	vsel vm13, v5, v22;
	v7 =	vsel vm14, v7, v8  }
0xcf: {  	v5 =	vsel vm14, v5, v38;
	v6 =	vadd.f32 v63, v6;
	[tilespmem:$0x400] =	vst v7  }
0xd0: {  	[tilespmem:$0x480] =	vst v5  }
0xd1: {  	[tilespmem:$0x500] =	vst v6  }
0xd2: {  	[hbm4b:s1+s7] =	stream.linear.scatter [tilespmem:s9], [sflag:$0x1], $0x80, $0x38;
	[tilespmem:$0x580] =	vst v63  }
0xd3: {  	_ =	swait.ge [sflag:s8], $0x80  }
0xd4: {  	[sflag:s8] =	ssyncset.done $0x0  }
0xd5: {  	[sflag:s8] =	ssyncadd.s32 $0xFFFFFF80  }
0xd6: {  	[hbm4b:s3+s7] =	stream.linear.scatter [tilespmem:s10], [sflag:$0x1], $0x80, $0x38;
	[tilespmem:$0x580] =	vst v63  }
0xd7: {  	_ =	swait.ge [sflag:s8], $0x80  }
0xd8: {  	p0 =	sne.s32 s6, $0x1;
	[sflag:s8] =	ssyncset.done $0x0  }
.Ltmp1:
0xd9: {  	[sflag:s8] =	ssyncadd.s32 $0xFFFFFF80;
	(pc) =	sbr.rel @p0 .LBB2_2-.Ltmp1, $4  }
0xda: {  	[hbm4b:s4+s7] =	stream.linear.scatter [tilespmem:s11], [sflag:$0x1], $0x80, $0x38;
	[tilespmem:$0x580] =	vst v63  }
0xdb: {  	_ =	swait.ge [sflag:s8], $0x80  }
0xdc: {  	[sflag:s8] =	ssyncset.done $0x0  }
0xdd: {  	s6 =	sadd.s32 $0xFFFFFFFF, s6;
	[sflag:s8] =	ssyncadd.s32 $0xFFFFFF80  }
.LBB2_3:
0xde: {  	_ =	sfence.sel $0x180000  }
0xdf: {  	[bflag:$0x0] =	sbarrier.arrive $0xFFFF  }
0xe0: {  	p0 =	sne.s32 s0, $0x0;
	_ =	strace $0x90000047  }
0xe1: {  	s0 =	sadd.s32 @!p0 $0x100000, s2;
	[bflag:$0x2] =	sbarrier.arrive $0xFFFF  }
0xe2: {  	[sflag:s0] =	ssyncadd.tile.s32 @!p0 $0x1;
	_ =	shalt  }
.Lfunc_end2:
_tile_overlayer_lowered:
.L_overlay_start_2:
0xe3: {  	(tag) =	ssettag $0x2  }
0xe4: {  	s0 =	rddreg [dreg:$0x0];
	s2 =	stileid.u32  }
0xe5: {  	s1 =	rddreg [dreg:$0x1];
	p0 =	sne.s32 s2, $0x0  }
0xe6: {  	s3 =	rddreg [dreg:$0x2];
	[bflag:$0x3] =	sbarrier.arrive $0xFFFF;
	s2 =	simm.s32 @!p0 $0x1C01  }
0xe7: {  	[timem:s3], [sflag:s2] =	dma.local @!p0 [hbm:s0], s1  }
0xe8: {  	s0 =	simm.s32 @!p0 $0x1  }
0xe9: {  	_ =	swait.ge @!p0 [sflag:s0], s1  }
0xea: {  	s1 =	ssub.s32 @!p0 $0x0, s1;
	[sflag:s0] =	ssyncset.done @!p0 $0x0  }
0xeb: {  	[sflag:s0] =	ssyncadd.s32 @!p0 s1  }
0xec: {  	[bflag:$0x3] =	sbarrier.arrive $0xFFFF  }
0xed: {  	_ =	shalt  }

</sc_bundles>
